<compile_context>
chip_gen: v7x
topology: tpu7x:2x2x1
jax: 0.10.2.dev20260603
libtpu: 0.0.44.dev20260713+nightly
codegen_flags: <defaults>
</compile_context>

<pallas_src>
import functools
import jax
import jax.numpy as jnp
from jax import lax
from jax.experimental import pallas as pl
from jax.experimental.pallas import tpu as pltpu
from jax.experimental.pallas import tpu_sc as plsc

N = 10000
E = 320000
F = 128
H = 128
DE = 64
DO = 1
G = 128

NC = 2
NS = 16
NW = NC * NS
EW = E // NW
CH = 80
NCHUNK = EW // CH
RPT = 624
NTAIL = N - NS * RPT
NDEG = 10240
DPT = NDEG // NS

_SELU_ALPHA = 1.6732632423543772
_SELU_SCALE = 1.0507009873554805


def _selu(x):
    return _SELU_SCALE * jnp.where(
        x > 0, x, _SELU_ALPHA * (jnp.exp(jnp.minimum(x, 0.0)) - 1.0))


@functools.cache
def _mesh():
    return plsc.VectorSubcoreMesh(core_axis_name="c", subcore_axis_name="s",
                                  num_cores=NC, num_subcores=NS)




_DEG_LAG = 4


def _deg_body(dst_hbm, out_hbm, idxd_v, ones_v, z_v, acc, sem):
    c = lax.axis_index("c")
    s = lax.axis_index("s")
    wid = s * NC + c

    pltpu.sync_copy(dst_hbm.at[wid], idxd_v)

    @pl.loop(0, DPT, step=16)
    def _(i):
        z_v[pl.ds(i, 16)] = jnp.zeros((16,), jnp.float32)

    pltpu.sync_copy(z_v, acc.at[pl.ds(s * DPT, DPT)])

    @pl.loop(0, CH, step=16)
    def _(i):
        ones_v[pl.ds(i, 16)] = jnp.ones((16,), jnp.float32)

    plsc.subcore_barrier()

    @pl.loop(0, NCHUNK)
    def _(i):
        pltpu.async_copy(ones_v, acc.at[idxd_v.at[i]], sem, add=True)

        @pl.when(i >= _DEG_LAG)
        def _():
            pltpu.make_async_copy(ones_v, acc.at[idxd_v.at[0]], sem).wait()

    for _ in range(_DEG_LAG):
        pltpu.make_async_copy(ones_v, acc.at[idxd_v.at[0]], sem).wait()

    plsc.subcore_barrier()
    pltpu.sync_copy(
        acc.at[pl.ds(s * DPT, DPT)], out_hbm.at[c, pl.ds(s * DPT, DPT)]
    )


@functools.cache
def _deg_kernel():
    return pl.kernel(
        _deg_body,
        out_type=jax.ShapeDtypeStruct((NC, NDEG), jnp.float32),
        mesh=_mesh(),
        scratch_types=[
            pltpu.VMEM((NCHUNK, CH), jnp.int32),
            pltpu.VMEM((CH,), jnp.float32),
            pltpu.VMEM((DPT,), jnp.float32),
            pltpu.VMEM_SHARED((NDEG,), jnp.float32),
            pltpu.SemaphoreType.DMA,
        ],
    )




_NBUF = 3


def _agg_body(hs_hbm, src_hbm, dst_hbm, out_hbm, idxs_v, d0, d1, d2,
              b0, b1, b2, acc, sg0, sg1, sg2, sd0, sd1, sd2, ss0, ss1, ss2):
    c = lax.axis_index("c")
    s = lax.axis_index("s")
    wid = s * NC + c
    bufs = (b0, b1, b2)
    dbufs = (d0, d1, d2)
    sem_g = (sg0, sg1, sg2)
    sem_d = (sd0, sd1, sd2)
    sem_s = (ss0, ss1, ss2)

    pltpu.sync_copy(
        src_hbm.at[pl.ds(pl.multiple_of(wid * EW, 8), EW)], idxs_v)
    pltpu.sync_copy(
        hs_hbm.at[pl.ds(s * RPT, RPT)], acc.at[pl.ds(s * RPT, RPT)]
    )

    @pl.when(s == NS - 1)
    def _():
        pltpu.sync_copy(
            hs_hbm.at[pl.ds(NS * RPT, NTAIL)], acc.at[pl.ds(NS * RPT, NTAIL)]
        )

    plsc.subcore_barrier()

    def issue(k, j):
        pltpu.async_copy(dst_hbm.at[wid, k], dbufs[j], sem_d[j])
        off = pl.multiple_of(k * CH, 8)
        pltpu.async_copy(
            hs_hbm.at[idxs_v.at[pl.ds(off, CH)]], bufs[j], sem_g[j])

    def drain_and_scatter(j):
        pltpu.make_async_copy(dst_hbm.at[wid, 0], dbufs[j], sem_d[j]).wait()
        pltpu.make_async_copy(
            hs_hbm.at[idxs_v.at[pl.ds(0, CH)]], bufs[j], sem_g[j]).wait()
        pltpu.async_copy(bufs[j], acc.at[dbufs[j]], sem_s[j], add=True).wait()

    for j in range(_NBUF):
        issue(j, j)

    _T = ((NCHUNK - 1) // _NBUF) * _NBUF

    @pl.loop(0, _T, step=_NBUF)
    def _(i):
        for j in range(_NBUF):
            drain_and_scatter(j)

            @pl.when(i + j + _NBUF < NCHUNK)
            def _():
                issue(i + j + _NBUF, j)

    for k in range(_T, NCHUNK):
        drain_and_scatter(k % _NBUF)

    plsc.subcore_barrier()
    pltpu.sync_copy(
        acc.at[pl.ds(s * RPT, RPT)], out_hbm.at[c, pl.ds(s * RPT, RPT)]
    )

    @pl.when(s == NS - 1)
    def _():
        pltpu.sync_copy(
            acc.at[pl.ds(NS * RPT, NTAIL)],
            out_hbm.at[c, pl.ds(NS * RPT, NTAIL)],
        )


@functools.cache
def _agg_kernel():
    return pl.kernel(
        _agg_body,
        out_type=jax.ShapeDtypeStruct((NC, N, H), jnp.float32),
        mesh=_mesh(),
        scratch_types=(
            [pltpu.VMEM((EW,), jnp.int32)]
            + [pltpu.VMEM((CH,), jnp.int32)] * _NBUF
            + [pltpu.VMEM((CH, H), jnp.float32)] * _NBUF
            + [pltpu.VMEM_SHARED((N, H), jnp.float32)]
            + [pltpu.SemaphoreType.DMA] * (3 * _NBUF)
        ),
    )



RB = 1000
_PREC = None


def _mm_body(h_ref, W_ref, deg_ref, out_ref):
    p = jnp.dot(h_ref[...], W_ref[...], preferred_element_type=jnp.float32,
                precision=_PREC)
    out_ref[...] = p * lax.rsqrt(deg_ref[...] + 1.0)


def _mm(h, W, deg_col):
    return pl.pallas_call(
        _mm_body,
        grid=(N // RB,),
        in_specs=[
            pl.BlockSpec((RB, H), lambda i: (i, 0)),
            pl.BlockSpec((H, H), lambda i: (0, 0)),
            pl.BlockSpec((RB, 1), lambda i: (i, 0)),
        ],
        out_specs=pl.BlockSpec((RB, H), lambda i: (i, 0)),
        out_shape=jax.ShapeDtypeStruct((N, H), jnp.float32),
    )(h, W, deg_col)


def _varmm_body(h_ref, S_ref, gamma_ref, beta_ref, W_ref, deg_ref, out_ref,
                V_ref):
    p = pl.program_id(0)

    @pl.when(p == 0)
    def _():
        @pl.when(pl.program_id(1) == 0)
        def _():
            V_ref[...] = jnp.zeros_like(V_ref)

        d = h_ref[...] - S_ref[...] * (1.0 / N)
        V_ref[...] += jnp.sum(d * d, axis=0, keepdims=True)

    @pl.when(p == 1)
    def _():
        mu = S_ref[...] * (1.0 / N)
        a = gamma_ref[...] * lax.rsqrt(V_ref[...] * (1.0 / N) + 1e-5)
        cc = beta_ref[...] - mu * a
        hb = h_ref[...] * a + cc
        pr = jnp.dot(hb, W_ref[...], preferred_element_type=jnp.float32,
                     precision=_PREC)
        out_ref[...] = pr * lax.rsqrt(deg_ref[...] + 1.0)


def _varmm(h, S, gamma, beta, W, deg_col):
    return pl.pallas_call(
        _varmm_body,
        grid=(2, N // RB),
        in_specs=[
            pl.BlockSpec((RB, H), lambda p, i: (i, 0)),
            pl.BlockSpec((1, H), lambda p, i: (0, 0)),
            pl.BlockSpec((1, H), lambda p, i: (0, 0)),
            pl.BlockSpec((1, H), lambda p, i: (0, 0)),
            pl.BlockSpec((H, H), lambda p, i: (0, 0)),
            pl.BlockSpec((RB, 1), lambda p, i: (i, 0)),
        ],
        out_specs=pl.BlockSpec((RB, H), lambda p, i: (i, 0)),
        out_shape=jax.ShapeDtypeStruct((N, H), jnp.float32),
        scratch_shapes=[pltpu.VMEM((1, H), jnp.float32)],
    )(h, S, gamma.reshape(1, H), beta.reshape(1, H), W, deg_col)


def _post_body(acc_ref, hs_ref, deg_ref, b_ref, h_ref, S_ref):
    dinv = lax.rsqrt(deg_ref[...] + 1.0)
    u = dinv * (acc_ref[0] + acc_ref[1] - hs_ref[...]) + b_ref[...]
    h = _selu(u)
    h_ref[...] = h

    @pl.when(pl.program_id(0) == 0)
    def _():
        S_ref[...] = jnp.zeros_like(S_ref)

    S_ref[...] += jnp.sum(h, axis=0, keepdims=True)


def _post(acc, hs, deg_col, b):
    return pl.pallas_call(
        _post_body,
        grid=(N // RB,),
        in_specs=[
            pl.BlockSpec((NC, RB, H), lambda i: (0, i, 0)),
            pl.BlockSpec((RB, H), lambda i: (i, 0)),
            pl.BlockSpec((RB, 1), lambda i: (i, 0)),
            pl.BlockSpec((1, H), lambda i: (0, 0)),
        ],
        out_specs=[
            pl.BlockSpec((RB, H), lambda i: (i, 0)),
            pl.BlockSpec((1, H), lambda i: (0, 0)),
        ],
        out_shape=[
            jax.ShapeDtypeStruct((N, H), jnp.float32),
            jax.ShapeDtypeStruct((1, H), jnp.float32),
        ],
    )(acc, hs, deg_col, b)


def _post3_body(acc_ref, hs_ref, deg_ref, b_ref, batch_ref, W1_ref, b1_ref,
                W2_ref, b2_ref, out_ref, hg_ref):
    dinv = lax.rsqrt(deg_ref[...] + 1.0)
    u = dinv * (acc_ref[0] + acc_ref[1] - hs_ref[...]) + b_ref[...]
    h = jnp.maximum(u, 0.0)
    onehot = (batch_ref[...] == lax.broadcasted_iota(jnp.int32, (1, G), 1))
    contrib = lax.dot_general(
        onehot.astype(jnp.float32), h,
        dimension_numbers=(((0,), (0,)), ((), ())),
        preferred_element_type=jnp.float32,
        precision=lax.Precision.HIGHEST)

    i = pl.program_id(0)

    @pl.when(i == 0)
    def _():
        hg_ref[...] = jnp.zeros_like(hg_ref)

    hg_ref[...] += contrib

    @pl.when(i == N // RB - 1)
    def _():
        hh = _selu(
            jnp.dot(hg_ref[...], W1_ref[...],
                    preferred_element_type=jnp.float32, precision=_PREC)
            + b1_ref[...])
        out_ref[...] = jnp.dot(
            hh, W2_ref[...], preferred_element_type=jnp.float32,
            precision=_PREC) + b2_ref[...]


def _post3(acc, hs, deg_col, b, batch_col, fc1_W, fc1_b, fc2_W, fc2_b):
    return pl.pallas_call(
        _post3_body,
        grid=(N // RB,),
        in_specs=[
            pl.BlockSpec((NC, RB, H), lambda i: (0, i, 0)),
            pl.BlockSpec((RB, H), lambda i: (i, 0)),
            pl.BlockSpec((RB, 1), lambda i: (i, 0)),
            pl.BlockSpec((1, H), lambda i: (0, 0)),
            pl.BlockSpec((RB, 1), lambda i: (i, 0)),
            pl.BlockSpec((H, DE), lambda i: (0, 0)),
            pl.BlockSpec((1, DE), lambda i: (0, 0)),
            pl.BlockSpec((DE, DO), lambda i: (0, 0)),
            pl.BlockSpec((1, DO), lambda i: (0, 0)),
        ],
        out_specs=pl.BlockSpec((G, DO), lambda i: (0, 0)),
        out_shape=jax.ShapeDtypeStruct((G, DO), jnp.float32),
        scratch_shapes=[pltpu.VMEM((G, H), jnp.float32)],
    )(acc, hs, deg_col, b, batch_col, fc1_W, fc1_b.reshape(1, DE), fc2_W,
      fc2_b.reshape(1, DO))


def kernel(x, edge_index, batch, W1, b1, gamma1, beta1, W2, b2, gamma2, beta2,
           W3, b3, fc1_W, fc1_b, fc2_W, fc2_b):
    src = edge_index[0]
    dst = edge_index[1].reshape(NW, NCHUNK, CH)

    deg2 = _deg_kernel()(dst)
    deg_col = (deg2[0, :N] + deg2[1, :N]).reshape(N, 1)

    ps1 = _mm(x, W1, deg_col)
    acc1 = _agg_kernel()(ps1, src, dst)
    h1, S1 = _post(acc1, ps1, deg_col, b1.reshape(1, H))

    ps2 = _varmm(h1, S1, gamma1, beta1, W2, deg_col)
    acc2 = _agg_kernel()(ps2, src, dst)
    h2, S2 = _post(acc2, ps2, deg_col, b2.reshape(1, H))

    ps3 = _varmm(h2, S2, gamma2, beta2, W3, deg_col)
    acc3 = _agg_kernel()(ps3, src, dst)
    return _post3(acc3, ps3, deg_col, b3.reshape(1, H), batch.reshape(N, 1),
                  fc1_W, fc1_b, fc2_W, fc2_b)

# --- scband reference (transcript-rebuilt; emitter-appended) ---
"""Pipeline reference for scband-gcn-80401787781186 (READ-ONLY COPY).

The authoritative reference and input builder live on the scoring server;
editing this copy changes nothing except your own understanding.
"""

import jax, jax.numpy as jnp
import numpy as np

N = 10000
E = 320000
F = 128
H = 128
DE = 64
DO = 1
G = 128


def setup_inputs(seed: int = 0) -> dict:
    key = jax.random.key(seed)
    ks = jax.random.split(key, 20)
    x = jax.random.normal(ks[0], (N, F), dtype=jnp.float32)
    edge_index = jax.random.randint(ks[1], (2, E), 0, N, dtype=jnp.int32)
    batch = jnp.sort(jax.random.randint(ks[2], (N,), 0, G, dtype=jnp.int32))
    s = lambda fan_in: 1.0 / np.sqrt(fan_in)
    W1 = jax.random.normal(ks[3], (F, H), dtype=jnp.float32) * s(F)
    b1 = jnp.zeros((H,), dtype=jnp.float32)
    gamma1 = jnp.ones((H,), dtype=jnp.float32)
    beta1 = jnp.zeros((H,), dtype=jnp.float32)
    W2 = jax.random.normal(ks[4], (H, H), dtype=jnp.float32) * s(H)
    b2 = jnp.zeros((H,), dtype=jnp.float32)
    gamma2 = jnp.ones((H,), dtype=jnp.float32)
    beta2 = jnp.zeros((H,), dtype=jnp.float32)
    W3 = jax.random.normal(ks[5], (H, H), dtype=jnp.float32) * s(H)
    b3 = jnp.zeros((H,), dtype=jnp.float32)
    fc1_W = jax.random.normal(ks[6], (H, DE), dtype=jnp.float32) * s(H)
    fc1_b = jnp.zeros((DE,), dtype=jnp.float32)
    fc2_W = jax.random.normal(ks[7], (DE, DO), dtype=jnp.float32) * s(DE)
    fc2_b = jnp.zeros((DO,), dtype=jnp.float32)
    return {"x": x, "edge_index": edge_index, "batch": batch,
            "W1": W1, "b1": b1, "gamma1": gamma1, "beta1": beta1,
            "W2": W2, "b2": b2, "gamma2": gamma2, "beta2": beta2,
            "W3": W3, "b3": b3,
            "fc1_W": fc1_W, "fc1_b": fc1_b, "fc2_W": fc2_W, "fc2_b": fc2_b}


def _gcn_conv(h_in, W, b, src, dst, n):
    # GCNConv: x W, add self-loops, symmetric normalization, scatter-add
    h = h_in @ W
    loop = jnp.arange(n, dtype=src.dtype)
    src2 = jnp.concatenate([src, loop])
    dst2 = jnp.concatenate([dst, loop])
    deg = jax.ops.segment_sum(jnp.ones_like(dst2, dtype=h.dtype), dst2, num_segments=n)
    dinv = jnp.where(deg > 0, jax.lax.rsqrt(deg), 0.0)
    norm = dinv[src2] * dinv[dst2]
    msg = h[src2] * norm[:, None]
    out = jax.ops.segment_sum(msg, dst2, num_segments=n)
    return out + b


def _batch_norm(h, gamma, beta, eps=1e-5):
    mu = jnp.mean(h, axis=0)
    var = jnp.var(h, axis=0)
    return gamma * (h - mu) * jax.lax.rsqrt(var + eps) + beta


def reference(x, edge_index, batch, W1, b1, gamma1, beta1, W2, b2, gamma2, beta2, W3, b3, fc1_W, fc1_b, fc2_W, fc2_b):
    src = edge_index[0]
    dst = edge_index[1]
    n = x.shape[0]
    h1 = jax.nn.selu(_gcn_conv(x, W1, b1, src, dst, n))
    h1 = _batch_norm(h1, gamma1, beta1)
    h2 = jax.nn.selu(_gcn_conv(h1, W2, b2, src, dst, n))
    h2 = _batch_norm(h2, gamma2, beta2)
    h3 = jax.nn.relu(_gcn_conv(h2, W3, b3, src, dst, n))
    hg = jax.ops.segment_sum(h3, batch, num_segments=G)
    h = jax.nn.selu(hg @ fc1_W + fc1_b)
    out = h @ fc2_W + fc2_b
    return out

if __name__ == "__main__":
    import jax
    _d = setup_inputs()
    print(jax.jit(kernel)(*tuple(_d.values())))

</pallas_src>

<mosaic_0001>
#map = affine_map<(d0, d1) -> (0, 0)>
#map1 = affine_map<(d0, d1) -> (0)>
#map2 = affine_map<(d0, d1) -> (0, 0, 0)>
module attributes {stable_mosaic.version = 14 : i64} {
  func.func @_agg_body(%arg0: i32, %arg1: i32, %arg2: memref<10000x128xf32, #tpu.memory_space<hbm>>, %arg3: memref<320000xi32, #tpu.memory_space<hbm>>, %arg4: memref<32x125x80xi32, #tpu.memory_space<hbm>>, %arg5: memref<2x10000x128xf32, #tpu.memory_space<hbm>>, %arg6: memref<10000xi32, #tpu.memory_space<vmem>>, %arg7: memref<80xi32, #tpu.memory_space<vmem>>, %arg8: memref<80xi32, #tpu.memory_space<vmem>>, %arg9: memref<80xi32, #tpu.memory_space<vmem>>, %arg10: memref<80x128xf32, #tpu.memory_space<vmem>>, %arg11: memref<80x128xf32, #tpu.memory_space<vmem>>, %arg12: memref<80x128xf32, #tpu.memory_space<vmem>>, %arg13: memref<10000x128xf32, #tpu.memory_space<vmem_shared>>, %arg14: memref<!tpu.dma_semaphore, #tpu.memory_space<semaphore_mem>>, %arg15: memref<!tpu.dma_semaphore, #tpu.memory_space<semaphore_mem>>, %arg16: memref<!tpu.dma_semaphore, #tpu.memory_space<semaphore_mem>>, %arg17: memref<!tpu.dma_semaphore, #tpu.memory_space<semaphore_mem>>, %arg18: memref<!tpu.dma_semaphore, #tpu.memory_space<semaphore_mem>>, %arg19: memref<!tpu.dma_semaphore, #tpu.memory_space<semaphore_mem>>, %arg20: memref<!tpu.dma_semaphore, #tpu.memory_space<semaphore_mem>>, %arg21: memref<!tpu.dma_semaphore, #tpu.memory_space<semaphore_mem>>, %arg22: memref<!tpu.dma_semaphore, #tpu.memory_space<semaphore_mem>>) attributes {dimension_semantics = [#tpu.dimension_semantics<core_parallel>, #tpu.dimension_semantics<subcore_parallel>], iteration_bounds = array<i64: 2, 16>, scalar_prefetch = 0 : i64, scratch_operands = 17 : i64, tpu.core_type = #tpu.core_type<sc_vector_subcore>, window_params = [{transform_indices = #map}, {transform_indices = #map1}, {transform_indices = #map2}, {transform_indices = #map2}]} {
    %mul3A = arith.constant 2 : i32
    %mul3A_0 = arith.muli %arg1, %mul3A : i32
    %add3A = arith.addi %mul3A_0, %arg0 : i32
    %mul3A_1 = arith.constant 10000 : i32
    %mul3A_2 = arith.muli %add3A, %mul3A_1 : i32
    %multiple_of3A = tpu.assume_multiple %mul3A_2, 8 : i32
    "tpu.region"() ({
      %run_scoped3A = tpu.sem_alloc : memref<!tpu.dma_semaphore, #tpu.memory_space<semaphore_mem>>
      %dma_start3A_96 = tpu.memref_slice %arg3[%multiple_of3A] : memref<320000xi32, #tpu.memory_space<hbm>> -> memref<10000xi32, #tpu.memory_space<hbm>>
      %dma_start3A_97 = tpu.memref_slice %arg3[%multiple_of3A] : memref<320000xi32, #tpu.memory_space<hbm>> -> memref<10000xi32, #tpu.memory_space<hbm>>
      tpu.enqueue_dma source(%dma_start3A_97 : memref<10000xi32, #tpu.memory_space<hbm>>) target(%arg6 : memref<10000xi32, #tpu.memory_space<vmem>>) target_semaphore(%run_scoped3A : memref<!tpu.dma_semaphore, #tpu.memory_space<semaphore_mem>>)
      %dma_wait3A_98 = tpu.memref_slice %arg3[%multiple_of3A] : memref<320000xi32, #tpu.memory_space<hbm>> -> memref<10000xi32, #tpu.memory_space<hbm>>
      %dma_wait3A_99 = tpu.memref_slice %arg3[%multiple_of3A] : memref<320000xi32, #tpu.memory_space<hbm>> -> memref<10000xi32, #tpu.memory_space<hbm>>
      tpu.wait_dma2 semaphore(%run_scoped3A : memref<!tpu.dma_semaphore, #tpu.memory_space<semaphore_mem>>) src(%dma_wait3A_99 : memref<10000xi32, #tpu.memory_space<hbm>>) dst(%arg6 : memref<10000xi32, #tpu.memory_space<vmem>>)
      tpu.yield
    }) : () -> ()
    %mul3A_3 = arith.constant 624 : i32
    %mul3A_4 = arith.muli %arg1, %mul3A_3 : i32
    %mul3A_5 = arith.constant 624 : i32
    %mul3A_6 = arith.muli %arg1, %mul3A_5 : i32
    "tpu.region"() ({
      %run_scoped3A = tpu.sem_alloc : memref<!tpu.dma_semaphore, #tpu.memory_space<semaphore_mem>>
      %dma_start3A_96 = arith.constant 0 : i32
      %dma_start3A_97 = tpu.memref_slice %arg13[%mul3A_6, %dma_start3A_96] : memref<10000x128xf32, #tpu.memory_space<vmem_shared>> -> memref<624x128xf32, #tpu.memory_space<vmem_shared>>
      %dma_start3A_98 = arith.constant 0 : i32
      %dma_start3A_99 = tpu.memref_slice %arg2[%mul3A_4, %dma_start3A_98] : memref<10000x128xf32, #tpu.memory_space<hbm>> -> memref<624x128xf32, #tpu.memory_space<hbm>>
      tpu.enqueue_dma source(%dma_start3A_99 : memref<624x128xf32, #tpu.memory_space<hbm>>) target(%dma_start3A_97 : memref<624x128xf32, #tpu.memory_space<vmem_shared>>) target_semaphore(%run_scoped3A : memref<!tpu.dma_semaphore, #tpu.memory_space<semaphore_mem>>)
      %dma_wait3A_100 = arith.constant 0 : i32
      %dma_wait3A_101 = tpu.memref_slice %arg13[%mul3A_6, %dma_wait3A_100] : memref<10000x128xf32, #tpu.memory_space<vmem_shared>> -> memref<624x128xf32, #tpu.memory_space<vmem_shared>>
      %dma_wait3A_102 = arith.constant 0 : i32
      %dma_wait3A_103 = tpu.memref_slice %arg2[%mul3A_4, %dma_wait3A_102] : memref<10000x128xf32, #tpu.memory_space<hbm>> -> memref<624x128xf32, #tpu.memory_space<hbm>>
      tpu.wait_dma2 semaphore(%run_scoped3A : memref<!tpu.dma_semaphore, #tpu.memory_space<semaphore_mem>>) src(%dma_wait3A_103 : memref<624x128xf32, #tpu.memory_space<hbm>>) dst(%dma_wait3A_101 : memref<624x128xf32, #tpu.memory_space<vmem_shared>>)
      tpu.yield
    }) : () -> ()
    %eq3A = arith.constant 15 : i32
    %eq3A_7 = arith.cmpi eq, %arg1, %eq3A : i32
    %convert_element_type3A = arith.extui %eq3A_7 : i1 to i32
    %cond3A = arith.constant 0 : i32
    %cond3A_8 = arith.cmpi ne, %convert_element_type3A, %cond3A : i32
    scf.if %cond3A_8 {
      "tpu.region"() ({
        %run_scoped3A = tpu.sem_alloc : memref<!tpu.dma_semaphore, #tpu.memory_space<semaphore_mem>>
        %dma_start3A_96 = arith.constant 9984 : i32
        %dma_start3A_97 = arith.constant 0 : i32
        %dma_start3A_98 = tpu.memref_slice %arg13[%dma_start3A_96, %dma_start3A_97] : memref<10000x128xf32, #tpu.memory_space<vmem_shared>> -> memref<16x128xf32, #tpu.memory_space<vmem_shared>>
        %dma_start3A_99 = arith.constant 9984 : i32
        %dma_start3A_100 = arith.constant 0 : i32
        %dma_start3A_101 = tpu.memref_slice %arg2[%dma_start3A_99, %dma_start3A_100] : memref<10000x128xf32, #tpu.memory_space<hbm>> -> memref<16x128xf32, #tpu.memory_space<hbm>>
        tpu.enqueue_dma source(%dma_start3A_101 : memref<16x128xf32, #tpu.memory_space<hbm>>) target(%dma_start3A_98 : memref<16x128xf32, #tpu.memory_space<vmem_shared>>) target_semaphore(%run_scoped3A : memref<!tpu.dma_semaphore, #tpu.memory_space<semaphore_mem>>)
        %dma_wait3A_102 = arith.constant 9984 : i32
        %dma_wait3A_103 = arith.constant 0 : i32
        %dma_wait3A_104 = tpu.memref_slice %arg13[%dma_wait3A_102, %dma_wait3A_103] : memref<10000x128xf32, #tpu.memory_space<vmem_shared>> -> memref<16x128xf32, #tpu.memory_space<vmem_shared>>
        %dma_wait3A_105 = arith.constant 9984 : i32
        %dma_wait3A_106 = arith.constant 0 : i32
        %dma_wait3A_107 = tpu.memref_slice %arg2[%dma_wait3A_105, %dma_wait3A_106] : memref<10000x128xf32, #tpu.memory_space<hbm>> -> memref<16x128xf32, #tpu.memory_space<hbm>>
        tpu.wait_dma2 semaphore(%run_scoped3A : memref<!tpu.dma_semaphore, #tpu.memory_space<semaphore_mem>>) src(%dma_wait3A_107 : memref<16x128xf32, #tpu.memory_space<hbm>>) dst(%dma_wait3A_104 : memref<16x128xf32, #tpu.memory_space<vmem_shared>>)
        tpu.yield
      }) : () -> ()
    } else {
    }
    %barrier3A = arith.constant 0 : index
    tpu.barrier barrier_id(%barrier3A)
    %dma_start3A = arith.constant 0 : i32
    %dma_start3A_9 = arith.constant 0 : i32
    %dma_start3A_10 = tpu.memref_slice %arg4[%add3A, %dma_start3A, %dma_start3A_9] : memref<32x125x80xi32, #tpu.memory_space<hbm>> -> memref<1x1x80xi32, #tpu.memory_space<hbm>>
    %dma_start3A_11 = tpu.memref_squeeze %dma_start3A_10 : memref<1x1x80xi32, #tpu.memory_space<hbm>> -> memref<80xi32, #tpu.memory_space<hbm>>
    %dma_start3A_12 = arith.constant 0 : i32
    %dma_start3A_13 = tpu.memref_slice %arg4[%add3A, %dma_start3A, %dma_start3A_12] : memref<32x125x80xi32, #tpu.memory_space<hbm>> -> memref<1x1x80xi32, #tpu.memory_space<hbm>>
    %dma_start3A_14 = tpu.memref_squeeze %dma_start3A_13 : memref<1x1x80xi32, #tpu.memory_space<hbm>> -> memref<80xi32, #tpu.memory_space<hbm>>
    tpu.enqueue_dma source(%dma_start3A_14 : memref<80xi32, #tpu.memory_space<hbm>>) target(%arg7 : memref<80xi32, #tpu.memory_space<vmem>>) target_semaphore(%arg17 : memref<!tpu.dma_semaphore, #tpu.memory_space<semaphore_mem>>)
    %multiple_of3A_15 = arith.constant 0 : i32
    %multiple_of3A_16 = tpu.assume_multiple %multiple_of3A_15, 8 : i32
    %dma_start3A_17 = tpu.memref_slice %arg6[%multiple_of3A_16] : memref<10000xi32, #tpu.memory_space<vmem>> -> memref<80xi32, #tpu.memory_space<vmem>>
    %dma_start3A_18 = arith.constant 0 : i32
    %dma_start3A_19 = arith.constant 0 : i32
    %dma_start3A_20 = tpu.memref_slice %arg2[%dma_start3A_18, %dma_start3A_19] : memref<10000x128xf32, #tpu.memory_space<hbm>> -> memref<10000x128xf32, #tpu.memory_space<hbm>>
    tpu.enqueue_indirect_dma source(%dma_start3A_20 : memref<10000x128xf32, #tpu.memory_space<hbm>>) target(%arg10 : memref<80x128xf32, #tpu.memory_space<vmem>>) offsets(%dma_start3A_17 : memref<80xi32, #tpu.memory_space<vmem>>) semaphore(%arg14 : memref<!tpu.dma_semaphore, #tpu.memory_space<semaphore_mem>>)
    %dma_start3A_21 = arith.constant 1 : i32
    %dma_start3A_22 = arith.constant 0 : i32
    %dma_start3A_23 = tpu.memref_slice %arg4[%add3A, %dma_start3A_21, %dma_start3A_22] : memref<32x125x80xi32, #tpu.memory_space<hbm>> -> memref<1x1x80xi32, #tpu.memory_space<hbm>>
    %dma_start3A_24 = tpu.memref_squeeze %dma_start3A_23 : memref<1x1x80xi32, #tpu.memory_space<hbm>> -> memref<80xi32, #tpu.memory_space<hbm>>
    %dma_start3A_25 = arith.constant 0 : i32
    %dma_start3A_26 = tpu.memref_slice %arg4[%add3A, %dma_start3A_21, %dma_start3A_25] : memref<32x125x80xi32, #tpu.memory_space<hbm>> -> memref<1x1x80xi32, #tpu.memory_space<hbm>>
    %dma_start3A_27 = tpu.memref_squeeze %dma_start3A_26 : memref<1x1x80xi32, #tpu.memory_space<hbm>> -> memref<80xi32, #tpu.memory_space<hbm>>
    tpu.enqueue_dma source(%dma_start3A_27 : memref<80xi32, #tpu.memory_space<hbm>>) target(%arg8 : memref<80xi32, #tpu.memory_space<vmem>>) target_semaphore(%arg18 : memref<!tpu.dma_semaphore, #tpu.memory_space<semaphore_mem>>)
    %multiple_of3A_28 = arith.constant 80 : i32
    %multiple_of3A_29 = tpu.assume_multiple %multiple_of3A_28, 8 : i32
    %dma_start3A_30 = tpu.memref_slice %arg6[%multiple_of3A_29] : memref<10000xi32, #tpu.memory_space<vmem>> -> memref<80xi32, #tpu.memory_space<vmem>>
    %dma_start3A_31 = arith.constant 0 : i32
    %dma_start3A_32 = arith.constant 0 : i32
    %dma_start3A_33 = tpu.memref_slice %arg2[%dma_start3A_31, %dma_start3A_32] : memref<10000x128xf32, #tpu.memory_space<hbm>> -> memref<10000x128xf32, #tpu.memory_space<hbm>>
    tpu.enqueue_indirect_dma source(%dma_start3A_33 : memref<10000x128xf32, #tpu.memory_space<hbm>>) target(%arg11 : memref<80x128xf32, #tpu.memory_space<vmem>>) offsets(%dma_start3A_30 : memref<80xi32, #tpu.memory_space<vmem>>) semaphore(%arg15 : memref<!tpu.dma_semaphore, #tpu.memory_space<semaphore_mem>>)
    %dma_start3A_34 = arith.constant 2 : i32
    %dma_start3A_35 = arith.constant 0 : i32
    %dma_start3A_36 = tpu.memref_slice %arg4[%add3A, %dma_start3A_34, %dma_start3A_35] : memref<32x125x80xi32, #tpu.memory_space<hbm>> -> memref<1x1x80xi32, #tpu.memory_space<hbm>>
    %dma_start3A_37 = tpu.memref_squeeze %dma_start3A_36 : memref<1x1x80xi32, #tpu.memory_space<hbm>> -> memref<80xi32, #tpu.memory_space<hbm>>
    %dma_start3A_38 = arith.constant 0 : i32
    %dma_start3A_39 = tpu.memref_slice %arg4[%add3A, %dma_start3A_34, %dma_start3A_38] : memref<32x125x80xi32, #tpu.memory_space<hbm>> -> memref<1x1x80xi32, #tpu.memory_space<hbm>>
    %dma_start3A_40 = tpu.memref_squeeze %dma_start3A_39 : memref<1x1x80xi32, #tpu.memory_space<hbm>> -> memref<80xi32, #tpu.memory_space<hbm>>
    tpu.enqueue_dma source(%dma_start3A_40 : memref<80xi32, #tpu.memory_space<hbm>>) target(%arg9 : memref<80xi32, #tpu.memory_space<vmem>>) target_semaphore(%arg19 : memref<!tpu.dma_semaphore, #tpu.memory_space<semaphore_mem>>)
    %multiple_of3A_41 = arith.constant 160 : i32
    %multiple_of3A_42 = tpu.assume_multiple %multiple_of3A_41, 8 : i32
    %dma_start3A_43 = tpu.memref_slice %arg6[%multiple_of3A_42] : memref<10000xi32, #tpu.memory_space<vmem>> -> memref<80xi32, #tpu.memory_space<vmem>>
    %dma_start3A_44 = arith.constant 0 : i32
    %dma_start3A_45 = arith.constant 0 : i32
    %dma_start3A_46 = tpu.memref_slice %arg2[%dma_start3A_44, %dma_start3A_45] : memref<10000x128xf32, #tpu.memory_space<hbm>> -> memref<10000x128xf32, #tpu.memory_space<hbm>>
    tpu.enqueue_indirect_dma source(%dma_start3A_46 : memref<10000x128xf32, #tpu.memory_space<hbm>>) target(%arg12 : memref<80x128xf32, #tpu.memory_space<vmem>>) offsets(%dma_start3A_43 : memref<80xi32, #tpu.memory_space<vmem>>) semaphore(%arg16 : memref<!tpu.dma_semaphore, #tpu.memory_space<semaphore_mem>>)
    %scan3A = arith.constant 0 : i32
    %scan3A_47 = arith.constant 41 : i32
    %scan3A_48 = arith.addi %scan3A, %scan3A_47 : i32
    %scan3A_49 = arith.constant 1 : i32
    scf.for %scan3A_96 = %scan3A to %scan3A_48 step %scan3A_49  : i32 {
      %mul3A_97 = arith.constant 3 : i32
      %mul3A_98 = arith.muli %scan3A_96, %mul3A_97 : i32
      %add3A_99 = arith.constant 0 : i32
      %add3A_100 = arith.addi %add3A_99, %mul3A_98 : i32
      %dma_wait3A_101 = arith.constant 0 : i32
      %dma_wait3A_102 = arith.constant 0 : i32
      %dma_wait3A_103 = tpu.memref_slice %arg4[%add3A, %dma_wait3A_101, %dma_wait3A_102] : memref<32x125x80xi32, #tpu.memory_space<hbm>> -> memref<1x1x80xi32, #tpu.memory_space<hbm>>
      %dma_wait3A_104 = tpu.memref_squeeze %dma_wait3A_103 : memref<1x1x80xi32, #tpu.memory_space<hbm>> -> memref<80xi32, #tpu.memory_space<hbm>>
      %dma_wait3A_105 = arith.constant 0 : i32
      %dma_wait3A_106 = tpu.memref_slice %arg4[%add3A, %dma_wait3A_101, %dma_wait3A_105] : memref<32x125x80xi32, #tpu.memory_space<hbm>> -> memref<1x1x80xi32, #tpu.memory_space<hbm>>
      %dma_wait3A_107 = tpu.memref_squeeze %dma_wait3A_106 : memref<1x1x80xi32, #tpu.memory_space<hbm>> -> memref<80xi32, #tpu.memory_space<hbm>>
      tpu.wait_dma2 semaphore(%arg17 : memref<!tpu.dma_semaphore, #tpu.memory_space<semaphore_mem>>) src(%dma_wait3A_107 : memref<80xi32, #tpu.memory_space<hbm>>) dst(%arg7 : memref<80xi32, #tpu.memory_space<vmem>>)
      %dma_wait3A_108 = arith.constant 0 : i32
      %dma_wait3A_109 = tpu.memref_slice %arg6[%dma_wait3A_108] : memref<10000xi32, #tpu.memory_space<vmem>> -> memref<80xi32, #tpu.memory_space<vmem>>
      %dma_wait3A_110 = arith.constant 0 : i32
      %dma_wait3A_111 = arith.constant 0 : i32
      %dma_wait3A_112 = tpu.memref_slice %arg2[%dma_wait3A_110, %dma_wait3A_111] : memref<10000x128xf32, #tpu.memory_space<hbm>> -> memref<10000x128xf32, #tpu.memory_space<hbm>>
      tpu.wait_indirect_dma semaphore(%arg14 : memref<!tpu.dma_semaphore, #tpu.memory_space<semaphore_mem>>) src(%dma_wait3A_112 : memref<10000x128xf32, #tpu.memory_space<hbm>>) dst(%arg10 : memref<80x128xf32, #tpu.memory_space<vmem>>)
      %dma_start3A_113 = arith.constant 0 : i32
      %dma_start3A_114 = arith.constant 0 : i32
      %dma_start3A_115 = tpu.memref_slice %arg13[%dma_start3A_113, %dma_start3A_114] : memref<10000x128xf32, #tpu.memory_space<vmem_shared>> -> memref<10000x128xf32, #tpu.memory_space<vmem_shared>>
      tpu.enqueue_indirect_dma source(%arg10 : memref<80x128xf32, #tpu.memory_space<vmem>>) target(%dma_start3A_115 : memref<10000x128xf32, #tpu.memory_space<vmem_shared>>) offsets(%arg7 : memref<80xi32, #tpu.memory_space<vmem>>) semaphore(%arg20 : memref<!tpu.dma_semaphore, #tpu.memory_space<semaphore_mem>>) {add = true}
      %dma_wait3A_116 = arith.constant 0 : i32
      %dma_wait3A_117 = arith.constant 0 : i32
      %dma_wait3A_118 = tpu.memref_slice %arg13[%dma_wait3A_116, %dma_wait3A_117] : memref<10000x128xf32, #tpu.memory_space<vmem_shared>> -> memref<10000x128xf32, #tpu.memory_space<vmem_shared>>
      tpu.wait_indirect_dma semaphore(%arg20 : memref<!tpu.dma_semaphore, #tpu.memory_space<semaphore_mem>>) src(%arg10 : memref<80x128xf32, #tpu.memory_space<vmem>>) dst(%dma_wait3A_118 : memref<10000x128xf32, #tpu.memory_space<vmem_shared>>)
      %add3A_119 = arith.constant 0 : i32
      %add3A_120 = arith.addi %add3A_100, %add3A_119 : i32
      %add3A_121 = arith.constant 3 : i32
      %add3A_122 = arith.addi %add3A_120, %add3A_121 : i32
      %lt3A = arith.constant 125 : i32
      %lt3A_123 = arith.cmpi slt, %add3A_122, %lt3A : i32
      %convert_element_type3A_124 = arith.extui %lt3A_123 : i1 to i32
      %cond3A_125 = arith.constant 0 : i32
      %cond3A_126 = arith.cmpi ne, %convert_element_type3A_124, %cond3A_125 : i32
      scf.if %cond3A_126 {
        %add3A_181 = arith.constant 0 : i32
        %add3A_182 = arith.addi %add3A_100, %add3A_181 : i32
        %add3A_183 = arith.constant 3 : i32
        %add3A_184 = arith.addi %add3A_182, %add3A_183 : i32
        %dma_start3A_185 = arith.constant 0 : i32
        %dma_start3A_186 = tpu.memref_slice %arg4[%add3A, %add3A_184, %dma_start3A_185] : memref<32x125x80xi32, #tpu.memory_space<hbm>> -> memref<1x1x80xi32, #tpu.memory_space<hbm>>
        %dma_start3A_187 = tpu.memref_squeeze %dma_start3A_186 : memref<1x1x80xi32, #tpu.memory_space<hbm>> -> memref<80xi32, #tpu.memory_space<hbm>>
        %dma_start3A_188 = arith.constant 0 : i32
        %dma_start3A_189 = tpu.memref_slice %arg4[%add3A, %add3A_184, %dma_start3A_188] : memref<32x125x80xi32, #tpu.memory_space<hbm>> -> memref<1x1x80xi32, #tpu.memory_space<hbm>>
        %dma_start3A_190 = tpu.memref_squeeze %dma_start3A_189 : memref<1x1x80xi32, #tpu.memory_space<hbm>> -> memref<80xi32, #tpu.memory_space<hbm>>
        tpu.enqueue_dma source(%dma_start3A_190 : memref<80xi32, #tpu.memory_space<hbm>>) target(%arg7 : memref<80xi32, #tpu.memory_space<vmem>>) target_semaphore(%arg17 : memref<!tpu.dma_semaphore, #tpu.memory_space<semaphore_mem>>)
        %mul3A_191 = arith.constant 80 : i32
        %mul3A_192 = arith.muli %add3A_184, %mul3A_191 : i32
        %multiple_of3A_193 = tpu.assume_multiple %mul3A_192, 8 : i32
        %dma_start3A_194 = tpu.memref_slice %arg6[%multiple_of3A_193] : memref<10000xi32, #tpu.memory_space<vmem>> -> memref<80xi32, #tpu.memory_space<vmem>>
        %dma_start3A_195 = arith.constant 0 : i32
        %dma_start3A_196 = arith.constant 0 : i32
        %dma_start3A_197 = tpu.memref_slice %arg2[%dma_start3A_195, %dma_start3A_196] : memref<10000x128xf32, #tpu.memory_space<hbm>> -> memref<10000x128xf32, #tpu.memory_space<hbm>>
        tpu.enqueue_indirect_dma source(%dma_start3A_197 : memref<10000x128xf32, #tpu.memory_space<hbm>>) target(%arg10 : memref<80x128xf32, #tpu.memory_space<vmem>>) offsets(%dma_start3A_194 : memref<80xi32, #tpu.memory_space<vmem>>) semaphore(%arg14 : memref<!tpu.dma_semaphore, #tpu.memory_space<semaphore_mem>>)
      } else {
      }
      %dma_wait3A_127 = arith.constant 0 : i32
      %dma_wait3A_128 = arith.constant 0 : i32
      %dma_wait3A_129 = tpu.memref_slice %arg4[%add3A, %dma_wait3A_127, %dma_wait3A_128] : memref<32x125x80xi32, #tpu.memory_space<hbm>> -> memref<1x1x80xi32, #tpu.memory_space<hbm>>
      %dma_wait3A_130 = tpu.memref_squeeze %dma_wait3A_129 : memref<1x1x80xi32, #tpu.memory_space<hbm>> -> memref<80xi32, #tpu.memory_space<hbm>>
      %dma_wait3A_131 = arith.constant 0 : i32
      %dma_wait3A_132 = tpu.memref_slice %arg4[%add3A, %dma_wait3A_127, %dma_wait3A_131] : memref<32x125x80xi32, #tpu.memory_space<hbm>> -> memref<1x1x80xi32, #tpu.memory_space<hbm>>
      %dma_wait3A_133 = tpu.memref_squeeze %dma_wait3A_132 : memref<1x1x80xi32, #tpu.memory_space<hbm>> -> memref<80xi32, #tpu.memory_space<hbm>>
      tpu.wait_dma2 semaphore(%arg18 : memref<!tpu.dma_semaphore, #tpu.memory_space<semaphore_mem>>) src(%dma_wait3A_133 : memref<80xi32, #tpu.memory_space<hbm>>) dst(%arg8 : memref<80xi32, #tpu.memory_space<vmem>>)
      %dma_wait3A_134 = arith.constant 0 : i32
      %dma_wait3A_135 = tpu.memref_slice %arg6[%dma_wait3A_134] : memref<10000xi32, #tpu.memory_space<vmem>> -> memref<80xi32, #tpu.memory_space<vmem>>
      %dma_wait3A_136 = arith.constant 0 : i32
      %dma_wait3A_137 = arith.constant 0 : i32
      %dma_wait3A_138 = tpu.memref_slice %arg2[%dma_wait3A_136, %dma_wait3A_137] : memref<10000x128xf32, #tpu.memory_space<hbm>> -> memref<10000x128xf32, #tpu.memory_space<hbm>>
      tpu.wait_indirect_dma semaphore(%arg15 : memref<!tpu.dma_semaphore, #tpu.memory_space<semaphore_mem>>) src(%dma_wait3A_138 : memref<10000x128xf32, #tpu.memory_space<hbm>>) dst(%arg11 : memref<80x128xf32, #tpu.memory_space<vmem>>)
      %dma_start3A_139 = arith.constant 0 : i32
      %dma_start3A_140 = arith.constant 0 : i32
      %dma_start3A_141 = tpu.memref_slice %arg13[%dma_start3A_139, %dma_start3A_140] : memref<10000x128xf32, #tpu.memory_space<vmem_shared>> -> memref<10000x128xf32, #tpu.memory_space<vmem_shared>>
      tpu.enqueue_indirect_dma source(%arg11 : memref<80x128xf32, #tpu.memory_space<vmem>>) target(%dma_start3A_141 : memref<10000x128xf32, #tpu.memory_space<vmem_shared>>) offsets(%arg8 : memref<80xi32, #tpu.memory_space<vmem>>) semaphore(%arg21 : memref<!tpu.dma_semaphore, #tpu.memory_space<semaphore_mem>>) {add = true}
      %dma_wait3A_142 = arith.constant 0 : i32
      %dma_wait3A_143 = arith.constant 0 : i32
      %dma_wait3A_144 = tpu.memref_slice %arg13[%dma_wait3A_142, %dma_wait3A_143] : memref<10000x128xf32, #tpu.memory_space<vmem_shared>> -> memref<10000x128xf32, #tpu.memory_space<vmem_shared>>
      tpu.wait_indirect_dma semaphore(%arg21 : memref<!tpu.dma_semaphore, #tpu.memory_space<semaphore_mem>>) src(%arg11 : memref<80x128xf32, #tpu.memory_space<vmem>>) dst(%dma_wait3A_144 : memref<10000x128xf32, #tpu.memory_space<vmem_shared>>)
      %add3A_145 = arith.constant 1 : i32
      %add3A_146 = arith.addi %add3A_100, %add3A_145 : i32
      %add3A_147 = arith.constant 3 : i32
      %add3A_148 = arith.addi %add3A_146, %add3A_147 : i32
      %lt3A_149 = arith.constant 125 : i32
      %lt3A_150 = arith.cmpi slt, %add3A_148, %lt3A_149 : i32
      %convert_element_type3A_151 = arith.extui %lt3A_150 : i1 to i32
      %cond3A_152 = arith.constant 0 : i32
      %cond3A_153 = arith.cmpi ne, %convert_element_type3A_151, %cond3A_152 : i32
      scf.if %cond3A_153 {
        %add3A_181 = arith.constant 1 : i32
        %add3A_182 = arith.addi %add3A_100, %add3A_181 : i32
        %add3A_183 = arith.constant 3 : i32
        %add3A_184 = arith.addi %add3A_182, %add3A_183 : i32
        %dma_start3A_185 = arith.constant 0 : i32
        %dma_start3A_186 = tpu.memref_slice %arg4[%add3A, %add3A_184, %dma_start3A_185] : memref<32x125x80xi32, #tpu.memory_space<hbm>> -> memref<1x1x80xi32, #tpu.memory_space<hbm>>
        %dma_start3A_187 = tpu.memref_squeeze %dma_start3A_186 : memref<1x1x80xi32, #tpu.memory_space<hbm>> -> memref<80xi32, #tpu.memory_space<hbm>>
        %dma_start3A_188 = arith.constant 0 : i32
        %dma_start3A_189 = tpu.memref_slice %arg4[%add3A, %add3A_184, %dma_start3A_188] : memref<32x125x80xi32, #tpu.memory_space<hbm>> -> memref<1x1x80xi32, #tpu.memory_space<hbm>>
        %dma_start3A_190 = tpu.memref_squeeze %dma_start3A_189 : memref<1x1x80xi32, #tpu.memory_space<hbm>> -> memref<80xi32, #tpu.memory_space<hbm>>
        tpu.enqueue_dma source(%dma_start3A_190 : memref<80xi32, #tpu.memory_space<hbm>>) target(%arg8 : memref<80xi32, #tpu.memory_space<vmem>>) target_semaphore(%arg18 : memref<!tpu.dma_semaphore, #tpu.memory_space<semaphore_mem>>)
        %mul3A_191 = arith.constant 80 : i32
        %mul3A_192 = arith.muli %add3A_184, %mul3A_191 : i32
        %multiple_of3A_193 = tpu.assume_multiple %mul3A_192, 8 : i32
        %dma_start3A_194 = tpu.memref_slice %arg6[%multiple_of3A_193] : memref<10000xi32, #tpu.memory_space<vmem>> -> memref<80xi32, #tpu.memory_space<vmem>>
        %dma_start3A_195 = arith.constant 0 : i32
        %dma_start3A_196 = arith.constant 0 : i32
        %dma_start3A_197 = tpu.memref_slice %arg2[%dma_start3A_195, %dma_start3A_196] : memref<10000x128xf32, #tpu.memory_space<hbm>> -> memref<10000x128xf32, #tpu.memory_space<hbm>>
        tpu.enqueue_indirect_dma source(%dma_start3A_197 : memref<10000x128xf32, #tpu.memory_space<hbm>>) target(%arg11 : memref<80x128xf32, #tpu.memory_space<vmem>>) offsets(%dma_start3A_194 : memref<80xi32, #tpu.memory_space<vmem>>) semaphore(%arg15 : memref<!tpu.dma_semaphore, #tpu.memory_space<semaphore_mem>>)
      } else {
      }
      %dma_wait3A_154 = arith.constant 0 : i32
      %dma_wait3A_155 = arith.constant 0 : i32
      %dma_wait3A_156 = tpu.memref_slice %arg4[%add3A, %dma_wait3A_154, %dma_wait3A_155] : memref<32x125x80xi32, #tpu.memory_space<hbm>> -> memref<1x1x80xi32, #tpu.memory_space<hbm>>
      %dma_wait3A_157 = tpu.memref_squeeze %dma_wait3A_156 : memref<1x1x80xi32, #tpu.memory_space<hbm>> -> memref<80xi32, #tpu.memory_space<hbm>>
      %dma_wait3A_158 = arith.constant 0 : i32
      %dma_wait3A_159 = tpu.memref_slice %arg4[%add3A, %dma_wait3A_154, %dma_wait3A_158] : memref<32x125x80xi32, #tpu.memory_space<hbm>> -> memref<1x1x80xi32, #tpu.memory_space<hbm>>
      %dma_wait3A_160 = tpu.memref_squeeze %dma_wait3A_159 : memref<1x1x80xi32, #tpu.memory_space<hbm>> -> memref<80xi32, #tpu.memory_space<hbm>>
      tpu.wait_dma2 semaphore(%arg19 : memref<!tpu.dma_semaphore, #tpu.memory_space<semaphore_mem>>) src(%dma_wait3A_160 : memref<80xi32, #tpu.memory_space<hbm>>) dst(%arg9 : memref<80xi32, #tpu.memory_space<vmem>>)
      %dma_wait3A_161 = arith.constant 0 : i32
      %dma_wait3A_162 = tpu.memref_slice %arg6[%dma_wait3A_161] : memref<10000xi32, #tpu.memory_space<vmem>> -> memref<80xi32, #tpu.memory_space<vmem>>
      %dma_wait3A_163 = arith.constant 0 : i32
      %dma_wait3A_164 = arith.constant 0 : i32
      %dma_wait3A_165 = tpu.memref_slice %arg2[%dma_wait3A_163, %dma_wait3A_164] : memref<10000x128xf32, #tpu.memory_space<hbm>> -> memref<10000x128xf32, #tpu.memory_space<hbm>>
      tpu.wait_indirect_dma semaphore(%arg16 : memref<!tpu.dma_semaphore, #tpu.memory_space<semaphore_mem>>) src(%dma_wait3A_165 : memref<10000x128xf32, #tpu.memory_space<hbm>>) dst(%arg12 : memref<80x128xf32, #tpu.memory_space<vmem>>)
      %dma_start3A_166 = arith.constant 0 : i32
      %dma_start3A_167 = arith.constant 0 : i32
      %dma_start3A_168 = tpu.memref_slice %arg13[%dma_start3A_166, %dma_start3A_167] : memref<10000x128xf32, #tpu.memory_space<vmem_shared>> -> memref<10000x128xf32, #tpu.memory_space<vmem_shared>>
      tpu.enqueue_indirect_dma source(%arg12 : memref<80x128xf32, #tpu.memory_space<vmem>>) target(%dma_start3A_168 : memref<10000x128xf32, #tpu.memory_space<vmem_shared>>) offsets(%arg9 : memref<80xi32, #tpu.memory_space<vmem>>) semaphore(%arg22 : memref<!tpu.dma_semaphore, #tpu.memory_space<semaphore_mem>>) {add = true}
      %dma_wait3A_169 = arith.constant 0 : i32
      %dma_wait3A_170 = arith.constant 0 : i32
      %dma_wait3A_171 = tpu.memref_slice %arg13[%dma_wait3A_169, %dma_wait3A_170] : memref<10000x128xf32, #tpu.memory_space<vmem_shared>> -> memref<10000x128xf32, #tpu.memory_space<vmem_shared>>
      tpu.wait_indirect_dma semaphore(%arg22 : memref<!tpu.dma_semaphore, #tpu.memory_space<semaphore_mem>>) src(%arg12 : memref<80x128xf32, #tpu.memory_space<vmem>>) dst(%dma_wait3A_171 : memref<10000x128xf32, #tpu.memory_space<vmem_shared>>)
      %add3A_172 = arith.constant 2 : i32
      %add3A_173 = arith.addi %add3A_100, %add3A_172 : i32
      %add3A_174 = arith.constant 3 : i32
      %add3A_175 = arith.addi %add3A_173, %add3A_174 : i32
      %lt3A_176 = arith.constant 125 : i32
      %lt3A_177 = arith.cmpi slt, %add3A_175, %lt3A_176 : i32
      %convert_element_type3A_178 = arith.extui %lt3A_177 : i1 to i32
      %cond3A_179 = arith.constant 0 : i32
      %cond3A_180 = arith.cmpi ne, %convert_element_type3A_178, %cond3A_179 : i32
      scf.if %cond3A_180 {
        %add3A_181 = arith.constant 2 : i32
        %add3A_182 = arith.addi %add3A_100, %add3A_181 : i32
        %add3A_183 = arith.constant 3 : i32
        %add3A_184 = arith.addi %add3A_182, %add3A_183 : i32
        %dma_start3A_185 = arith.constant 0 : i32
        %dma_start3A_186 = tpu.memref_slice %arg4[%add3A, %add3A_184, %dma_start3A_185] : memref<32x125x80xi32, #tpu.memory_space<hbm>> -> memref<1x1x80xi32, #tpu.memory_space<hbm>>
        %dma_start3A_187 = tpu.memref_squeeze %dma_start3A_186 : memref<1x1x80xi32, #tpu.memory_space<hbm>> -> memref<80xi32, #tpu.memory_space<hbm>>
        %dma_start3A_188 = arith.constant 0 : i32
        %dma_start3A_189 = tpu.memref_slice %arg4[%add3A, %add3A_184, %dma_start3A_188] : memref<32x125x80xi32, #tpu.memory_space<hbm>> -> memref<1x1x80xi32, #tpu.memory_space<hbm>>
        %dma_start3A_190 = tpu.memref_squeeze %dma_start3A_189 : memref<1x1x80xi32, #tpu.memory_space<hbm>> -> memref<80xi32, #tpu.memory_space<hbm>>
        tpu.enqueue_dma source(%dma_start3A_190 : memref<80xi32, #tpu.memory_space<hbm>>) target(%arg9 : memref<80xi32, #tpu.memory_space<vmem>>) target_semaphore(%arg19 : memref<!tpu.dma_semaphore, #tpu.memory_space<semaphore_mem>>)
        %mul3A_191 = arith.constant 80 : i32
        %mul3A_192 = arith.muli %add3A_184, %mul3A_191 : i32
        %multiple_of3A_193 = tpu.assume_multiple %mul3A_192, 8 : i32
        %dma_start3A_194 = tpu.memref_slice %arg6[%multiple_of3A_193] : memref<10000xi32, #tpu.memory_space<vmem>> -> memref<80xi32, #tpu.memory_space<vmem>>
        %dma_start3A_195 = arith.constant 0 : i32
        %dma_start3A_196 = arith.constant 0 : i32
        %dma_start3A_197 = tpu.memref_slice %arg2[%dma_start3A_195, %dma_start3A_196] : memref<10000x128xf32, #tpu.memory_space<hbm>> -> memref<10000x128xf32, #tpu.memory_space<hbm>>
        tpu.enqueue_indirect_dma source(%dma_start3A_197 : memref<10000x128xf32, #tpu.memory_space<hbm>>) target(%arg12 : memref<80x128xf32, #tpu.memory_space<vmem>>) offsets(%dma_start3A_194 : memref<80xi32, #tpu.memory_space<vmem>>) semaphore(%arg16 : memref<!tpu.dma_semaphore, #tpu.memory_space<semaphore_mem>>)
      } else {
      }
    }
    %scan3A_50 = arith.constant 41 : i32
    %dma_wait3A = arith.constant 0 : i32
    %dma_wait3A_51 = arith.constant 0 : i32
    %dma_wait3A_52 = tpu.memref_slice %arg4[%add3A, %dma_wait3A, %dma_wait3A_51] : memref<32x125x80xi32, #tpu.memory_space<hbm>> -> memref<1x1x80xi32, #tpu.memory_space<hbm>>
    %dma_wait3A_53 = tpu.memref_squeeze %dma_wait3A_52 : memref<1x1x80xi32, #tpu.memory_space<hbm>> -> memref<80xi32, #tpu.memory_space<hbm>>
    %dma_wait3A_54 = arith.constant 0 : i32
    %dma_wait3A_55 = tpu.memref_slice %arg4[%add3A, %dma_wait3A, %dma_wait3A_54] : memref<32x125x80xi32, #tpu.memory_space<hbm>> -> memref<1x1x80xi32, #tpu.memory_space<hbm>>
    %dma_wait3A_56 = tpu.memref_squeeze %dma_wait3A_55 : memref<1x1x80xi32, #tpu.memory_space<hbm>> -> memref<80xi32, #tpu.memory_space<hbm>>
    tpu.wait_dma2 semaphore(%arg17 : memref<!tpu.dma_semaphore, #tpu.memory_space<semaphore_mem>>) src(%dma_wait3A_56 : memref<80xi32, #tpu.memory_space<hbm>>) dst(%arg7 : memref<80xi32, #tpu.memory_space<vmem>>)
    %dma_wait3A_57 = arith.constant 0 : i32
    %dma_wait3A_58 = tpu.memref_slice %arg6[%dma_wait3A_57] : memref<10000xi32, #tpu.memory_space<vmem>> -> memref<80xi32, #tpu.memory_space<vmem>>
    %dma_wait3A_59 = arith.constant 0 : i32
    %dma_wait3A_60 = arith.constant 0 : i32
    %dma_wait3A_61 = tpu.memref_slice %arg2[%dma_wait3A_59, %dma_wait3A_60] : memref<10000x128xf32, #tpu.memory_space<hbm>> -> memref<10000x128xf32, #tpu.memory_space<hbm>>
    tpu.wait_indirect_dma semaphore(%arg14 : memref<!tpu.dma_semaphore, #tpu.memory_space<semaphore_mem>>) src(%dma_wait3A_61 : memref<10000x128xf32, #tpu.memory_space<hbm>>) dst(%arg10 : memref<80x128xf32, #tpu.memory_space<vmem>>)
    %dma_start3A_62 = arith.constant 0 : i32
    %dma_start3A_63 = arith.constant 0 : i32
    %dma_start3A_64 = tpu.memref_slice %arg13[%dma_start3A_62, %dma_start3A_63] : memref<10000x128xf32, #tpu.memory_space<vmem_shared>> -> memref<10000x128xf32, #tpu.memory_space<vmem_shared>>
    tpu.enqueue_indirect_dma source(%arg10 : memref<80x128xf32, #tpu.memory_space<vmem>>) target(%dma_start3A_64 : memref<10000x128xf32, #tpu.memory_space<vmem_shared>>) offsets(%arg7 : memref<80xi32, #tpu.memory_space<vmem>>) semaphore(%arg20 : memref<!tpu.dma_semaphore, #tpu.memory_space<semaphore_mem>>) {add = true}
    %dma_wait3A_65 = arith.constant 0 : i32
    %dma_wait3A_66 = arith.constant 0 : i32
    %dma_wait3A_67 = tpu.memref_slice %arg13[%dma_wait3A_65, %dma_wait3A_66] : memref<10000x128xf32, #tpu.memory_space<vmem_shared>> -> memref<10000x128xf32, #tpu.memory_space<vmem_shared>>
    tpu.wait_indirect_dma semaphore(%arg20 : memref<!tpu.dma_semaphore, #tpu.memory_space<semaphore_mem>>) src(%arg10 : memref<80x128xf32, #tpu.memory_space<vmem>>) dst(%dma_wait3A_67 : memref<10000x128xf32, #tpu.memory_space<vmem_shared>>)
    %dma_wait3A_68 = arith.constant 0 : i32
    %dma_wait3A_69 = arith.constant 0 : i32
    %dma_wait3A_70 = tpu.memref_slice %arg4[%add3A, %dma_wait3A_68, %dma_wait3A_69] : memref<32x125x80xi32, #tpu.memory_space<hbm>> -> memref<1x1x80xi32, #tpu.memory_space<hbm>>
    %dma_wait3A_71 = tpu.memref_squeeze %dma_wait3A_70 : memref<1x1x80xi32, #tpu.memory_space<hbm>> -> memref<80xi32, #tpu.memory_space<hbm>>
    %dma_wait3A_72 = arith.constant 0 : i32
    %dma_wait3A_73 = tpu.memref_slice %arg4[%add3A, %dma_wait3A_68, %dma_wait3A_72] : memref<32x125x80xi32, #tpu.memory_space<hbm>> -> memref<1x1x80xi32, #tpu.memory_space<hbm>>
    %dma_wait3A_74 = tpu.memref_squeeze %dma_wait3A_73 : memref<1x1x80xi32, #tpu.memory_space<hbm>> -> memref<80xi32, #tpu.memory_space<hbm>>
    tpu.wait_dma2 semaphore(%arg18 : memref<!tpu.dma_semaphore, #tpu.memory_space<semaphore_mem>>) src(%dma_wait3A_74 : memref<80xi32, #tpu.memory_space<hbm>>) dst(%arg8 : memref<80xi32, #tpu.memory_space<vmem>>)
    %dma_wait3A_75 = arith.constant 0 : i32
    %dma_wait3A_76 = tpu.memref_slice %arg6[%dma_wait3A_75] : memref<10000xi32, #tpu.memory_space<vmem>> -> memref<80xi32, #tpu.memory_space<vmem>>
    %dma_wait3A_77 = arith.constant 0 : i32
    %dma_wait3A_78 = arith.constant 0 : i32
    %dma_wait3A_79 = tpu.memref_slice %arg2[%dma_wait3A_77, %dma_wait3A_78] : memref<10000x128xf32, #tpu.memory_space<hbm>> -> memref<10000x128xf32, #tpu.memory_space<hbm>>
    tpu.wait_indirect_dma semaphore(%arg15 : memref<!tpu.dma_semaphore, #tpu.memory_space<semaphore_mem>>) src(%dma_wait3A_79 : memref<10000x128xf32, #tpu.memory_space<hbm>>) dst(%arg11 : memref<80x128xf32, #tpu.memory_space<vmem>>)
    %dma_start3A_80 = arith.constant 0 : i32
    %dma_start3A_81 = arith.constant 0 : i32
    %dma_start3A_82 = tpu.memref_slice %arg13[%dma_start3A_80, %dma_start3A_81] : memref<10000x128xf32, #tpu.memory_space<vmem_shared>> -> memref<10000x128xf32, #tpu.memory_space<vmem_shared>>
    tpu.enqueue_indirect_dma source(%arg11 : memref<80x128xf32, #tpu.memory_space<vmem>>) target(%dma_start3A_82 : memref<10000x128xf32, #tpu.memory_space<vmem_shared>>) offsets(%arg8 : memref<80xi32, #tpu.memory_space<vmem>>) semaphore(%arg21 : memref<!tpu.dma_semaphore, #tpu.memory_space<semaphore_mem>>) {add = true}
    %dma_wait3A_83 = arith.constant 0 : i32
    %dma_wait3A_84 = arith.constant 0 : i32
    %dma_wait3A_85 = tpu.memref_slice %arg13[%dma_wait3A_83, %dma_wait3A_84] : memref<10000x128xf32, #tpu.memory_space<vmem_shared>> -> memref<10000x128xf32, #tpu.memory_space<vmem_shared>>
    tpu.wait_indirect_dma semaphore(%arg21 : memref<!tpu.dma_semaphore, #tpu.memory_space<semaphore_mem>>) src(%arg11 : memref<80x128xf32, #tpu.memory_space<vmem>>) dst(%dma_wait3A_85 : memref<10000x128xf32, #tpu.memory_space<vmem_shared>>)
    %barrier3A_86 = arith.constant 0 : index
    tpu.barrier barrier_id(%barrier3A_86)
    %mul3A_87 = arith.constant 624 : i32
    %mul3A_88 = arith.muli %arg1, %mul3A_87 : i32
    %mul3A_89 = arith.constant 624 : i32
    %mul3A_90 = arith.muli %arg1, %mul3A_89 : i32
    "tpu.region"() ({
      %run_scoped3A = tpu.sem_alloc : memref<!tpu.dma_semaphore, #tpu.memory_space<semaphore_mem>>
      %dma_start3A_96 = arith.constant 0 : i32
      %dma_start3A_97 = tpu.memref_slice %arg5[%arg0, %mul3A_90, %dma_start3A_96] : memref<2x10000x128xf32, #tpu.memory_space<hbm>> -> memref<1x624x128xf32, #tpu.memory_space<hbm>>
      %dma_start3A_98 = tpu.memref_squeeze %dma_start3A_97 : memref<1x624x128xf32, #tpu.memory_space<hbm>> -> memref<624x128xf32, #tpu.memory_space<hbm>>
      %dma_start3A_99 = arith.constant 0 : i32
      %dma_start3A_100 = tpu.memref_slice %arg13[%mul3A_88, %dma_start3A_99] : memref<10000x128xf32, #tpu.memory_space<vmem_shared>> -> memref<624x128xf32, #tpu.memory_space<vmem_shared>>
      tpu.enqueue_dma source(%dma_start3A_100 : memref<624x128xf32, #tpu.memory_space<vmem_shared>>) target(%dma_start3A_98 : memref<624x128xf32, #tpu.memory_space<hbm>>) target_semaphore(%run_scoped3A : memref<!tpu.dma_semaphore, #tpu.memory_space<semaphore_mem>>)
      %dma_wait3A_101 = arith.constant 0 : i32
      %dma_wait3A_102 = tpu.memref_slice %arg5[%arg0, %mul3A_90, %dma_wait3A_101] : memref<2x10000x128xf32, #tpu.memory_space<hbm>> -> memref<1x624x128xf32, #tpu.memory_space<hbm>>
      %dma_wait3A_103 = tpu.memref_squeeze %dma_wait3A_102 : memref<1x624x128xf32, #tpu.memory_space<hbm>> -> memref<624x128xf32, #tpu.memory_space<hbm>>
      %dma_wait3A_104 = arith.constant 0 : i32
      %dma_wait3A_105 = tpu.memref_slice %arg13[%mul3A_88, %dma_wait3A_104] : memref<10000x128xf32, #tpu.memory_space<vmem_shared>> -> memref<624x128xf32, #tpu.memory_space<vmem_shared>>
      tpu.wait_dma2 semaphore(%run_scoped3A : memref<!tpu.dma_semaphore, #tpu.memory_space<semaphore_mem>>) src(%dma_wait3A_105 : memref<624x128xf32, #tpu.memory_space<vmem_shared>>) dst(%dma_wait3A_103 : memref<624x128xf32, #tpu.memory_space<hbm>>)
      tpu.yield
    }) : () -> ()
    %eq3A_91 = arith.constant 15 : i32
    %eq3A_92 = arith.cmpi eq, %arg1, %eq3A_91 : i32
    %convert_element_type3A_93 = arith.extui %eq3A_92 : i1 to i32
    %cond3A_94 = arith.constant 0 : i32
    %cond3A_95 = arith.cmpi ne, %convert_element_type3A_93, %cond3A_94 : i32
    scf.if %cond3A_95 {
      "tpu.region"() ({
        %run_scoped3A = tpu.sem_alloc : memref<!tpu.dma_semaphore, #tpu.memory_space<semaphore_mem>>
        %dma_start3A_96 = arith.constant 9984 : i32
        %dma_start3A_97 = arith.constant 0 : i32
        %dma_start3A_98 = tpu.memref_slice %arg5[%arg0, %dma_start3A_96, %dma_start3A_97] : memref<2x10000x128xf32, #tpu.memory_space<hbm>> -> memref<1x16x128xf32, #tpu.memory_space<hbm>>
        %dma_start3A_99 = tpu.memref_squeeze %dma_start3A_98 : memref<1x16x128xf32, #tpu.memory_space<hbm>> -> memref<16x128xf32, #tpu.memory_space<hbm>>
        %dma_start3A_100 = arith.constant 9984 : i32
        %dma_start3A_101 = arith.constant 0 : i32
        %dma_start3A_102 = tpu.memref_slice %arg13[%dma_start3A_100, %dma_start3A_101] : memref<10000x128xf32, #tpu.memory_space<vmem_shared>> -> memref<16x128xf32, #tpu.memory_space<vmem_shared>>
        tpu.enqueue_dma source(%dma_start3A_102 : memref<16x128xf32, #tpu.memory_space<vmem_shared>>) target(%dma_start3A_99 : memref<16x128xf32, #tpu.memory_space<hbm>>) target_semaphore(%run_scoped3A : memref<!tpu.dma_semaphore, #tpu.memory_space<semaphore_mem>>)
        %dma_wait3A_103 = arith.constant 9984 : i32
        %dma_wait3A_104 = arith.constant 0 : i32
        %dma_wait3A_105 = tpu.memref_slice %arg5[%arg0, %dma_wait3A_103, %dma_wait3A_104] : memref<2x10000x128xf32, #tpu.memory_space<hbm>> -> memref<1x16x128xf32, #tpu.memory_space<hbm>>
        %dma_wait3A_106 = tpu.memref_squeeze %dma_wait3A_105 : memref<1x16x128xf32, #tpu.memory_space<hbm>> -> memref<16x128xf32, #tpu.memory_space<hbm>>
        %dma_wait3A_107 = arith.constant 9984 : i32
        %dma_wait3A_108 = arith.constant 0 : i32
        %dma_wait3A_109 = tpu.memref_slice %arg13[%dma_wait3A_107, %dma_wait3A_108] : memref<10000x128xf32, #tpu.memory_space<vmem_shared>> -> memref<16x128xf32, #tpu.memory_space<vmem_shared>>
        tpu.wait_dma2 semaphore(%run_scoped3A : memref<!tpu.dma_semaphore, #tpu.memory_space<semaphore_mem>>) src(%dma_wait3A_109 : memref<16x128xf32, #tpu.memory_space<vmem_shared>>) dst(%dma_wait3A_106 : memref<16x128xf32, #tpu.memory_space<hbm>>)
        tpu.yield
      }) : () -> ()
    } else {
    }
    return
  }
}

#map = affine_map<(d0, d1) -> (0, 0, 0)>
#map1 = affine_map<(d0, d1) -> (0, 0)>
module attributes {stable_mosaic.version = 14 : i64} {
  func.func @_deg_body(%arg0: i32, %arg1: i32, %arg2: memref<32x125x80xi32, #tpu.memory_space<hbm>>, %arg3: memref<2x10240xf32, #tpu.memory_space<hbm>>, %arg4: memref<125x80xi32, #tpu.memory_space<vmem>>, %arg5: memref<80xf32, #tpu.memory_space<vmem>>, %arg6: memref<640xf32, #tpu.memory_space<vmem>>, %arg7: memref<10240xf32, #tpu.memory_space<vmem_shared>>, %arg8: memref<!tpu.dma_semaphore, #tpu.memory_space<semaphore_mem>>) attributes {dimension_semantics = [#tpu.dimension_semantics<core_parallel>, #tpu.dimension_semantics<subcore_parallel>], iteration_bounds = array<i64: 2, 16>, scalar_prefetch = 0 : i64, scratch_operands = 5 : i64, tpu.core_type = #tpu.core_type<sc_vector_subcore>, window_params = [{transform_indices = #map}, {transform_indices = #map1}]} {
    %mul3A = arith.constant 2 : i32
    %mul3A_0 = arith.muli %arg1, %mul3A : i32
    %add3A = arith.addi %mul3A_0, %arg0 : i32
    "tpu.region"() ({
      %run_scoped3A = tpu.sem_alloc : memref<!tpu.dma_semaphore, #tpu.memory_space<semaphore_mem>>
      %dma_start3A = arith.constant 0 : i32
      %dma_start3A_45 = arith.constant 0 : i32
      %dma_start3A_46 = tpu.memref_slice %arg2[%add3A, %dma_start3A, %dma_start3A_45] : memref<32x125x80xi32, #tpu.memory_space<hbm>> -> memref<1x125x80xi32, #tpu.memory_space<hbm>>
      %dma_start3A_47 = tpu.memref_squeeze %dma_start3A_46 : memref<1x125x80xi32, #tpu.memory_space<hbm>> -> memref<125x80xi32, #tpu.memory_space<hbm>>
      %dma_start3A_48 = arith.constant 0 : i32
      %dma_start3A_49 = arith.constant 0 : i32
      %dma_start3A_50 = tpu.memref_slice %arg2[%add3A, %dma_start3A_48, %dma_start3A_49] : memref<32x125x80xi32, #tpu.memory_space<hbm>> -> memref<1x125x80xi32, #tpu.memory_space<hbm>>
      %dma_start3A_51 = tpu.memref_squeeze %dma_start3A_50 : memref<1x125x80xi32, #tpu.memory_space<hbm>> -> memref<125x80xi32, #tpu.memory_space<hbm>>
      tpu.enqueue_dma source(%dma_start3A_51 : memref<125x80xi32, #tpu.memory_space<hbm>>) target(%arg4 : memref<125x80xi32, #tpu.memory_space<vmem>>) target_semaphore(%run_scoped3A : memref<!tpu.dma_semaphore, #tpu.memory_space<semaphore_mem>>)
      %dma_wait3A_52 = arith.constant 0 : i32
      %dma_wait3A_53 = arith.constant 0 : i32
      %dma_wait3A_54 = tpu.memref_slice %arg2[%add3A, %dma_wait3A_52, %dma_wait3A_53] : memref<32x125x80xi32, #tpu.memory_space<hbm>> -> memref<1x125x80xi32, #tpu.memory_space<hbm>>
      %dma_wait3A_55 = tpu.memref_squeeze %dma_wait3A_54 : memref<1x125x80xi32, #tpu.memory_space<hbm>> -> memref<125x80xi32, #tpu.memory_space<hbm>>
      %dma_wait3A_56 = arith.constant 0 : i32
      %dma_wait3A_57 = arith.constant 0 : i32
      %dma_wait3A_58 = tpu.memref_slice %arg2[%add3A, %dma_wait3A_56, %dma_wait3A_57] : memref<32x125x80xi32, #tpu.memory_space<hbm>> -> memref<1x125x80xi32, #tpu.memory_space<hbm>>
      %dma_wait3A_59 = tpu.memref_squeeze %dma_wait3A_58 : memref<1x125x80xi32, #tpu.memory_space<hbm>> -> memref<125x80xi32, #tpu.memory_space<hbm>>
      tpu.wait_dma2 semaphore(%run_scoped3A : memref<!tpu.dma_semaphore, #tpu.memory_space<semaphore_mem>>) src(%dma_wait3A_59 : memref<125x80xi32, #tpu.memory_space<hbm>>) dst(%arg4 : memref<125x80xi32, #tpu.memory_space<vmem>>)
      tpu.yield
    }) : () -> ()
    %scan3A = arith.constant 0 : i32
    %scan3A_1 = arith.constant 40 : i32
    %scan3A_2 = arith.addi %scan3A, %scan3A_1 : i32
    %scan3A_3 = arith.constant 1 : i32
    scf.for %scan3A_45 = %scan3A to %scan3A_2 step %scan3A_3  : i32 {
      %mul3A_46 = arith.constant 16 : i32
      %mul3A_47 = arith.muli %scan3A_45, %mul3A_46 : i32
      %add3A_48 = arith.constant 0 : i32
      %add3A_49 = arith.addi %add3A_48, %mul3A_47 : i32
      %broadcast_in_dim3A = arith.constant 0.000000e+00 : f32
      %broadcast_in_dim3A_50 = vector.broadcast %broadcast_in_dim3A : f32 to vector<16xf32>
      %swap3A = arith.index_cast %add3A_49 : i32 to index
      %swap3A_51 = tpu.vector_load %arg6[%swap3A] {strides = array<i32>} : memref<640xf32, #tpu.memory_space<vmem>>, vector<16xf32>,
      %swap3A_52 = vector.shape_cast %swap3A_51 : vector<16xf32> to vector<16xf32>
      %swap3A_53 = vector.shape_cast %broadcast_in_dim3A_50 : vector<16xf32> to vector<16xf32>
      tpu.vector_store %arg6[%swap3A], %swap3A_53 {strides = array<i32>} : memref<640xf32, #tpu.memory_space<vmem>>, vector<16xf32>,
    }
    %scan3A_4 = arith.constant 40 : i32
    %mul3A_5 = arith.constant 640 : i32
    %mul3A_6 = arith.muli %arg1, %mul3A_5 : i32
    "tpu.region"() ({
      %run_scoped3A = tpu.sem_alloc : memref<!tpu.dma_semaphore, #tpu.memory_space<semaphore_mem>>
      %dma_start3A = tpu.memref_slice %arg7[%mul3A_6] : memref<10240xf32, #tpu.memory_space<vmem_shared>> -> memref<640xf32, #tpu.memory_space<vmem_shared>>
      %dma_start3A_45 = tpu.memref_slice %arg7[%mul3A_6] : memref<10240xf32, #tpu.memory_space<vmem_shared>> -> memref<640xf32, #tpu.memory_space<vmem_shared>>
      tpu.enqueue_dma source(%arg6 : memref<640xf32, #tpu.memory_space<vmem>>) target(%dma_start3A_45 : memref<640xf32, #tpu.memory_space<vmem_shared>>) target_semaphore(%run_scoped3A : memref<!tpu.dma_semaphore, #tpu.memory_space<semaphore_mem>>)
      %dma_wait3A_46 = tpu.memref_slice %arg7[%mul3A_6] : memref<10240xf32, #tpu.memory_space<vmem_shared>> -> memref<640xf32, #tpu.memory_space<vmem_shared>>
      %dma_wait3A_47 = tpu.memref_slice %arg7[%mul3A_6] : memref<10240xf32, #tpu.memory_space<vmem_shared>> -> memref<640xf32, #tpu.memory_space<vmem_shared>>
      tpu.wait_dma2 semaphore(%run_scoped3A : memref<!tpu.dma_semaphore, #tpu.memory_space<semaphore_mem>>) src(%arg6 : memref<640xf32, #tpu.memory_space<vmem>>) dst(%dma_wait3A_47 : memref<640xf32, #tpu.memory_space<vmem_shared>>)
      tpu.yield
    }) : () -> ()
    %scan3A_7 = arith.constant 0 : i32
    %scan3A_8 = arith.constant 5 : i32
    %scan3A_9 = arith.addi %scan3A_7, %scan3A_8 : i32
    %scan3A_10 = arith.constant 1 : i32
    scf.for %scan3A_45 = %scan3A_7 to %scan3A_9 step %scan3A_10  : i32 {
      %mul3A_46 = arith.constant 16 : i32
      %mul3A_47 = arith.muli %scan3A_45, %mul3A_46 : i32
      %add3A_48 = arith.constant 0 : i32
      %add3A_49 = arith.addi %add3A_48, %mul3A_47 : i32
      %broadcast_in_dim3A = arith.constant 1.000000e+00 : f32
      %broadcast_in_dim3A_50 = vector.broadcast %broadcast_in_dim3A : f32 to vector<16xf32>
      %swap3A = arith.index_cast %add3A_49 : i32 to index
      %swap3A_51 = tpu.vector_load %arg5[%swap3A] {strides = array<i32>} : memref<80xf32, #tpu.memory_space<vmem>>, vector<16xf32>,
      %swap3A_52 = vector.shape_cast %swap3A_51 : vector<16xf32> to vector<16xf32>
      %swap3A_53 = vector.shape_cast %broadcast_in_dim3A_50 : vector<16xf32> to vector<16xf32>
      tpu.vector_store %arg5[%swap3A], %swap3A_53 {strides = array<i32>} : memref<80xf32, #tpu.memory_space<vmem>>, vector<16xf32>,
    }
    %scan3A_11 = arith.constant 5 : i32
    %barrier3A = arith.constant 0 : index
    tpu.barrier barrier_id(%barrier3A)
    %scan3A_12 = arith.constant 0 : i32
    %scan3A_13 = arith.constant 125 : i32
    %scan3A_14 = arith.addi %scan3A_12, %scan3A_13 : i32
    %scan3A_15 = arith.constant 1 : i32
    scf.for %scan3A_45 = %scan3A_12 to %scan3A_14 step %scan3A_15  : i32 {
      %mul3A_46 = arith.constant 1 : i32
      %mul3A_47 = arith.muli %scan3A_45, %mul3A_46 : i32
      %add3A_48 = arith.constant 0 : i32
      %add3A_49 = arith.addi %add3A_48, %mul3A_47 : i32
      %dma_start3A = arith.constant 0 : i32
      %dma_start3A_50 = tpu.memref_slice %arg4[%add3A_49, %dma_start3A] : memref<125x80xi32, #tpu.memory_space<vmem>> -> memref<1x80xi32, #tpu.memory_space<vmem>>
      %dma_start3A_51 = tpu.memref_squeeze %dma_start3A_50 : memref<1x80xi32, #tpu.memory_space<vmem>> -> memref<80xi32, #tpu.memory_space<vmem>>
      %dma_start3A_52 = arith.constant 0 : i32
      %dma_start3A_53 = tpu.memref_slice %arg7[%dma_start3A_52] : memref<10240xf32, #tpu.memory_space<vmem_shared>> -> memref<10240xf32, #tpu.memory_space<vmem_shared>>
      tpu.enqueue_indirect_dma source(%arg5 : memref<80xf32, #tpu.memory_space<vmem>>) target(%dma_start3A_53 : memref<10240xf32, #tpu.memory_space<vmem_shared>>) offsets(%dma_start3A_51 : memref<80xi32, #tpu.memory_space<vmem>>) semaphore(%arg8 : memref<!tpu.dma_semaphore, #tpu.memory_space<semaphore_mem>>) {add = true}
      %ge3A = arith.constant 4 : i32
      %ge3A_54 = arith.cmpi sge, %add3A_49, %ge3A : i32
      %convert_element_type3A = arith.extui %ge3A_54 : i1 to i32
      %cond3A = arith.constant 0 : i32
      %cond3A_55 = arith.cmpi ne, %convert_element_type3A, %cond3A : i32
      scf.if %cond3A_55 {
        %dma_wait3A_56 = arith.constant 0 : i32
        %dma_wait3A_57 = arith.constant 0 : i32
        %dma_wait3A_58 = tpu.memref_slice %arg4[%dma_wait3A_56, %dma_wait3A_57] : memref<125x80xi32, #tpu.memory_space<vmem>> -> memref<1x80xi32, #tpu.memory_space<vmem>>
        %dma_wait3A_59 = tpu.memref_squeeze %dma_wait3A_58 : memref<1x80xi32, #tpu.memory_space<vmem>> -> memref<80xi32, #tpu.memory_space<vmem>>
        %dma_wait3A_60 = arith.constant 0 : i32
        %dma_wait3A_61 = tpu.memref_slice %arg7[%dma_wait3A_60] : memref<10240xf32, #tpu.memory_space<vmem_shared>> -> memref<10240xf32, #tpu.memory_space<vmem_shared>>
        tpu.wait_indirect_dma semaphore(%arg8 : memref<!tpu.dma_semaphore, #tpu.memory_space<semaphore_mem>>) src(%arg5 : memref<80xf32, #tpu.memory_space<vmem>>) dst(%dma_wait3A_61 : memref<10240xf32, #tpu.memory_space<vmem_shared>>)
      } else {
      }
    }
    %scan3A_16 = arith.constant 125 : i32
    %dma_wait3A = arith.constant 0 : i32
    %dma_wait3A_17 = arith.constant 0 : i32
    %dma_wait3A_18 = tpu.memref_slice %arg4[%dma_wait3A, %dma_wait3A_17] : memref<125x80xi32, #tpu.memory_space<vmem>> -> memref<1x80xi32, #tpu.memory_space<vmem>>
    %dma_wait3A_19 = tpu.memref_squeeze %dma_wait3A_18 : memref<1x80xi32, #tpu.memory_space<vmem>> -> memref<80xi32, #tpu.memory_space<vmem>>
    %dma_wait3A_20 = arith.constant 0 : i32
    %dma_wait3A_21 = tpu.memref_slice %arg7[%dma_wait3A_20] : memref<10240xf32, #tpu.memory_space<vmem_shared>> -> memref<10240xf32, #tpu.memory_space<vmem_shared>>
    tpu.wait_indirect_dma semaphore(%arg8 : memref<!tpu.dma_semaphore, #tpu.memory_space<semaphore_mem>>) src(%arg5 : memref<80xf32, #tpu.memory_space<vmem>>) dst(%dma_wait3A_21 : memref<10240xf32, #tpu.memory_space<vmem_shared>>)
    %dma_wait3A_22 = arith.constant 0 : i32
    %dma_wait3A_23 = arith.constant 0 : i32
    %dma_wait3A_24 = tpu.memref_slice %arg4[%dma_wait3A_22, %dma_wait3A_23] : memref<125x80xi32, #tpu.memory_space<vmem>> -> memref<1x80xi32, #tpu.memory_space<vmem>>
    %dma_wait3A_25 = tpu.memref_squeeze %dma_wait3A_24 : memref<1x80xi32, #tpu.memory_space<vmem>> -> memref<80xi32, #tpu.memory_space<vmem>>
    %dma_wait3A_26 = arith.constant 0 : i32
    %dma_wait3A_27 = tpu.memref_slice %arg7[%dma_wait3A_26] : memref<10240xf32, #tpu.memory_space<vmem_shared>> -> memref<10240xf32, #tpu.memory_space<vmem_shared>>
    tpu.wait_indirect_dma semaphore(%arg8 : memref<!tpu.dma_semaphore, #tpu.memory_space<semaphore_mem>>) src(%arg5 : memref<80xf32, #tpu.memory_space<vmem>>) dst(%dma_wait3A_27 : memref<10240xf32, #tpu.memory_space<vmem_shared>>)
    %dma_wait3A_28 = arith.constant 0 : i32
    %dma_wait3A_29 = arith.constant 0 : i32
    %dma_wait3A_30 = tpu.memref_slice %arg4[%dma_wait3A_28, %dma_wait3A_29] : memref<125x80xi32, #tpu.memory_space<vmem>> -> memref<1x80xi32, #tpu.memory_space<vmem>>
    %dma_wait3A_31 = tpu.memref_squeeze %dma_wait3A_30 : memref<1x80xi32, #tpu.memory_space<vmem>> -> memref<80xi32, #tpu.memory_space<vmem>>
    %dma_wait3A_32 = arith.constant 0 : i32
    %dma_wait3A_33 = tpu.memref_slice %arg7[%dma_wait3A_32] : memref<10240xf32, #tpu.memory_space<vmem_shared>> -> memref<10240xf32, #tpu.memory_space<vmem_shared>>
    tpu.wait_indirect_dma semaphore(%arg8 : memref<!tpu.dma_semaphore, #tpu.memory_space<semaphore_mem>>) src(%arg5 : memref<80xf32, #tpu.memory_space<vmem>>) dst(%dma_wait3A_33 : memref<10240xf32, #tpu.memory_space<vmem_shared>>)
    %dma_wait3A_34 = arith.constant 0 : i32
    %dma_wait3A_35 = arith.constant 0 : i32
    %dma_wait3A_36 = tpu.memref_slice %arg4[%dma_wait3A_34, %dma_wait3A_35] : memref<125x80xi32, #tpu.memory_space<vmem>> -> memref<1x80xi32, #tpu.memory_space<vmem>>
    %dma_wait3A_37 = tpu.memref_squeeze %dma_wait3A_36 : memref<1x80xi32, #tpu.memory_space<vmem>> -> memref<80xi32, #tpu.memory_space<vmem>>
    %dma_wait3A_38 = arith.constant 0 : i32
    %dma_wait3A_39 = tpu.memref_slice %arg7[%dma_wait3A_38] : memref<10240xf32, #tpu.memory_space<vmem_shared>> -> memref<10240xf32, #tpu.memory_space<vmem_shared>>
    tpu.wait_indirect_dma semaphore(%arg8 : memref<!tpu.dma_semaphore, #tpu.memory_space<semaphore_mem>>) src(%arg5 : memref<80xf32, #tpu.memory_space<vmem>>) dst(%dma_wait3A_39 : memref<10240xf32, #tpu.memory_space<vmem_shared>>)
    %barrier3A_40 = arith.constant 0 : index
    tpu.barrier barrier_id(%barrier3A_40)
    %mul3A_41 = arith.constant 640 : i32
    %mul3A_42 = arith.muli %arg1, %mul3A_41 : i32
    %mul3A_43 = arith.constant 640 : i32
    %mul3A_44 = arith.muli %arg1, %mul3A_43 : i32
    "tpu.region"() ({
      %run_scoped3A = tpu.sem_alloc : memref<!tpu.dma_semaphore, #tpu.memory_space<semaphore_mem>>
      %dma_start3A = tpu.memref_slice %arg3[%arg0, %mul3A_44] : memref<2x10240xf32, #tpu.memory_space<hbm>> -> memref<1x640xf32, #tpu.memory_space<hbm>>
      %dma_start3A_45 = tpu.memref_squeeze %dma_start3A : memref<1x640xf32, #tpu.memory_space<hbm>> -> memref<640xf32, #tpu.memory_space<hbm>>
      %dma_start3A_46 = tpu.memref_slice %arg7[%mul3A_42] : memref<10240xf32, #tpu.memory_space<vmem_shared>> -> memref<640xf32, #tpu.memory_space<vmem_shared>>
      tpu.enqueue_dma source(%dma_start3A_46 : memref<640xf32, #tpu.memory_space<vmem_shared>>) target(%dma_start3A_45 : memref<640xf32, #tpu.memory_space<hbm>>) target_semaphore(%run_scoped3A : memref<!tpu.dma_semaphore, #tpu.memory_space<semaphore_mem>>)
      %dma_wait3A_47 = tpu.memref_slice %arg3[%arg0, %mul3A_44] : memref<2x10240xf32, #tpu.memory_space<hbm>> -> memref<1x640xf32, #tpu.memory_space<hbm>>
      %dma_wait3A_48 = tpu.memref_squeeze %dma_wait3A_47 : memref<1x640xf32, #tpu.memory_space<hbm>> -> memref<640xf32, #tpu.memory_space<hbm>>
      %dma_wait3A_49 = tpu.memref_slice %arg7[%mul3A_42] : memref<10240xf32, #tpu.memory_space<vmem_shared>> -> memref<640xf32, #tpu.memory_space<vmem_shared>>
      tpu.wait_dma2 semaphore(%run_scoped3A : memref<!tpu.dma_semaphore, #tpu.memory_space<semaphore_mem>>) src(%dma_wait3A_49 : memref<640xf32, #tpu.memory_space<vmem_shared>>) dst(%dma_wait3A_48 : memref<640xf32, #tpu.memory_space<hbm>>)
      tpu.yield
    }) : () -> ()
    return
  }
}

#map = affine_map<(d0, d1) -> (0, 0)>
#map1 = affine_map<(d0, d1) -> (0)>
#map2 = affine_map<(d0, d1) -> (0, 0, 0)>
module attributes {stable_mosaic.version = 14 : i64} {
  func.func @_agg_body(%arg0: i32, %arg1: i32, %arg2: memref<10000x128xf32, #tpu.memory_space<hbm>>, %arg3: memref<320000xi32, #tpu.memory_space<hbm>>, %arg4: memref<32x125x80xi32, #tpu.memory_space<hbm>>, %arg5: memref<2x10000x128xf32, #tpu.memory_space<hbm>>, %arg6: memref<10000xi32, #tpu.memory_space<vmem>>, %arg7: memref<80xi32, #tpu.memory_space<vmem>>, %arg8: memref<80xi32, #tpu.memory_space<vmem>>, %arg9: memref<80xi32, #tpu.memory_space<vmem>>, %arg10: memref<80x128xf32, #tpu.memory_space<vmem>>, %arg11: memref<80x128xf32, #tpu.memory_space<vmem>>, %arg12: memref<80x128xf32, #tpu.memory_space<vmem>>, %arg13: memref<10000x128xf32, #tpu.memory_space<vmem_shared>>, %arg14: memref<!tpu.dma_semaphore, #tpu.memory_space<semaphore_mem>>, %arg15: memref<!tpu.dma_semaphore, #tpu.memory_space<semaphore_mem>>, %arg16: memref<!tpu.dma_semaphore, #tpu.memory_space<semaphore_mem>>, %arg17: memref<!tpu.dma_semaphore, #tpu.memory_space<semaphore_mem>>, %arg18: memref<!tpu.dma_semaphore, #tpu.memory_space<semaphore_mem>>, %arg19: memref<!tpu.dma_semaphore, #tpu.memory_space<semaphore_mem>>, %arg20: memref<!tpu.dma_semaphore, #tpu.memory_space<semaphore_mem>>, %arg21: memref<!tpu.dma_semaphore, #tpu.memory_space<semaphore_mem>>, %arg22: memref<!tpu.dma_semaphore, #tpu.memory_space<semaphore_mem>>) attributes {dimension_semantics = [#tpu.dimension_semantics<core_parallel>, #tpu.dimension_semantics<subcore_parallel>], iteration_bounds = array<i64: 2, 16>, scalar_prefetch = 0 : i64, scratch_operands = 17 : i64, tpu.core_type = #tpu.core_type<sc_vector_subcore>, window_params = [{transform_indices = #map}, {transform_indices = #map1}, {transform_indices = #map2}, {transform_indices = #map2}]} {
    %mul3A = arith.constant 2 : i32
    %mul3A_0 = arith.muli %arg1, %mul3A : i32
    %add3A = arith.addi %mul3A_0, %arg0 : i32
    %mul3A_1 = arith.constant 10000 : i32
    %mul3A_2 = arith.muli %add3A, %mul3A_1 : i32
    %multiple_of3A = tpu.assume_multiple %mul3A_2, 8 : i32
    "tpu.region"() ({
      %run_scoped3A = tpu.sem_alloc : memref<!tpu.dma_semaphore, #tpu.memory_space<semaphore_mem>>
      %dma_start3A_96 = tpu.memref_slice %arg3[%multiple_of3A] : memref<320000xi32, #tpu.memory_space<hbm>> -> memref<10000xi32, #tpu.memory_space<hbm>>
      %dma_start3A_97 = tpu.memref_slice %arg3[%multiple_of3A] : memref<320000xi32, #tpu.memory_space<hbm>> -> memref<10000xi32, #tpu.memory_space<hbm>>
      tpu.enqueue_dma source(%dma_start3A_97 : memref<10000xi32, #tpu.memory_space<hbm>>) target(%arg6 : memref<10000xi32, #tpu.memory_space<vmem>>) target_semaphore(%run_scoped3A : memref<!tpu.dma_semaphore, #tpu.memory_space<semaphore_mem>>)
      %dma_wait3A_98 = tpu.memref_slice %arg3[%multiple_of3A] : memref<320000xi32, #tpu.memory_space<hbm>> -> memref<10000xi32, #tpu.memory_space<hbm>>
      %dma_wait3A_99 = tpu.memref_slice %arg3[%multiple_of3A] : memref<320000xi32, #tpu.memory_space<hbm>> -> memref<10000xi32, #tpu.memory_space<hbm>>
      tpu.wait_dma2 semaphore(%run_scoped3A : memref<!tpu.dma_semaphore, #tpu.memory_space<semaphore_mem>>) src(%dma_wait3A_99 : memref<10000xi32, #tpu.memory_space<hbm>>) dst(%arg6 : memref<10000xi32, #tpu.memory_space<vmem>>)
      tpu.yield
    }) : () -> ()
    %mul3A_3 = arith.constant 624 : i32
    %mul3A_4 = arith.muli %arg1, %mul3A_3 : i32
    %mul3A_5 = arith.constant 624 : i32
    %mul3A_6 = arith.muli %arg1, %mul3A_5 : i32
    "tpu.region"() ({
      %run_scoped3A = tpu.sem_alloc : memref<!tpu.dma_semaphore, #tpu.memory_space<semaphore_mem>>
      %dma_start3A_96 = arith.constant 0 : i32
      %dma_start3A_97 = tpu.memref_slice %arg13[%mul3A_6, %dma_start3A_96] : memref<10000x128xf32, #tpu.memory_space<vmem_shared>> -> memref<624x128xf32, #tpu.memory_space<vmem_shared>>
      %dma_start3A_98 = arith.constant 0 : i32
      %dma_start3A_99 = tpu.memref_slice %arg2[%mul3A_4, %dma_start3A_98] : memref<10000x128xf32, #tpu.memory_space<hbm>> -> memref<624x128xf32, #tpu.memory_space<hbm>>
      tpu.enqueue_dma source(%dma_start3A_99 : memref<624x128xf32, #tpu.memory_space<hbm>>) target(%dma_start3A_97 : memref<624x128xf32, #tpu.memory_space<vmem_shared>>) target_semaphore(%run_scoped3A : memref<!tpu.dma_semaphore, #tpu.memory_space<semaphore_mem>>)
      %dma_wait3A_100 = arith.constant 0 : i32
      %dma_wait3A_101 = tpu.memref_slice %arg13[%mul3A_6, %dma_wait3A_100] : memref<10000x128xf32, #tpu.memory_space<vmem_shared>> -> memref<624x128xf32, #tpu.memory_space<vmem_shared>>
      %dma_wait3A_102 = arith.constant 0 : i32
      %dma_wait3A_103 = tpu.memref_slice %arg2[%mul3A_4, %dma_wait3A_102] : memref<10000x128xf32, #tpu.memory_space<hbm>> -> memref<624x128xf32, #tpu.memory_space<hbm>>
      tpu.wait_dma2 semaphore(%run_scoped3A : memref<!tpu.dma_semaphore, #tpu.memory_space<semaphore_mem>>) src(%dma_wait3A_103 : memref<624x128xf32, #tpu.memory_space<hbm>>) dst(%dma_wait3A_101 : memref<624x128xf32, #tpu.memory_space<vmem_shared>>)
      tpu.yield
    }) : () -> ()
    %eq3A = arith.constant 15 : i32
    %eq3A_7 = arith.cmpi eq, %arg1, %eq3A : i32
    %convert_element_type3A = arith.extui %eq3A_7 : i1 to i32
    %cond3A = arith.constant 0 : i32
    %cond3A_8 = arith.cmpi ne, %convert_element_type3A, %cond3A : i32
    scf.if %cond3A_8 {
      "tpu.region"() ({
        %run_scoped3A = tpu.sem_alloc : memref<!tpu.dma_semaphore, #tpu.memory_space<semaphore_mem>>
        %dma_start3A_96 = arith.constant 9984 : i32
        %dma_start3A_97 = arith.constant 0 : i32
        %dma_start3A_98 = tpu.memref_slice %arg13[%dma_start3A_96, %dma_start3A_97] : memref<10000x128xf32, #tpu.memory_space<vmem_shared>> -> memref<16x128xf32, #tpu.memory_space<vmem_shared>>
        %dma_start3A_99 = arith.constant 9984 : i32
        %dma_start3A_100 = arith.constant 0 : i32
        %dma_start3A_101 = tpu.memref_slice %arg2[%dma_start3A_99, %dma_start3A_100] : memref<10000x128xf32, #tpu.memory_space<hbm>> -> memref<16x128xf32, #tpu.memory_space<hbm>>
        tpu.enqueue_dma source(%dma_start3A_101 : memref<16x128xf32, #tpu.memory_space<hbm>>) target(%dma_start3A_98 : memref<16x128xf32, #tpu.memory_space<vmem_shared>>) target_semaphore(%run_scoped3A : memref<!tpu.dma_semaphore, #tpu.memory_space<semaphore_mem>>)
        %dma_wait3A_102 = arith.constant 9984 : i32
        %dma_wait3A_103 = arith.constant 0 : i32
        %dma_wait3A_104 = tpu.memref_slice %arg13[%dma_wait3A_102, %dma_wait3A_103] : memref<10000x128xf32, #tpu.memory_space<vmem_shared>> -> memref<16x128xf32, #tpu.memory_space<vmem_shared>>
        %dma_wait3A_105 = arith.constant 9984 : i32
        %dma_wait3A_106 = arith.constant 0 : i32
        %dma_wait3A_107 = tpu.memref_slice %arg2[%dma_wait3A_105, %dma_wait3A_106] : memref<10000x128xf32, #tpu.memory_space<hbm>> -> memref<16x128xf32, #tpu.memory_space<hbm>>
        tpu.wait_dma2 semaphore(%run_scoped3A : memref<!tpu.dma_semaphore, #tpu.memory_space<semaphore_mem>>) src(%dma_wait3A_107 : memref<16x128xf32, #tpu.memory_space<hbm>>) dst(%dma_wait3A_104 : memref<16x128xf32, #tpu.memory_space<vmem_shared>>)
        tpu.yield
      }) : () -> ()
    } else {
    }
    %barrier3A = arith.constant 0 : index
    tpu.barrier barrier_id(%barrier3A)
    %dma_start3A = arith.constant 0 : i32
    %dma_start3A_9 = arith.constant 0 : i32
    %dma_start3A_10 = tpu.memref_slice %arg4[%add3A, %dma_start3A, %dma_start3A_9] : memref<32x125x80xi32, #tpu.memory_space<hbm>> -> memref<1x1x80xi32, #tpu.memory_space<hbm>>
    %dma_start3A_11 = tpu.memref_squeeze %dma_start3A_10 : memref<1x1x80xi32, #tpu.memory_space<hbm>> -> memref<80xi32, #tpu.memory_space<hbm>>
    %dma_start3A_12 = arith.constant 0 : i32
    %dma_start3A_13 = tpu.memref_slice %arg4[%add3A, %dma_start3A, %dma_start3A_12] : memref<32x125x80xi32, #tpu.memory_space<hbm>> -> memref<1x1x80xi32, #tpu.memory_space<hbm>>
    %dma_start3A_14 = tpu.memref_squeeze %dma_start3A_13 : memref<1x1x80xi32, #tpu.memory_space<hbm>> -> memref<80xi32, #tpu.memory_space<hbm>>
    tpu.enqueue_dma source(%dma_start3A_14 : memref<80xi32, #tpu.memory_space<hbm>>) target(%arg7 : memref<80xi32, #tpu.memory_space<vmem>>) target_semaphore(%arg17 : memref<!tpu.dma_semaphore, #tpu.memory_space<semaphore_mem>>)
    %multiple_of3A_15 = arith.constant 0 : i32
    %multiple_of3A_16 = tpu.assume_multiple %multiple_of3A_15, 8 : i32
    %dma_start3A_17 = tpu.memref_slice %arg6[%multiple_of3A_16] : memref<10000xi32, #tpu.memory_space<vmem>> -> memref<80xi32, #tpu.memory_space<vmem>>
    %dma_start3A_18 = arith.constant 0 : i32
    %dma_start3A_19 = arith.constant 0 : i32
    %dma_start3A_20 = tpu.memref_slice %arg2[%dma_start3A_18, %dma_start3A_19] : memref<10000x128xf32, #tpu.memory_space<hbm>> -> memref<10000x128xf32, #tpu.memory_space<hbm>>
    tpu.enqueue_indirect_dma source(%dma_start3A_20 : memref<10000x128xf32, #tpu.memory_space<hbm>>) target(%arg10 : memref<80x128xf32, #tpu.memory_space<vmem>>) offsets(%dma_start3A_17 : memref<80xi32, #tpu.memory_space<vmem>>) semaphore(%arg14 : memref<!tpu.dma_semaphore, #tpu.memory_space<semaphore_mem>>)
    %dma_start3A_21 = arith.constant 1 : i32
    %dma_start3A_22 = arith.constant 0 : i32
    %dma_start3A_23 = tpu.memref_slice %arg4[%add3A, %dma_start3A_21, %dma_start3A_22] : memref<32x125x80xi32, #tpu.memory_space<hbm>> -> memref<1x1x80xi32, #tpu.memory_space<hbm>>
    %dma_start3A_24 = tpu.memref_squeeze %dma_start3A_23 : memref<1x1x80xi32, #tpu.memory_space<hbm>> -> memref<80xi32, #tpu.memory_space<hbm>>
    %dma_start3A_25 = arith.constant 0 : i32
    %dma_start3A_26 = tpu.memref_slice %arg4[%add3A, %dma_start3A_21, %dma_start3A_25] : memref<32x125x80xi32, #tpu.memory_space<hbm>> -> memref<1x1x80xi32, #tpu.memory_space<hbm>>
    %dma_start3A_27 = tpu.memref_squeeze %dma_start3A_26 : memref<1x1x80xi32, #tpu.memory_space<hbm>> -> memref<80xi32, #tpu.memory_space<hbm>>
    tpu.enqueue_dma source(%dma_start3A_27 : memref<80xi32, #tpu.memory_space<hbm>>) target(%arg8 : memref<80xi32, #tpu.memory_space<vmem>>) target_semaphore(%arg18 : memref<!tpu.dma_semaphore, #tpu.memory_space<semaphore_mem>>)
    %multiple_of3A_28 = arith.constant 80 : i32
    %multiple_of3A_29 = tpu.assume_multiple %multiple_of3A_28, 8 : i32
    %dma_start3A_30 = tpu.memref_slice %arg6[%multiple_of3A_29] : memref<10000xi32, #tpu.memory_space<vmem>> -> memref<80xi32, #tpu.memory_space<vmem>>
    %dma_start3A_31 = arith.constant 0 : i32
    %dma_start3A_32 = arith.constant 0 : i32
    %dma_start3A_33 = tpu.memref_slice %arg2[%dma_start3A_31, %dma_start3A_32] : memref<10000x128xf32, #tpu.memory_space<hbm>> -> memref<10000x128xf32, #tpu.memory_space<hbm>>
    tpu.enqueue_indirect_dma source(%dma_start3A_33 : memref<10000x128xf32, #tpu.memory_space<hbm>>) target(%arg11 : memref<80x128xf32, #tpu.memory_space<vmem>>) offsets(%dma_start3A_30 : memref<80xi32, #tpu.memory_space<vmem>>) semaphore(%arg15 : memref<!tpu.dma_semaphore, #tpu.memory_space<semaphore_mem>>)
    %dma_start3A_34 = arith.constant 2 : i32
    %dma_start3A_35 = arith.constant 0 : i32
    %dma_start3A_36 = tpu.memref_slice %arg4[%add3A, %dma_start3A_34, %dma_start3A_35] : memref<32x125x80xi32, #tpu.memory_space<hbm>> -> memref<1x1x80xi32, #tpu.memory_space<hbm>>
    %dma_start3A_37 = tpu.memref_squeeze %dma_start3A_36 : memref<1x1x80xi32, #tpu.memory_space<hbm>> -> memref<80xi32, #tpu.memory_space<hbm>>
    %dma_start3A_38 = arith.constant 0 : i32
    %dma_start3A_39 = tpu.memref_slice %arg4[%add3A, %dma_start3A_34, %dma_start3A_38] : memref<32x125x80xi32, #tpu.memory_space<hbm>> -> memref<1x1x80xi32, #tpu.memory_space<hbm>>
    %dma_start3A_40 = tpu.memref_squeeze %dma_start3A_39 : memref<1x1x80xi32, #tpu.memory_space<hbm>> -> memref<80xi32, #tpu.memory_space<hbm>>
    tpu.enqueue_dma source(%dma_start3A_40 : memref<80xi32, #tpu.memory_space<hbm>>) target(%arg9 : memref<80xi32, #tpu.memory_space<vmem>>) target_semaphore(%arg19 : memref<!tpu.dma_semaphore, #tpu.memory_space<semaphore_mem>>)
    %multiple_of3A_41 = arith.constant 160 : i32
    %multiple_of3A_42 = tpu.assume_multiple %multiple_of3A_41, 8 : i32
    %dma_start3A_43 = tpu.memref_slice %arg6[%multiple_of3A_42] : memref<10000xi32, #tpu.memory_space<vmem>> -> memref<80xi32, #tpu.memory_space<vmem>>
    %dma_start3A_44 = arith.constant 0 : i32
    %dma_start3A_45 = arith.constant 0 : i32
    %dma_start3A_46 = tpu.memref_slice %arg2[%dma_start3A_44, %dma_start3A_45] : memref<10000x128xf32, #tpu.memory_space<hbm>> -> memref<10000x128xf32, #tpu.memory_space<hbm>>
    tpu.enqueue_indirect_dma source(%dma_start3A_46 : memref<10000x128xf32, #tpu.memory_space<hbm>>) target(%arg12 : memref<80x128xf32, #tpu.memory_space<vmem>>) offsets(%dma_start3A_43 : memref<80xi32, #tpu.memory_space<vmem>>) semaphore(%arg16 : memref<!tpu.dma_semaphore, #tpu.memory_space<semaphore_mem>>)
    %scan3A = arith.constant 0 : i32
    %scan3A_47 = arith.constant 41 : i32
    %scan3A_48 = arith.addi %scan3A, %scan3A_47 : i32
    %scan3A_49 = arith.constant 1 : i32
    scf.for %scan3A_96 = %scan3A to %scan3A_48 step %scan3A_49  : i32 {
      %mul3A_97 = arith.constant 3 : i32
      %mul3A_98 = arith.muli %scan3A_96, %mul3A_97 : i32
      %add3A_99 = arith.constant 0 : i32
      %add3A_100 = arith.addi %add3A_99, %mul3A_98 : i32
      %dma_wait3A_101 = arith.constant 0 : i32
      %dma_wait3A_102 = arith.constant 0 : i32
      %dma_wait3A_103 = tpu.memref_slice %arg4[%add3A, %dma_wait3A_101, %dma_wait3A_102] : memref<32x125x80xi32, #tpu.memory_space<hbm>> -> memref<1x1x80xi32, #tpu.memory_space<hbm>>
      %dma_wait3A_104 = tpu.memref_squeeze %dma_wait3A_103 : memref<1x1x80xi32, #tpu.memory_space<hbm>> -> memref<80xi32, #tpu.memory_space<hbm>>
      %dma_wait3A_105 = arith.constant 0 : i32
      %dma_wait3A_106 = tpu.memref_slice %arg4[%add3A, %dma_wait3A_101, %dma_wait3A_105] : memref<32x125x80xi32, #tpu.memory_space<hbm>> -> memref<1x1x80xi32, #tpu.memory_space<hbm>>
      %dma_wait3A_107 = tpu.memref_squeeze %dma_wait3A_106 : memref<1x1x80xi32, #tpu.memory_space<hbm>> -> memref<80xi32, #tpu.memory_space<hbm>>
      tpu.wait_dma2 semaphore(%arg17 : memref<!tpu.dma_semaphore, #tpu.memory_space<semaphore_mem>>) src(%dma_wait3A_107 : memref<80xi32, #tpu.memory_space<hbm>>) dst(%arg7 : memref<80xi32, #tpu.memory_space<vmem>>)
      %dma_wait3A_108 = arith.constant 0 : i32
      %dma_wait3A_109 = tpu.memref_slice %arg6[%dma_wait3A_108] : memref<10000xi32, #tpu.memory_space<vmem>> -> memref<80xi32, #tpu.memory_space<vmem>>
      %dma_wait3A_110 = arith.constant 0 : i32
      %dma_wait3A_111 = arith.constant 0 : i32
      %dma_wait3A_112 = tpu.memref_slice %arg2[%dma_wait3A_110, %dma_wait3A_111] : memref<10000x128xf32, #tpu.memory_space<hbm>> -> memref<10000x128xf32, #tpu.memory_space<hbm>>
      tpu.wait_indirect_dma semaphore(%arg14 : memref<!tpu.dma_semaphore, #tpu.memory_space<semaphore_mem>>) src(%dma_wait3A_112 : memref<10000x128xf32, #tpu.memory_space<hbm>>) dst(%arg10 : memref<80x128xf32, #tpu.memory_space<vmem>>)
      %dma_start3A_113 = arith.constant 0 : i32
      %dma_start3A_114 = arith.constant 0 : i32
      %dma_start3A_115 = tpu.memref_slice %arg13[%dma_start3A_113, %dma_start3A_114] : memref<10000x128xf32, #tpu.memory_space<vmem_shared>> -> memref<10000x128xf32, #tpu.memory_space<vmem_shared>>
      tpu.enqueue_indirect_dma source(%arg10 : memref<80x128xf32, #tpu.memory_space<vmem>>) target(%dma_start3A_115 : memref<10000x128xf32, #tpu.memory_space<vmem_shared>>) offsets(%arg7 : memref<80xi32, #tpu.memory_space<vmem>>) semaphore(%arg20 : memref<!tpu.dma_semaphore, #tpu.memory_space<semaphore_mem>>) {add = true}
      %dma_wait3A_116 = arith.constant 0 : i32
      %dma_wait3A_117 = arith.constant 0 : i32
      %dma_wait3A_118 = tpu.memref_slice %arg13[%dma_wait3A_116, %dma_wait3A_117] : memref<10000x128xf32, #tpu.memory_space<vmem_shared>> -> memref<10000x128xf32, #tpu.memory_space<vmem_shared>>
      tpu.wait_indirect_dma semaphore(%arg20 : memref<!tpu.dma_semaphore, #tpu.memory_space<semaphore_mem>>) src(%arg10 : memref<80x128xf32, #tpu.memory_space<vmem>>) dst(%dma_wait3A_118 : memref<10000x128xf32, #tpu.memory_space<vmem_shared>>)
      %add3A_119 = arith.constant 0 : i32
      %add3A_120 = arith.addi %add3A_100, %add3A_119 : i32
      %add3A_121 = arith.constant 3 : i32
      %add3A_122 = arith.addi %add3A_120, %add3A_121 : i32
      %lt3A = arith.constant 125 : i32
      %lt3A_123 = arith.cmpi slt, %add3A_122, %lt3A : i32
      %convert_element_type3A_124 = arith.extui %lt3A_123 : i1 to i32
      %cond3A_125 = arith.constant 0 : i32
      %cond3A_126 = arith.cmpi ne, %convert_element_type3A_124, %cond3A_125 : i32
      scf.if %cond3A_126 {
        %add3A_181 = arith.constant 0 : i32
        %add3A_182 = arith.addi %add3A_100, %add3A_181 : i32
        %add3A_183 = arith.constant 3 : i32
        %add3A_184 = arith.addi %add3A_182, %add3A_183 : i32
        %dma_start3A_185 = arith.constant 0 : i32
        %dma_start3A_186 = tpu.memref_slice %arg4[%add3A, %add3A_184, %dma_start3A_185] : memref<32x125x80xi32, #tpu.memory_space<hbm>> -> memref<1x1x80xi32, #tpu.memory_space<hbm>>
        %dma_start3A_187 = tpu.memref_squeeze %dma_start3A_186 : memref<1x1x80xi32, #tpu.memory_space<hbm>> -> memref<80xi32, #tpu.memory_space<hbm>>
        %dma_start3A_188 = arith.constant 0 : i32
        %dma_start3A_189 = tpu.memref_slice %arg4[%add3A, %add3A_184, %dma_start3A_188] : memref<32x125x80xi32, #tpu.memory_space<hbm>> -> memref<1x1x80xi32, #tpu.memory_space<hbm>>
        %dma_start3A_190 = tpu.memref_squeeze %dma_start3A_189 : memref<1x1x80xi32, #tpu.memory_space<hbm>> -> memref<80xi32, #tpu.memory_space<hbm>>
        tpu.enqueue_dma source(%dma_start3A_190 : memref<80xi32, #tpu.memory_space<hbm>>) target(%arg7 : memref<80xi32, #tpu.memory_space<vmem>>) target_semaphore(%arg17 : memref<!tpu.dma_semaphore, #tpu.memory_space<semaphore_mem>>)
        %mul3A_191 = arith.constant 80 : i32
        %mul3A_192 = arith.muli %add3A_184, %mul3A_191 : i32
        %multiple_of3A_193 = tpu.assume_multiple %mul3A_192, 8 : i32
        %dma_start3A_194 = tpu.memref_slice %arg6[%multiple_of3A_193] : memref<10000xi32, #tpu.memory_space<vmem>> -> memref<80xi32, #tpu.memory_space<vmem>>
        %dma_start3A_195 = arith.constant 0 : i32
        %dma_start3A_196 = arith.constant 0 : i32
        %dma_start3A_197 = tpu.memref_slice %arg2[%dma_start3A_195, %dma_start3A_196] : memref<10000x128xf32, #tpu.memory_space<hbm>> -> memref<10000x128xf32, #tpu.memory_space<hbm>>
        tpu.enqueue_indirect_dma source(%dma_start3A_197 : memref<10000x128xf32, #tpu.memory_space<hbm>>) target(%arg10 : memref<80x128xf32, #tpu.memory_space<vmem>>) offsets(%dma_start3A_194 : memref<80xi32, #tpu.memory_space<vmem>>) semaphore(%arg14 : memref<!tpu.dma_semaphore, #tpu.memory_space<semaphore_mem>>)
      } else {
      }
      %dma_wait3A_127 = arith.constant 0 : i32
      %dma_wait3A_128 = arith.constant 0 : i32
      %dma_wait3A_129 = tpu.memref_slice %arg4[%add3A, %dma_wait3A_127, %dma_wait3A_128] : memref<32x125x80xi32, #tpu.memory_space<hbm>> -> memref<1x1x80xi32, #tpu.memory_space<hbm>>
      %dma_wait3A_130 = tpu.memref_squeeze %dma_wait3A_129 : memref<1x1x80xi32, #tpu.memory_space<hbm>> -> memref<80xi32, #tpu.memory_space<hbm>>
      %dma_wait3A_131 = arith.constant 0 : i32
      %dma_wait3A_132 = tpu.memref_slice %arg4[%add3A, %dma_wait3A_127, %dma_wait3A_131] : memref<32x125x80xi32, #tpu.memory_space<hbm>> -> memref<1x1x80xi32, #tpu.memory_space<hbm>>
      %dma_wait3A_133 = tpu.memref_squeeze %dma_wait3A_132 : memref<1x1x80xi32, #tpu.memory_space<hbm>> -> memref<80xi32, #tpu.memory_space<hbm>>
      tpu.wait_dma2 semaphore(%arg18 : memref<!tpu.dma_semaphore, #tpu.memory_space<semaphore_mem>>) src(%dma_wait3A_133 : memref<80xi32, #tpu.memory_space<hbm>>) dst(%arg8 : memref<80xi32, #tpu.memory_space<vmem>>)
      %dma_wait3A_134 = arith.constant 0 : i32
      %dma_wait3A_135 = tpu.memref_slice %arg6[%dma_wait3A_134] : memref<10000xi32, #tpu.memory_space<vmem>> -> memref<80xi32, #tpu.memory_space<vmem>>
      %dma_wait3A_136 = arith.constant 0 : i32
      %dma_wait3A_137 = arith.constant 0 : i32
      %dma_wait3A_138 = tpu.memref_slice %arg2[%dma_wait3A_136, %dma_wait3A_137] : memref<10000x128xf32, #tpu.memory_space<hbm>> -> memref<10000x128xf32, #tpu.memory_space<hbm>>
      tpu.wait_indirect_dma semaphore(%arg15 : memref<!tpu.dma_semaphore, #tpu.memory_space<semaphore_mem>>) src(%dma_wait3A_138 : memref<10000x128xf32, #tpu.memory_space<hbm>>) dst(%arg11 : memref<80x128xf32, #tpu.memory_space<vmem>>)
      %dma_start3A_139 = arith.constant 0 : i32
      %dma_start3A_140 = arith.constant 0 : i32
      %dma_start3A_141 = tpu.memref_slice %arg13[%dma_start3A_139, %dma_start3A_140] : memref<10000x128xf32, #tpu.memory_space<vmem_shared>> -> memref<10000x128xf32, #tpu.memory_space<vmem_shared>>
      tpu.enqueue_indirect_dma source(%arg11 : memref<80x128xf32, #tpu.memory_space<vmem>>) target(%dma_start3A_141 : memref<10000x128xf32, #tpu.memory_space<vmem_shared>>) offsets(%arg8 : memref<80xi32, #tpu.memory_space<vmem>>) semaphore(%arg21 : memref<!tpu.dma_semaphore, #tpu.memory_space<semaphore_mem>>) {add = true}
      %dma_wait3A_142 = arith.constant 0 : i32
      %dma_wait3A_143 = arith.constant 0 : i32
      %dma_wait3A_144 = tpu.memref_slice %arg13[%dma_wait3A_142, %dma_wait3A_143] : memref<10000x128xf32, #tpu.memory_space<vmem_shared>> -> memref<10000x128xf32, #tpu.memory_space<vmem_shared>>
      tpu.wait_indirect_dma semaphore(%arg21 : memref<!tpu.dma_semaphore, #tpu.memory_space<semaphore_mem>>) src(%arg11 : memref<80x128xf32, #tpu.memory_space<vmem>>) dst(%dma_wait3A_144 : memref<10000x128xf32, #tpu.memory_space<vmem_shared>>)
      %add3A_145 = arith.constant 1 : i32
      %add3A_146 = arith.addi %add3A_100, %add3A_145 : i32
      %add3A_147 = arith.constant 3 : i32
      %add3A_148 = arith.addi %add3A_146, %add3A_147 : i32
      %lt3A_149 = arith.constant 125 : i32
      %lt3A_150 = arith.cmpi slt, %add3A_148, %lt3A_149 : i32
      %convert_element_type3A_151 = arith.extui %lt3A_150 : i1 to i32
      %cond3A_152 = arith.constant 0 : i32
      %cond3A_153 = arith.cmpi ne, %convert_element_type3A_151, %cond3A_152 : i32
      scf.if %cond3A_153 {
        %add3A_181 = arith.constant 1 : i32
        %add3A_182 = arith.addi %add3A_100, %add3A_181 : i32
        %add3A_183 = arith.constant 3 : i32
        %add3A_184 = arith.addi %add3A_182, %add3A_183 : i32
        %dma_start3A_185 = arith.constant 0 : i32
        %dma_start3A_186 = tpu.memref_slice %arg4[%add3A, %add3A_184, %dma_start3A_185] : memref<32x125x80xi32, #tpu.memory_space<hbm>> -> memref<1x1x80xi32, #tpu.memory_space<hbm>>
        %dma_start3A_187 = tpu.memref_squeeze %dma_start3A_186 : memref<1x1x80xi32, #tpu.memory_space<hbm>> -> memref<80xi32, #tpu.memory_space<hbm>>
        %dma_start3A_188 = arith.constant 0 : i32
        %dma_start3A_189 = tpu.memref_slice %arg4[%add3A, %add3A_184, %dma_start3A_188] : memref<32x125x80xi32, #tpu.memory_space<hbm>> -> memref<1x1x80xi32, #tpu.memory_space<hbm>>
        %dma_start3A_190 = tpu.memref_squeeze %dma_start3A_189 : memref<1x1x80xi32, #tpu.memory_space<hbm>> -> memref<80xi32, #tpu.memory_space<hbm>>
        tpu.enqueue_dma source(%dma_start3A_190 : memref<80xi32, #tpu.memory_space<hbm>>) target(%arg8 : memref<80xi32, #tpu.memory_space<vmem>>) target_semaphore(%arg18 : memref<!tpu.dma_semaphore, #tpu.memory_space<semaphore_mem>>)
        %mul3A_191 = arith.constant 80 : i32
        %mul3A_192 = arith.muli %add3A_184, %mul3A_191 : i32
        %multiple_of3A_193 = tpu.assume_multiple %mul3A_192, 8 : i32
        %dma_start3A_194 = tpu.memref_slice %arg6[%multiple_of3A_193] : memref<10000xi32, #tpu.memory_space<vmem>> -> memref<80xi32, #tpu.memory_space<vmem>>
        %dma_start3A_195 = arith.constant 0 : i32
        %dma_start3A_196 = arith.constant 0 : i32
        %dma_start3A_197 = tpu.memref_slice %arg2[%dma_start3A_195, %dma_start3A_196] : memref<10000x128xf32, #tpu.memory_space<hbm>> -> memref<10000x128xf32, #tpu.memory_space<hbm>>
        tpu.enqueue_indirect_dma source(%dma_start3A_197 : memref<10000x128xf32, #tpu.memory_space<hbm>>) target(%arg11 : memref<80x128xf32, #tpu.memory_space<vmem>>) offsets(%dma_start3A_194 : memref<80xi32, #tpu.memory_space<vmem>>) semaphore(%arg15 : memref<!tpu.dma_semaphore, #tpu.memory_space<semaphore_mem>>)
      } else {
      }
      %dma_wait3A_154 = arith.constant 0 : i32
      %dma_wait3A_155 = arith.constant 0 : i32
      %dma_wait3A_156 = tpu.memref_slice %arg4[%add3A, %dma_wait3A_154, %dma_wait3A_155] : memref<32x125x80xi32, #tpu.memory_space<hbm>> -> memref<1x1x80xi32, #tpu.memory_space<hbm>>
      %dma_wait3A_157 = tpu.memref_squeeze %dma_wait3A_156 : memref<1x1x80xi32, #tpu.memory_space<hbm>> -> memref<80xi32, #tpu.memory_space<hbm>>
      %dma_wait3A_158 = arith.constant 0 : i32
      %dma_wait3A_159 = tpu.memref_slice %arg4[%add3A, %dma_wait3A_154, %dma_wait3A_158] : memref<32x125x80xi32, #tpu.memory_space<hbm>> -> memref<1x1x80xi32, #tpu.memory_space<hbm>>
      %dma_wait3A_160 = tpu.memref_squeeze %dma_wait3A_159 : memref<1x1x80xi32, #tpu.memory_space<hbm>> -> memref<80xi32, #tpu.memory_space<hbm>>
      tpu.wait_dma2 semaphore(%arg19 : memref<!tpu.dma_semaphore, #tpu.memory_space<semaphore_mem>>) src(%dma_wait3A_160 : memref<80xi32, #tpu.memory_space<hbm>>) dst(%arg9 : memref<80xi32, #tpu.memory_space<vmem>>)
      %dma_wait3A_161 = arith.constant 0 : i32
      %dma_wait3A_162 = tpu.memref_slice %arg6[%dma_wait3A_161] : memref<10000xi32, #tpu.memory_space<vmem>> -> memref<80xi32, #tpu.memory_space<vmem>>
      %dma_wait3A_163 = arith.constant 0 : i32
      %dma_wait3A_164 = arith.constant 0 : i32
      %dma_wait3A_165 = tpu.memref_slice %arg2[%dma_wait3A_163, %dma_wait3A_164] : memref<10000x128xf32, #tpu.memory_space<hbm>> -> memref<10000x128xf32, #tpu.memory_space<hbm>>
      tpu.wait_indirect_dma semaphore(%arg16 : memref<!tpu.dma_semaphore, #tpu.memory_space<semaphore_mem>>) src(%dma_wait3A_165 : memref<10000x128xf32, #tpu.memory_space<hbm>>) dst(%arg12 : memref<80x128xf32, #tpu.memory_space<vmem>>)
      %dma_start3A_166 = arith.constant 0 : i32
      %dma_start3A_167 = arith.constant 0 : i32
      %dma_start3A_168 = tpu.memref_slice %arg13[%dma_start3A_166, %dma_start3A_167] : memref<10000x128xf32, #tpu.memory_space<vmem_shared>> -> memref<10000x128xf32, #tpu.memory_space<vmem_shared>>
      tpu.enqueue_indirect_dma source(%arg12 : memref<80x128xf32, #tpu.memory_space<vmem>>) target(%dma_start3A_168 : memref<10000x128xf32, #tpu.memory_space<vmem_shared>>) offsets(%arg9 : memref<80xi32, #tpu.memory_space<vmem>>) semaphore(%arg22 : memref<!tpu.dma_semaphore, #tpu.memory_space<semaphore_mem>>) {add = true}
      %dma_wait3A_169 = arith.constant 0 : i32
      %dma_wait3A_170 = arith.constant 0 : i32
      %dma_wait3A_171 = tpu.memref_slice %arg13[%dma_wait3A_169, %dma_wait3A_170] : memref<10000x128xf32, #tpu.memory_space<vmem_shared>> -> memref<10000x128xf32, #tpu.memory_space<vmem_shared>>
      tpu.wait_indirect_dma semaphore(%arg22 : memref<!tpu.dma_semaphore, #tpu.memory_space<semaphore_mem>>) src(%arg12 : memref<80x128xf32, #tpu.memory_space<vmem>>) dst(%dma_wait3A_171 : memref<10000x128xf32, #tpu.memory_space<vmem_shared>>)
      %add3A_172 = arith.constant 2 : i32
      %add3A_173 = arith.addi %add3A_100, %add3A_172 : i32
      %add3A_174 = arith.constant 3 : i32
      %add3A_175 = arith.addi %add3A_173, %add3A_174 : i32
      %lt3A_176 = arith.constant 125 : i32
      %lt3A_177 = arith.cmpi slt, %add3A_175, %lt3A_176 : i32
      %convert_element_type3A_178 = arith.extui %lt3A_177 : i1 to i32
      %cond3A_179 = arith.constant 0 : i32
      %cond3A_180 = arith.cmpi ne, %convert_element_type3A_178, %cond3A_179 : i32
      scf.if %cond3A_180 {
        %add3A_181 = arith.constant 2 : i32
        %add3A_182 = arith.addi %add3A_100, %add3A_181 : i32
        %add3A_183 = arith.constant 3 : i32
        %add3A_184 = arith.addi %add3A_182, %add3A_183 : i32
        %dma_start3A_185 = arith.constant 0 : i32
        %dma_start3A_186 = tpu.memref_slice %arg4[%add3A, %add3A_184, %dma_start3A_185] : memref<32x125x80xi32, #tpu.memory_space<hbm>> -> memref<1x1x80xi32, #tpu.memory_space<hbm>>
        %dma_start3A_187 = tpu.memref_squeeze %dma_start3A_186 : memref<1x1x80xi32, #tpu.memory_space<hbm>> -> memref<80xi32, #tpu.memory_space<hbm>>
        %dma_start3A_188 = arith.constant 0 : i32
        %dma_start3A_189 = tpu.memref_slice %arg4[%add3A, %add3A_184, %dma_start3A_188] : memref<32x125x80xi32, #tpu.memory_space<hbm>> -> memref<1x1x80xi32, #tpu.memory_space<hbm>>
        %dma_start3A_190 = tpu.memref_squeeze %dma_start3A_189 : memref<1x1x80xi32, #tpu.memory_space<hbm>> -> memref<80xi32, #tpu.memory_space<hbm>>
        tpu.enqueue_dma source(%dma_start3A_190 : memref<80xi32, #tpu.memory_space<hbm>>) target(%arg9 : memref<80xi32, #tpu.memory_space<vmem>>) target_semaphore(%arg19 : memref<!tpu.dma_semaphore, #tpu.memory_space<semaphore_mem>>)
        %mul3A_191 = arith.constant 80 : i32
        %mul3A_192 = arith.muli %add3A_184, %mul3A_191 : i32
        %multiple_of3A_193 = tpu.assume_multiple %mul3A_192, 8 : i32
        %dma_start3A_194 = tpu.memref_slice %arg6[%multiple_of3A_193] : memref<10000xi32, #tpu.memory_space<vmem>> -> memref<80xi32, #tpu.memory_space<vmem>>
        %dma_start3A_195 = arith.constant 0 : i32
        %dma_start3A_196 = arith.constant 0 : i32
        %dma_start3A_197 = tpu.memref_slice %arg2[%dma_start3A_195, %dma_start3A_196] : memref<10000x128xf32, #tpu.memory_space<hbm>> -> memref<10000x128xf32, #tpu.memory_space<hbm>>
        tpu.enqueue_indirect_dma source(%dma_start3A_197 : memref<10000x128xf32, #tpu.memory_space<hbm>>) target(%arg12 : memref<80x128xf32, #tpu.memory_space<vmem>>) offsets(%dma_start3A_194 : memref<80xi32, #tpu.memory_space<vmem>>) semaphore(%arg16 : memref<!tpu.dma_semaphore, #tpu.memory_space<semaphore_mem>>)
      } else {
      }
    }
    %scan3A_50 = arith.constant 41 : i32
    %dma_wait3A = arith.constant 0 : i32
    %dma_wait3A_51 = arith.constant 0 : i32
    %dma_wait3A_52 = tpu.memref_slice %arg4[%add3A, %dma_wait3A, %dma_wait3A_51] : memref<32x125x80xi32, #tpu.memory_space<hbm>> -> memref<1x1x80xi32, #tpu.memory_space<hbm>>
    %dma_wait3A_53 = tpu.memref_squeeze %dma_wait3A_52 : memref<1x1x80xi32, #tpu.memory_space<hbm>> -> memref<80xi32, #tpu.memory_space<hbm>>
    %dma_wait3A_54 = arith.constant 0 : i32
    %dma_wait3A_55 = tpu.memref_slice %arg4[%add3A, %dma_wait3A, %dma_wait3A_54] : memref<32x125x80xi32, #tpu.memory_space<hbm>> -> memref<1x1x80xi32, #tpu.memory_space<hbm>>
    %dma_wait3A_56 = tpu.memref_squeeze %dma_wait3A_55 : memref<1x1x80xi32, #tpu.memory_space<hbm>> -> memref<80xi32, #tpu.memory_space<hbm>>
    tpu.wait_dma2 semaphore(%arg17 : memref<!tpu.dma_semaphore, #tpu.memory_space<semaphore_mem>>) src(%dma_wait3A_56 : memref<80xi32, #tpu.memory_space<hbm>>) dst(%arg7 : memref<80xi32, #tpu.memory_space<vmem>>)
    %dma_wait3A_57 = arith.constant 0 : i32
    %dma_wait3A_58 = tpu.memref_slice %arg6[%dma_wait3A_57] : memref<10000xi32, #tpu.memory_space<vmem>> -> memref<80xi32, #tpu.memory_space<vmem>>
    %dma_wait3A_59 = arith.constant 0 : i32
    %dma_wait3A_60 = arith.constant 0 : i32
    %dma_wait3A_61 = tpu.memref_slice %arg2[%dma_wait3A_59, %dma_wait3A_60] : memref<10000x128xf32, #tpu.memory_space<hbm>> -> memref<10000x128xf32, #tpu.memory_space<hbm>>
    tpu.wait_indirect_dma semaphore(%arg14 : memref<!tpu.dma_semaphore, #tpu.memory_space<semaphore_mem>>) src(%dma_wait3A_61 : memref<10000x128xf32, #tpu.memory_space<hbm>>) dst(%arg10 : memref<80x128xf32, #tpu.memory_space<vmem>>)
    %dma_start3A_62 = arith.constant 0 : i32
    %dma_start3A_63 = arith.constant 0 : i32
    %dma_start3A_64 = tpu.memref_slice %arg13[%dma_start3A_62, %dma_start3A_63] : memref<10000x128xf32, #tpu.memory_space<vmem_shared>> -> memref<10000x128xf32, #tpu.memory_space<vmem_shared>>
    tpu.enqueue_indirect_dma source(%arg10 : memref<80x128xf32, #tpu.memory_space<vmem>>) target(%dma_start3A_64 : memref<10000x128xf32, #tpu.memory_space<vmem_shared>>) offsets(%arg7 : memref<80xi32, #tpu.memory_space<vmem>>) semaphore(%arg20 : memref<!tpu.dma_semaphore, #tpu.memory_space<semaphore_mem>>) {add = true}
    %dma_wait3A_65 = arith.constant 0 : i32
    %dma_wait3A_66 = arith.constant 0 : i32
    %dma_wait3A_67 = tpu.memref_slice %arg13[%dma_wait3A_65, %dma_wait3A_66] : memref<10000x128xf32, #tpu.memory_space<vmem_shared>> -> memref<10000x128xf32, #tpu.memory_space<vmem_shared>>
    tpu.wait_indirect_dma semaphore(%arg20 : memref<!tpu.dma_semaphore, #tpu.memory_space<semaphore_mem>>) src(%arg10 : memref<80x128xf32, #tpu.memory_space<vmem>>) dst(%dma_wait3A_67 : memref<10000x128xf32, #tpu.memory_space<vmem_shared>>)
    %dma_wait3A_68 = arith.constant 0 : i32
    %dma_wait3A_69 = arith.constant 0 : i32
    %dma_wait3A_70 = tpu.memref_slice %arg4[%add3A, %dma_wait3A_68, %dma_wait3A_69] : memref<32x125x80xi32, #tpu.memory_space<hbm>> -> memref<1x1x80xi32, #tpu.memory_space<hbm>>
    %dma_wait3A_71 = tpu.memref_squeeze %dma_wait3A_70 : memref<1x1x80xi32, #tpu.memory_space<hbm>> -> memref<80xi32, #tpu.memory_space<hbm>>
    %dma_wait3A_72 = arith.constant 0 : i32
    %dma_wait3A_73 = tpu.memref_slice %arg4[%add3A, %dma_wait3A_68, %dma_wait3A_72] : memref<32x125x80xi32, #tpu.memory_space<hbm>> -> memref<1x1x80xi32, #tpu.memory_space<hbm>>
    %dma_wait3A_74 = tpu.memref_squeeze %dma_wait3A_73 : memref<1x1x80xi32, #tpu.memory_space<hbm>> -> memref<80xi32, #tpu.memory_space<hbm>>
    tpu.wait_dma2 semaphore(%arg18 : memref<!tpu.dma_semaphore, #tpu.memory_space<semaphore_mem>>) src(%dma_wait3A_74 : memref<80xi32, #tpu.memory_space<hbm>>) dst(%arg8 : memref<80xi32, #tpu.memory_space<vmem>>)
    %dma_wait3A_75 = arith.constant 0 : i32
    %dma_wait3A_76 = tpu.memref_slice %arg6[%dma_wait3A_75] : memref<10000xi32, #tpu.memory_space<vmem>> -> memref<80xi32, #tpu.memory_space<vmem>>
    %dma_wait3A_77 = arith.constant 0 : i32
    %dma_wait3A_78 = arith.constant 0 : i32
    %dma_wait3A_79 = tpu.memref_slice %arg2[%dma_wait3A_77, %dma_wait3A_78] : memref<10000x128xf32, #tpu.memory_space<hbm>> -> memref<10000x128xf32, #tpu.memory_space<hbm>>
    tpu.wait_indirect_dma semaphore(%arg15 : memref<!tpu.dma_semaphore, #tpu.memory_space<semaphore_mem>>) src(%dma_wait3A_79 : memref<10000x128xf32, #tpu.memory_space<hbm>>) dst(%arg11 : memref<80x128xf32, #tpu.memory_space<vmem>>)
    %dma_start3A_80 = arith.constant 0 : i32
    %dma_start3A_81 = arith.constant 0 : i32
    %dma_start3A_82 = tpu.memref_slice %arg13[%dma_start3A_80, %dma_start3A_81] : memref<10000x128xf32, #tpu.memory_space<vmem_shared>> -> memref<10000x128xf32, #tpu.memory_space<vmem_shared>>
    tpu.enqueue_indirect_dma source(%arg11 : memref<80x128xf32, #tpu.memory_space<vmem>>) target(%dma_start3A_82 : memref<10000x128xf32, #tpu.memory_space<vmem_shared>>) offsets(%arg8 : memref<80xi32, #tpu.memory_space<vmem>>) semaphore(%arg21 : memref<!tpu.dma_semaphore, #tpu.memory_space<semaphore_mem>>) {add = true}
    %dma_wait3A_83 = arith.constant 0 : i32
    %dma_wait3A_84 = arith.constant 0 : i32
    %dma_wait3A_85 = tpu.memref_slice %arg13[%dma_wait3A_83, %dma_wait3A_84] : memref<10000x128xf32, #tpu.memory_space<vmem_shared>> -> memref<10000x128xf32, #tpu.memory_space<vmem_shared>>
    tpu.wait_indirect_dma semaphore(%arg21 : memref<!tpu.dma_semaphore, #tpu.memory_space<semaphore_mem>>) src(%arg11 : memref<80x128xf32, #tpu.memory_space<vmem>>) dst(%dma_wait3A_85 : memref<10000x128xf32, #tpu.memory_space<vmem_shared>>)
    %barrier3A_86 = arith.constant 0 : index
    tpu.barrier barrier_id(%barrier3A_86)
    %mul3A_87 = arith.constant 624 : i32
    %mul3A_88 = arith.muli %arg1, %mul3A_87 : i32
    %mul3A_89 = arith.constant 624 : i32
    %mul3A_90 = arith.muli %arg1, %mul3A_89 : i32
    "tpu.region"() ({
      %run_scoped3A = tpu.sem_alloc : memref<!tpu.dma_semaphore, #tpu.memory_space<semaphore_mem>>
      %dma_start3A_96 = arith.constant 0 : i32
      %dma_start3A_97 = tpu.memref_slice %arg5[%arg0, %mul3A_90, %dma_start3A_96] : memref<2x10000x128xf32, #tpu.memory_space<hbm>> -> memref<1x624x128xf32, #tpu.memory_space<hbm>>
      %dma_start3A_98 = tpu.memref_squeeze %dma_start3A_97 : memref<1x624x128xf32, #tpu.memory_space<hbm>> -> memref<624x128xf32, #tpu.memory_space<hbm>>
      %dma_start3A_99 = arith.constant 0 : i32
      %dma_start3A_100 = tpu.memref_slice %arg13[%mul3A_88, %dma_start3A_99] : memref<10000x128xf32, #tpu.memory_space<vmem_shared>> -> memref<624x128xf32, #tpu.memory_space<vmem_shared>>
      tpu.enqueue_dma source(%dma_start3A_100 : memref<624x128xf32, #tpu.memory_space<vmem_shared>>) target(%dma_start3A_98 : memref<624x128xf32, #tpu.memory_space<hbm>>) target_semaphore(%run_scoped3A : memref<!tpu.dma_semaphore, #tpu.memory_space<semaphore_mem>>)
      %dma_wait3A_101 = arith.constant 0 : i32
      %dma_wait3A_102 = tpu.memref_slice %arg5[%arg0, %mul3A_90, %dma_wait3A_101] : memref<2x10000x128xf32, #tpu.memory_space<hbm>> -> memref<1x624x128xf32, #tpu.memory_space<hbm>>
      %dma_wait3A_103 = tpu.memref_squeeze %dma_wait3A_102 : memref<1x624x128xf32, #tpu.memory_space<hbm>> -> memref<624x128xf32, #tpu.memory_space<hbm>>
      %dma_wait3A_104 = arith.constant 0 : i32
      %dma_wait3A_105 = tpu.memref_slice %arg13[%mul3A_88, %dma_wait3A_104] : memref<10000x128xf32, #tpu.memory_space<vmem_shared>> -> memref<624x128xf32, #tpu.memory_space<vmem_shared>>
      tpu.wait_dma2 semaphore(%run_scoped3A : memref<!tpu.dma_semaphore, #tpu.memory_space<semaphore_mem>>) src(%dma_wait3A_105 : memref<624x128xf32, #tpu.memory_space<vmem_shared>>) dst(%dma_wait3A_103 : memref<624x128xf32, #tpu.memory_space<hbm>>)
      tpu.yield
    }) : () -> ()
    %eq3A_91 = arith.constant 15 : i32
    %eq3A_92 = arith.cmpi eq, %arg1, %eq3A_91 : i32
    %convert_element_type3A_93 = arith.extui %eq3A_92 : i1 to i32
    %cond3A_94 = arith.constant 0 : i32
    %cond3A_95 = arith.cmpi ne, %convert_element_type3A_93, %cond3A_94 : i32
    scf.if %cond3A_95 {
      "tpu.region"() ({
        %run_scoped3A = tpu.sem_alloc : memref<!tpu.dma_semaphore, #tpu.memory_space<semaphore_mem>>
        %dma_start3A_96 = arith.constant 9984 : i32
        %dma_start3A_97 = arith.constant 0 : i32
        %dma_start3A_98 = tpu.memref_slice %arg5[%arg0, %dma_start3A_96, %dma_start3A_97] : memref<2x10000x128xf32, #tpu.memory_space<hbm>> -> memref<1x16x128xf32, #tpu.memory_space<hbm>>
        %dma_start3A_99 = tpu.memref_squeeze %dma_start3A_98 : memref<1x16x128xf32, #tpu.memory_space<hbm>> -> memref<16x128xf32, #tpu.memory_space<hbm>>
        %dma_start3A_100 = arith.constant 9984 : i32
        %dma_start3A_101 = arith.constant 0 : i32
        %dma_start3A_102 = tpu.memref_slice %arg13[%dma_start3A_100, %dma_start3A_101] : memref<10000x128xf32, #tpu.memory_space<vmem_shared>> -> memref<16x128xf32, #tpu.memory_space<vmem_shared>>
        tpu.enqueue_dma source(%dma_start3A_102 : memref<16x128xf32, #tpu.memory_space<vmem_shared>>) target(%dma_start3A_99 : memref<16x128xf32, #tpu.memory_space<hbm>>) target_semaphore(%run_scoped3A : memref<!tpu.dma_semaphore, #tpu.memory_space<semaphore_mem>>)
        %dma_wait3A_103 = arith.constant 9984 : i32
        %dma_wait3A_104 = arith.constant 0 : i32
        %dma_wait3A_105 = tpu.memref_slice %arg5[%arg0, %dma_wait3A_103, %dma_wait3A_104] : memref<2x10000x128xf32, #tpu.memory_space<hbm>> -> memref<1x16x128xf32, #tpu.memory_space<hbm>>
        %dma_wait3A_106 = tpu.memref_squeeze %dma_wait3A_105 : memref<1x16x128xf32, #tpu.memory_space<hbm>> -> memref<16x128xf32, #tpu.memory_space<hbm>>
        %dma_wait3A_107 = arith.constant 9984 : i32
        %dma_wait3A_108 = arith.constant 0 : i32
        %dma_wait3A_109 = tpu.memref_slice %arg13[%dma_wait3A_107, %dma_wait3A_108] : memref<10000x128xf32, #tpu.memory_space<vmem_shared>> -> memref<16x128xf32, #tpu.memory_space<vmem_shared>>
        tpu.wait_dma2 semaphore(%run_scoped3A : memref<!tpu.dma_semaphore, #tpu.memory_space<semaphore_mem>>) src(%dma_wait3A_109 : memref<16x128xf32, #tpu.memory_space<vmem_shared>>) dst(%dma_wait3A_106 : memref<16x128xf32, #tpu.memory_space<hbm>>)
        tpu.yield
      }) : () -> ()
    } else {
    }
    return
  }
}

#map = affine_map<(d0, d1) -> (0, 0)>
#map1 = affine_map<(d0, d1) -> (0)>
#map2 = affine_map<(d0, d1) -> (0, 0, 0)>
module attributes {stable_mosaic.version = 14 : i64} {
  func.func @_agg_body(%arg0: i32, %arg1: i32, %arg2: memref<10000x128xf32, #tpu.memory_space<hbm>>, %arg3: memref<320000xi32, #tpu.memory_space<hbm>>, %arg4: memref<32x125x80xi32, #tpu.memory_space<hbm>>, %arg5: memref<2x10000x128xf32, #tpu.memory_space<hbm>>, %arg6: memref<10000xi32, #tpu.memory_space<vmem>>, %arg7: memref<80xi32, #tpu.memory_space<vmem>>, %arg8: memref<80xi32, #tpu.memory_space<vmem>>, %arg9: memref<80xi32, #tpu.memory_space<vmem>>, %arg10: memref<80x128xf32, #tpu.memory_space<vmem>>, %arg11: memref<80x128xf32, #tpu.memory_space<vmem>>, %arg12: memref<80x128xf32, #tpu.memory_space<vmem>>, %arg13: memref<10000x128xf32, #tpu.memory_space<vmem_shared>>, %arg14: memref<!tpu.dma_semaphore, #tpu.memory_space<semaphore_mem>>, %arg15: memref<!tpu.dma_semaphore, #tpu.memory_space<semaphore_mem>>, %arg16: memref<!tpu.dma_semaphore, #tpu.memory_space<semaphore_mem>>, %arg17: memref<!tpu.dma_semaphore, #tpu.memory_space<semaphore_mem>>, %arg18: memref<!tpu.dma_semaphore, #tpu.memory_space<semaphore_mem>>, %arg19: memref<!tpu.dma_semaphore, #tpu.memory_space<semaphore_mem>>, %arg20: memref<!tpu.dma_semaphore, #tpu.memory_space<semaphore_mem>>, %arg21: memref<!tpu.dma_semaphore, #tpu.memory_space<semaphore_mem>>, %arg22: memref<!tpu.dma_semaphore, #tpu.memory_space<semaphore_mem>>) attributes {dimension_semantics = [#tpu.dimension_semantics<core_parallel>, #tpu.dimension_semantics<subcore_parallel>], iteration_bounds = array<i64: 2, 16>, scalar_prefetch = 0 : i64, scratch_operands = 17 : i64, tpu.core_type = #tpu.core_type<sc_vector_subcore>, window_params = [{transform_indices = #map}, {transform_indices = #map1}, {transform_indices = #map2}, {transform_indices = #map2}]} {
    %mul3A = arith.constant 2 : i32
    %mul3A_0 = arith.muli %arg1, %mul3A : i32
    %add3A = arith.addi %mul3A_0, %arg0 : i32
    %mul3A_1 = arith.constant 10000 : i32
    %mul3A_2 = arith.muli %add3A, %mul3A_1 : i32
    %multiple_of3A = tpu.assume_multiple %mul3A_2, 8 : i32
    "tpu.region"() ({
      %run_scoped3A = tpu.sem_alloc : memref<!tpu.dma_semaphore, #tpu.memory_space<semaphore_mem>>
      %dma_start3A_96 = tpu.memref_slice %arg3[%multiple_of3A] : memref<320000xi32, #tpu.memory_space<hbm>> -> memref<10000xi32, #tpu.memory_space<hbm>>
      %dma_start3A_97 = tpu.memref_slice %arg3[%multiple_of3A] : memref<320000xi32, #tpu.memory_space<hbm>> -> memref<10000xi32, #tpu.memory_space<hbm>>
      tpu.enqueue_dma source(%dma_start3A_97 : memref<10000xi32, #tpu.memory_space<hbm>>) target(%arg6 : memref<10000xi32, #tpu.memory_space<vmem>>) target_semaphore(%run_scoped3A : memref<!tpu.dma_semaphore, #tpu.memory_space<semaphore_mem>>)
      %dma_wait3A_98 = tpu.memref_slice %arg3[%multiple_of3A] : memref<320000xi32, #tpu.memory_space<hbm>> -> memref<10000xi32, #tpu.memory_space<hbm>>
      %dma_wait3A_99 = tpu.memref_slice %arg3[%multiple_of3A] : memref<320000xi32, #tpu.memory_space<hbm>> -> memref<10000xi32, #tpu.memory_space<hbm>>
      tpu.wait_dma2 semaphore(%run_scoped3A : memref<!tpu.dma_semaphore, #tpu.memory_space<semaphore_mem>>) src(%dma_wait3A_99 : memref<10000xi32, #tpu.memory_space<hbm>>) dst(%arg6 : memref<10000xi32, #tpu.memory_space<vmem>>)
      tpu.yield
    }) : () -> ()
    %mul3A_3 = arith.constant 624 : i32
    %mul3A_4 = arith.muli %arg1, %mul3A_3 : i32
    %mul3A_5 = arith.constant 624 : i32
    %mul3A_6 = arith.muli %arg1, %mul3A_5 : i32
    "tpu.region"() ({
      %run_scoped3A = tpu.sem_alloc : memref<!tpu.dma_semaphore, #tpu.memory_space<semaphore_mem>>
      %dma_start3A_96 = arith.constant 0 : i32
      %dma_start3A_97 = tpu.memref_slice %arg13[%mul3A_6, %dma_start3A_96] : memref<10000x128xf32, #tpu.memory_space<vmem_shared>> -> memref<624x128xf32, #tpu.memory_space<vmem_shared>>
      %dma_start3A_98 = arith.constant 0 : i32
      %dma_start3A_99 = tpu.memref_slice %arg2[%mul3A_4, %dma_start3A_98] : memref<10000x128xf32, #tpu.memory_space<hbm>> -> memref<624x128xf32, #tpu.memory_space<hbm>>
      tpu.enqueue_dma source(%dma_start3A_99 : memref<624x128xf32, #tpu.memory_space<hbm>>) target(%dma_start3A_97 : memref<624x128xf32, #tpu.memory_space<vmem_shared>>) target_semaphore(%run_scoped3A : memref<!tpu.dma_semaphore, #tpu.memory_space<semaphore_mem>>)
      %dma_wait3A_100 = arith.constant 0 : i32
      %dma_wait3A_101 = tpu.memref_slice %arg13[%mul3A_6, %dma_wait3A_100] : memref<10000x128xf32, #tpu.memory_space<vmem_shared>> -> memref<624x128xf32, #tpu.memory_space<vmem_shared>>
      %dma_wait3A_102 = arith.constant 0 : i32
      %dma_wait3A_103 = tpu.memref_slice %arg2[%mul3A_4, %dma_wait3A_102] : memref<10000x128xf32, #tpu.memory_space<hbm>> -> memref<624x128xf32, #tpu.memory_space<hbm>>
      tpu.wait_dma2 semaphore(%run_scoped3A : memref<!tpu.dma_semaphore, #tpu.memory_space<semaphore_mem>>) src(%dma_wait3A_103 : memref<624x128xf32, #tpu.memory_space<hbm>>) dst(%dma_wait3A_101 : memref<624x128xf32, #tpu.memory_space<vmem_shared>>)
      tpu.yield
    }) : () -> ()
    %eq3A = arith.constant 15 : i32
    %eq3A_7 = arith.cmpi eq, %arg1, %eq3A : i32
    %convert_element_type3A = arith.extui %eq3A_7 : i1 to i32
    %cond3A = arith.constant 0 : i32
    %cond3A_8 = arith.cmpi ne, %convert_element_type3A, %cond3A : i32
    scf.if %cond3A_8 {
      "tpu.region"() ({
        %run_scoped3A = tpu.sem_alloc : memref<!tpu.dma_semaphore, #tpu.memory_space<semaphore_mem>>
        %dma_start3A_96 = arith.constant 9984 : i32
        %dma_start3A_97 = arith.constant 0 : i32
        %dma_start3A_98 = tpu.memref_slice %arg13[%dma_start3A_96, %dma_start3A_97] : memref<10000x128xf32, #tpu.memory_space<vmem_shared>> -> memref<16x128xf32, #tpu.memory_space<vmem_shared>>
        %dma_start3A_99 = arith.constant 9984 : i32
        %dma_start3A_100 = arith.constant 0 : i32
        %dma_start3A_101 = tpu.memref_slice %arg2[%dma_start3A_99, %dma_start3A_100] : memref<10000x128xf32, #tpu.memory_space<hbm>> -> memref<16x128xf32, #tpu.memory_space<hbm>>
        tpu.enqueue_dma source(%dma_start3A_101 : memref<16x128xf32, #tpu.memory_space<hbm>>) target(%dma_start3A_98 : memref<16x128xf32, #tpu.memory_space<vmem_shared>>) target_semaphore(%run_scoped3A : memref<!tpu.dma_semaphore, #tpu.memory_space<semaphore_mem>>)
        %dma_wait3A_102 = arith.constant 9984 : i32
        %dma_wait3A_103 = arith.constant 0 : i32
        %dma_wait3A_104 = tpu.memref_slice %arg13[%dma_wait3A_102, %dma_wait3A_103] : memref<10000x128xf32, #tpu.memory_space<vmem_shared>> -> memref<16x128xf32, #tpu.memory_space<vmem_shared>>
        %dma_wait3A_105 = arith.constant 9984 : i32
        %dma_wait3A_106 = arith.constant 0 : i32
        %dma_wait3A_107 = tpu.memref_slice %arg2[%dma_wait3A_105, %dma_wait3A_106] : memref<10000x128xf32, #tpu.memory_space<hbm>> -> memref<16x128xf32, #tpu.memory_space<hbm>>
        tpu.wait_dma2 semaphore(%run_scoped3A : memref<!tpu.dma_semaphore, #tpu.memory_space<semaphore_mem>>) src(%dma_wait3A_107 : memref<16x128xf32, #tpu.memory_space<hbm>>) dst(%dma_wait3A_104 : memref<16x128xf32, #tpu.memory_space<vmem_shared>>)
        tpu.yield
      }) : () -> ()
    } else {
    }
    %barrier3A = arith.constant 0 : index
    tpu.barrier barrier_id(%barrier3A)
    %dma_start3A = arith.constant 0 : i32
    %dma_start3A_9 = arith.constant 0 : i32
    %dma_start3A_10 = tpu.memref_slice %arg4[%add3A, %dma_start3A, %dma_start3A_9] : memref<32x125x80xi32, #tpu.memory_space<hbm>> -> memref<1x1x80xi32, #tpu.memory_space<hbm>>
    %dma_start3A_11 = tpu.memref_squeeze %dma_start3A_10 : memref<1x1x80xi32, #tpu.memory_space<hbm>> -> memref<80xi32, #tpu.memory_space<hbm>>
    %dma_start3A_12 = arith.constant 0 : i32
    %dma_start3A_13 = tpu.memref_slice %arg4[%add3A, %dma_start3A, %dma_start3A_12] : memref<32x125x80xi32, #tpu.memory_space<hbm>> -> memref<1x1x80xi32, #tpu.memory_space<hbm>>
    %dma_start3A_14 = tpu.memref_squeeze %dma_start3A_13 : memref<1x1x80xi32, #tpu.memory_space<hbm>> -> memref<80xi32, #tpu.memory_space<hbm>>
    tpu.enqueue_dma source(%dma_start3A_14 : memref<80xi32, #tpu.memory_space<hbm>>) target(%arg7 : memref<80xi32, #tpu.memory_space<vmem>>) target_semaphore(%arg17 : memref<!tpu.dma_semaphore, #tpu.memory_space<semaphore_mem>>)
    %multiple_of3A_15 = arith.constant 0 : i32
    %multiple_of3A_16 = tpu.assume_multiple %multiple_of3A_15, 8 : i32
    %dma_start3A_17 = tpu.memref_slice %arg6[%multiple_of3A_16] : memref<10000xi32, #tpu.memory_space<vmem>> -> memref<80xi32, #tpu.memory_space<vmem>>
    %dma_start3A_18 = arith.constant 0 : i32
    %dma_start3A_19 = arith.constant 0 : i32
    %dma_start3A_20 = tpu.memref_slice %arg2[%dma_start3A_18, %dma_start3A_19] : memref<10000x128xf32, #tpu.memory_space<hbm>> -> memref<10000x128xf32, #tpu.memory_space<hbm>>
    tpu.enqueue_indirect_dma source(%dma_start3A_20 : memref<10000x128xf32, #tpu.memory_space<hbm>>) target(%arg10 : memref<80x128xf32, #tpu.memory_space<vmem>>) offsets(%dma_start3A_17 : memref<80xi32, #tpu.memory_space<vmem>>) semaphore(%arg14 : memref<!tpu.dma_semaphore, #tpu.memory_space<semaphore_mem>>)
    %dma_start3A_21 = arith.constant 1 : i32
    %dma_start3A_22 = arith.constant 0 : i32
    %dma_start3A_23 = tpu.memref_slice %arg4[%add3A, %dma_start3A_21, %dma_start3A_22] : memref<32x125x80xi32, #tpu.memory_space<hbm>> -> memref<1x1x80xi32, #tpu.memory_space<hbm>>
    %dma_start3A_24 = tpu.memref_squeeze %dma_start3A_23 : memref<1x1x80xi32, #tpu.memory_space<hbm>> -> memref<80xi32, #tpu.memory_space<hbm>>
    %dma_start3A_25 = arith.constant 0 : i32
    %dma_start3A_26 = tpu.memref_slice %arg4[%add3A, %dma_start3A_21, %dma_start3A_25] : memref<32x125x80xi32, #tpu.memory_space<hbm>> -> memref<1x1x80xi32, #tpu.memory_space<hbm>>
    %dma_start3A_27 = tpu.memref_squeeze %dma_start3A_26 : memref<1x1x80xi32, #tpu.memory_space<hbm>> -> memref<80xi32, #tpu.memory_space<hbm>>
    tpu.enqueue_dma source(%dma_start3A_27 : memref<80xi32, #tpu.memory_space<hbm>>) target(%arg8 : memref<80xi32, #tpu.memory_space<vmem>>) target_semaphore(%arg18 : memref<!tpu.dma_semaphore, #tpu.memory_space<semaphore_mem>>)
    %multiple_of3A_28 = arith.constant 80 : i32
    %multiple_of3A_29 = tpu.assume_multiple %multiple_of3A_28, 8 : i32
    %dma_start3A_30 = tpu.memref_slice %arg6[%multiple_of3A_29] : memref<10000xi32, #tpu.memory_space<vmem>> -> memref<80xi32, #tpu.memory_space<vmem>>
    %dma_start3A_31 = arith.constant 0 : i32
    %dma_start3A_32 = arith.constant 0 : i32
    %dma_start3A_33 = tpu.memref_slice %arg2[%dma_start3A_31, %dma_start3A_32] : memref<10000x128xf32, #tpu.memory_space<hbm>> -> memref<10000x128xf32, #tpu.memory_space<hbm>>
    tpu.enqueue_indirect_dma source(%dma_start3A_33 : memref<10000x128xf32, #tpu.memory_space<hbm>>) target(%arg11 : memref<80x128xf32, #tpu.memory_space<vmem>>) offsets(%dma_start3A_30 : memref<80xi32, #tpu.memory_space<vmem>>) semaphore(%arg15 : memref<!tpu.dma_semaphore, #tpu.memory_space<semaphore_mem>>)
    %dma_start3A_34 = arith.constant 2 : i32
    %dma_start3A_35 = arith.constant 0 : i32
    %dma_start3A_36 = tpu.memref_slice %arg4[%add3A, %dma_start3A_34, %dma_start3A_35] : memref<32x125x80xi32, #tpu.memory_space<hbm>> -> memref<1x1x80xi32, #tpu.memory_space<hbm>>
    %dma_start3A_37 = tpu.memref_squeeze %dma_start3A_36 : memref<1x1x80xi32, #tpu.memory_space<hbm>> -> memref<80xi32, #tpu.memory_space<hbm>>
    %dma_start3A_38 = arith.constant 0 : i32
    %dma_start3A_39 = tpu.memref_slice %arg4[%add3A, %dma_start3A_34, %dma_start3A_38] : memref<32x125x80xi32, #tpu.memory_space<hbm>> -> memref<1x1x80xi32, #tpu.memory_space<hbm>>
    %dma_start3A_40 = tpu.memref_squeeze %dma_start3A_39 : memref<1x1x80xi32, #tpu.memory_space<hbm>> -> memref<80xi32, #tpu.memory_space<hbm>>
    tpu.enqueue_dma source(%dma_start3A_40 : memref<80xi32, #tpu.memory_space<hbm>>) target(%arg9 : memref<80xi32, #tpu.memory_space<vmem>>) target_semaphore(%arg19 : memref<!tpu.dma_semaphore, #tpu.memory_space<semaphore_mem>>)
    %multiple_of3A_41 = arith.constant 160 : i32
    %multiple_of3A_42 = tpu.assume_multiple %multiple_of3A_41, 8 : i32
    %dma_start3A_43 = tpu.memref_slice %arg6[%multiple_of3A_42] : memref<10000xi32, #tpu.memory_space<vmem>> -> memref<80xi32, #tpu.memory_space<vmem>>
    %dma_start3A_44 = arith.constant 0 : i32
    %dma_start3A_45 = arith.constant 0 : i32
    %dma_start3A_46 = tpu.memref_slice %arg2[%dma_start3A_44, %dma_start3A_45] : memref<10000x128xf32, #tpu.memory_space<hbm>> -> memref<10000x128xf32, #tpu.memory_space<hbm>>
    tpu.enqueue_indirect_dma source(%dma_start3A_46 : memref<10000x128xf32, #tpu.memory_space<hbm>>) target(%arg12 : memref<80x128xf32, #tpu.memory_space<vmem>>) offsets(%dma_start3A_43 : memref<80xi32, #tpu.memory_space<vmem>>) semaphore(%arg16 : memref<!tpu.dma_semaphore, #tpu.memory_space<semaphore_mem>>)
    %scan3A = arith.constant 0 : i32
    %scan3A_47 = arith.constant 41 : i32
    %scan3A_48 = arith.addi %scan3A, %scan3A_47 : i32
    %scan3A_49 = arith.constant 1 : i32
    scf.for %scan3A_96 = %scan3A to %scan3A_48 step %scan3A_49  : i32 {
      %mul3A_97 = arith.constant 3 : i32
      %mul3A_98 = arith.muli %scan3A_96, %mul3A_97 : i32
      %add3A_99 = arith.constant 0 : i32
      %add3A_100 = arith.addi %add3A_99, %mul3A_98 : i32
      %dma_wait3A_101 = arith.constant 0 : i32
      %dma_wait3A_102 = arith.constant 0 : i32
      %dma_wait3A_103 = tpu.memref_slice %arg4[%add3A, %dma_wait3A_101, %dma_wait3A_102] : memref<32x125x80xi32, #tpu.memory_space<hbm>> -> memref<1x1x80xi32, #tpu.memory_space<hbm>>
      %dma_wait3A_104 = tpu.memref_squeeze %dma_wait3A_103 : memref<1x1x80xi32, #tpu.memory_space<hbm>> -> memref<80xi32, #tpu.memory_space<hbm>>
      %dma_wait3A_105 = arith.constant 0 : i32
      %dma_wait3A_106 = tpu.memref_slice %arg4[%add3A, %dma_wait3A_101, %dma_wait3A_105] : memref<32x125x80xi32, #tpu.memory_space<hbm>> -> memref<1x1x80xi32, #tpu.memory_space<hbm>>
      %dma_wait3A_107 = tpu.memref_squeeze %dma_wait3A_106 : memref<1x1x80xi32, #tpu.memory_space<hbm>> -> memref<80xi32, #tpu.memory_space<hbm>>
      tpu.wait_dma2 semaphore(%arg17 : memref<!tpu.dma_semaphore, #tpu.memory_space<semaphore_mem>>) src(%dma_wait3A_107 : memref<80xi32, #tpu.memory_space<hbm>>) dst(%arg7 : memref<80xi32, #tpu.memory_space<vmem>>)
      %dma_wait3A_108 = arith.constant 0 : i32
      %dma_wait3A_109 = tpu.memref_slice %arg6[%dma_wait3A_108] : memref<10000xi32, #tpu.memory_space<vmem>> -> memref<80xi32, #tpu.memory_space<vmem>>
      %dma_wait3A_110 = arith.constant 0 : i32
      %dma_wait3A_111 = arith.constant 0 : i32
      %dma_wait3A_112 = tpu.memref_slice %arg2[%dma_wait3A_110, %dma_wait3A_111] : memref<10000x128xf32, #tpu.memory_space<hbm>> -> memref<10000x128xf32, #tpu.memory_space<hbm>>
      tpu.wait_indirect_dma semaphore(%arg14 : memref<!tpu.dma_semaphore, #tpu.memory_space<semaphore_mem>>) src(%dma_wait3A_112 : memref<10000x128xf32, #tpu.memory_space<hbm>>) dst(%arg10 : memref<80x128xf32, #tpu.memory_space<vmem>>)
      %dma_start3A_113 = arith.constant 0 : i32
      %dma_start3A_114 = arith.constant 0 : i32
      %dma_start3A_115 = tpu.memref_slice %arg13[%dma_start3A_113, %dma_start3A_114] : memref<10000x128xf32, #tpu.memory_space<vmem_shared>> -> memref<10000x128xf32, #tpu.memory_space<vmem_shared>>
      tpu.enqueue_indirect_dma source(%arg10 : memref<80x128xf32, #tpu.memory_space<vmem>>) target(%dma_start3A_115 : memref<10000x128xf32, #tpu.memory_space<vmem_shared>>) offsets(%arg7 : memref<80xi32, #tpu.memory_space<vmem>>) semaphore(%arg20 : memref<!tpu.dma_semaphore, #tpu.memory_space<semaphore_mem>>) {add = true}
      %dma_wait3A_116 = arith.constant 0 : i32
      %dma_wait3A_117 = arith.constant 0 : i32
      %dma_wait3A_118 = tpu.memref_slice %arg13[%dma_wait3A_116, %dma_wait3A_117] : memref<10000x128xf32, #tpu.memory_space<vmem_shared>> -> memref<10000x128xf32, #tpu.memory_space<vmem_shared>>
      tpu.wait_indirect_dma semaphore(%arg20 : memref<!tpu.dma_semaphore, #tpu.memory_space<semaphore_mem>>) src(%arg10 : memref<80x128xf32, #tpu.memory_space<vmem>>) dst(%dma_wait3A_118 : memref<10000x128xf32, #tpu.memory_space<vmem_shared>>)
      %add3A_119 = arith.constant 0 : i32
      %add3A_120 = arith.addi %add3A_100, %add3A_119 : i32
      %add3A_121 = arith.constant 3 : i32
      %add3A_122 = arith.addi %add3A_120, %add3A_121 : i32
      %lt3A = arith.constant 125 : i32
      %lt3A_123 = arith.cmpi slt, %add3A_122, %lt3A : i32
      %convert_element_type3A_124 = arith.extui %lt3A_123 : i1 to i32
      %cond3A_125 = arith.constant 0 : i32
      %cond3A_126 = arith.cmpi ne, %convert_element_type3A_124, %cond3A_125 : i32
      scf.if %cond3A_126 {
        %add3A_181 = arith.constant 0 : i32
        %add3A_182 = arith.addi %add3A_100, %add3A_181 : i32
        %add3A_183 = arith.constant 3 : i32
        %add3A_184 = arith.addi %add3A_182, %add3A_183 : i32
        %dma_start3A_185 = arith.constant 0 : i32
        %dma_start3A_186 = tpu.memref_slice %arg4[%add3A, %add3A_184, %dma_start3A_185] : memref<32x125x80xi32, #tpu.memory_space<hbm>> -> memref<1x1x80xi32, #tpu.memory_space<hbm>>
        %dma_start3A_187 = tpu.memref_squeeze %dma_start3A_186 : memref<1x1x80xi32, #tpu.memory_space<hbm>> -> memref<80xi32, #tpu.memory_space<hbm>>
        %dma_start3A_188 = arith.constant 0 : i32
        %dma_start3A_189 = tpu.memref_slice %arg4[%add3A, %add3A_184, %dma_start3A_188] : memref<32x125x80xi32, #tpu.memory_space<hbm>> -> memref<1x1x80xi32, #tpu.memory_space<hbm>>
        %dma_start3A_190 = tpu.memref_squeeze %dma_start3A_189 : memref<1x1x80xi32, #tpu.memory_space<hbm>> -> memref<80xi32, #tpu.memory_space<hbm>>
        tpu.enqueue_dma source(%dma_start3A_190 : memref<80xi32, #tpu.memory_space<hbm>>) target(%arg7 : memref<80xi32, #tpu.memory_space<vmem>>) target_semaphore(%arg17 : memref<!tpu.dma_semaphore, #tpu.memory_space<semaphore_mem>>)
        %mul3A_191 = arith.constant 80 : i32
        %mul3A_192 = arith.muli %add3A_184, %mul3A_191 : i32
        %multiple_of3A_193 = tpu.assume_multiple %mul3A_192, 8 : i32
        %dma_start3A_194 = tpu.memref_slice %arg6[%multiple_of3A_193] : memref<10000xi32, #tpu.memory_space<vmem>> -> memref<80xi32, #tpu.memory_space<vmem>>
        %dma_start3A_195 = arith.constant 0 : i32
        %dma_start3A_196 = arith.constant 0 : i32
        %dma_start3A_197 = tpu.memref_slice %arg2[%dma_start3A_195, %dma_start3A_196] : memref<10000x128xf32, #tpu.memory_space<hbm>> -> memref<10000x128xf32, #tpu.memory_space<hbm>>
        tpu.enqueue_indirect_dma source(%dma_start3A_197 : memref<10000x128xf32, #tpu.memory_space<hbm>>) target(%arg10 : memref<80x128xf32, #tpu.memory_space<vmem>>) offsets(%dma_start3A_194 : memref<80xi32, #tpu.memory_space<vmem>>) semaphore(%arg14 : memref<!tpu.dma_semaphore, #tpu.memory_space<semaphore_mem>>)
      } else {
      }
      %dma_wait3A_127 = arith.constant 0 : i32
      %dma_wait3A_128 = arith.constant 0 : i32
      %dma_wait3A_129 = tpu.memref_slice %arg4[%add3A, %dma_wait3A_127, %dma_wait3A_128] : memref<32x125x80xi32, #tpu.memory_space<hbm>> -> memref<1x1x80xi32, #tpu.memory_space<hbm>>
      %dma_wait3A_130 = tpu.memref_squeeze %dma_wait3A_129 : memref<1x1x80xi32, #tpu.memory_space<hbm>> -> memref<80xi32, #tpu.memory_space<hbm>>
      %dma_wait3A_131 = arith.constant 0 : i32
      %dma_wait3A_132 = tpu.memref_slice %arg4[%add3A, %dma_wait3A_127, %dma_wait3A_131] : memref<32x125x80xi32, #tpu.memory_space<hbm>> -> memref<1x1x80xi32, #tpu.memory_space<hbm>>
      %dma_wait3A_133 = tpu.memref_squeeze %dma_wait3A_132 : memref<1x1x80xi32, #tpu.memory_space<hbm>> -> memref<80xi32, #tpu.memory_space<hbm>>
      tpu.wait_dma2 semaphore(%arg18 : memref<!tpu.dma_semaphore, #tpu.memory_space<semaphore_mem>>) src(%dma_wait3A_133 : memref<80xi32, #tpu.memory_space<hbm>>) dst(%arg8 : memref<80xi32, #tpu.memory_space<vmem>>)
      %dma_wait3A_134 = arith.constant 0 : i32
      %dma_wait3A_135 = tpu.memref_slice %arg6[%dma_wait3A_134] : memref<10000xi32, #tpu.memory_space<vmem>> -> memref<80xi32, #tpu.memory_space<vmem>>
      %dma_wait3A_136 = arith.constant 0 : i32
      %dma_wait3A_137 = arith.constant 0 : i32
      %dma_wait3A_138 = tpu.memref_slice %arg2[%dma_wait3A_136, %dma_wait3A_137] : memref<10000x128xf32, #tpu.memory_space<hbm>> -> memref<10000x128xf32, #tpu.memory_space<hbm>>
      tpu.wait_indirect_dma semaphore(%arg15 : memref<!tpu.dma_semaphore, #tpu.memory_space<semaphore_mem>>) src(%dma_wait3A_138 : memref<10000x128xf32, #tpu.memory_space<hbm>>) dst(%arg11 : memref<80x128xf32, #tpu.memory_space<vmem>>)
      %dma_start3A_139 = arith.constant 0 : i32
      %dma_start3A_140 = arith.constant 0 : i32
      %dma_start3A_141 = tpu.memref_slice %arg13[%dma_start3A_139, %dma_start3A_140] : memref<10000x128xf32, #tpu.memory_space<vmem_shared>> -> memref<10000x128xf32, #tpu.memory_space<vmem_shared>>
      tpu.enqueue_indirect_dma source(%arg11 : memref<80x128xf32, #tpu.memory_space<vmem>>) target(%dma_start3A_141 : memref<10000x128xf32, #tpu.memory_space<vmem_shared>>) offsets(%arg8 : memref<80xi32, #tpu.memory_space<vmem>>) semaphore(%arg21 : memref<!tpu.dma_semaphore, #tpu.memory_space<semaphore_mem>>) {add = true}
      %dma_wait3A_142 = arith.constant 0 : i32
      %dma_wait3A_143 = arith.constant 0 : i32
      %dma_wait3A_144 = tpu.memref_slice %arg13[%dma_wait3A_142, %dma_wait3A_143] : memref<10000x128xf32, #tpu.memory_space<vmem_shared>> -> memref<10000x128xf32, #tpu.memory_space<vmem_shared>>
      tpu.wait_indirect_dma semaphore(%arg21 : memref<!tpu.dma_semaphore, #tpu.memory_space<semaphore_mem>>) src(%arg11 : memref<80x128xf32, #tpu.memory_space<vmem>>) dst(%dma_wait3A_144 : memref<10000x128xf32, #tpu.memory_space<vmem_shared>>)
      %add3A_145 = arith.constant 1 : i32
      %add3A_146 = arith.addi %add3A_100, %add3A_145 : i32
      %add3A_147 = arith.constant 3 : i32
      %add3A_148 = arith.addi %add3A_146, %add3A_147 : i32
      %lt3A_149 = arith.constant 125 : i32
      %lt3A_150 = arith.cmpi slt, %add3A_148, %lt3A_149 : i32
      %convert_element_type3A_151 = arith.extui %lt3A_150 : i1 to i32
      %cond3A_152 = arith.constant 0 : i32
      %cond3A_153 = arith.cmpi ne, %convert_element_type3A_151, %cond3A_152 : i32
      scf.if %cond3A_153 {
        %add3A_181 = arith.constant 1 : i32
        %add3A_182 = arith.addi %add3A_100, %add3A_181 : i32
        %add3A_183 = arith.constant 3 : i32
        %add3A_184 = arith.addi %add3A_182, %add3A_183 : i32
        %dma_start3A_185 = arith.constant 0 : i32
        %dma_start3A_186 = tpu.memref_slice %arg4[%add3A, %add3A_184, %dma_start3A_185] : memref<32x125x80xi32, #tpu.memory_space<hbm>> -> memref<1x1x80xi32, #tpu.memory_space<hbm>>
        %dma_start3A_187 = tpu.memref_squeeze %dma_start3A_186 : memref<1x1x80xi32, #tpu.memory_space<hbm>> -> memref<80xi32, #tpu.memory_space<hbm>>
        %dma_start3A_188 = arith.constant 0 : i32
        %dma_start3A_189 = tpu.memref_slice %arg4[%add3A, %add3A_184, %dma_start3A_188] : memref<32x125x80xi32, #tpu.memory_space<hbm>> -> memref<1x1x80xi32, #tpu.memory_space<hbm>>
        %dma_start3A_190 = tpu.memref_squeeze %dma_start3A_189 : memref<1x1x80xi32, #tpu.memory_space<hbm>> -> memref<80xi32, #tpu.memory_space<hbm>>
        tpu.enqueue_dma source(%dma_start3A_190 : memref<80xi32, #tpu.memory_space<hbm>>) target(%arg8 : memref<80xi32, #tpu.memory_space<vmem>>) target_semaphore(%arg18 : memref<!tpu.dma_semaphore, #tpu.memory_space<semaphore_mem>>)
        %mul3A_191 = arith.constant 80 : i32
        %mul3A_192 = arith.muli %add3A_184, %mul3A_191 : i32
        %multiple_of3A_193 = tpu.assume_multiple %mul3A_192, 8 : i32
        %dma_start3A_194 = tpu.memref_slice %arg6[%multiple_of3A_193] : memref<10000xi32, #tpu.memory_space<vmem>> -> memref<80xi32, #tpu.memory_space<vmem>>
        %dma_start3A_195 = arith.constant 0 : i32
        %dma_start3A_196 = arith.constant 0 : i32
        %dma_start3A_197 = tpu.memref_slice %arg2[%dma_start3A_195, %dma_start3A_196] : memref<10000x128xf32, #tpu.memory_space<hbm>> -> memref<10000x128xf32, #tpu.memory_space<hbm>>
        tpu.enqueue_indirect_dma source(%dma_start3A_197 : memref<10000x128xf32, #tpu.memory_space<hbm>>) target(%arg11 : memref<80x128xf32, #tpu.memory_space<vmem>>) offsets(%dma_start3A_194 : memref<80xi32, #tpu.memory_space<vmem>>) semaphore(%arg15 : memref<!tpu.dma_semaphore, #tpu.memory_space<semaphore_mem>>)
      } else {
      }
      %dma_wait3A_154 = arith.constant 0 : i32
      %dma_wait3A_155 = arith.constant 0 : i32
      %dma_wait3A_156 = tpu.memref_slice %arg4[%add3A, %dma_wait3A_154, %dma_wait3A_155] : memref<32x125x80xi32, #tpu.memory_space<hbm>> -> memref<1x1x80xi32, #tpu.memory_space<hbm>>
      %dma_wait3A_157 = tpu.memref_squeeze %dma_wait3A_156 : memref<1x1x80xi32, #tpu.memory_space<hbm>> -> memref<80xi32, #tpu.memory_space<hbm>>
      %dma_wait3A_158 = arith.constant 0 : i32
      %dma_wait3A_159 = tpu.memref_slice %arg4[%add3A, %dma_wait3A_154, %dma_wait3A_158] : memref<32x125x80xi32, #tpu.memory_space<hbm>> -> memref<1x1x80xi32, #tpu.memory_space<hbm>>
      %dma_wait3A_160 = tpu.memref_squeeze %dma_wait3A_159 : memref<1x1x80xi32, #tpu.memory_space<hbm>> -> memref<80xi32, #tpu.memory_space<hbm>>
      tpu.wait_dma2 semaphore(%arg19 : memref<!tpu.dma_semaphore, #tpu.memory_space<semaphore_mem>>) src(%dma_wait3A_160 : memref<80xi32, #tpu.memory_space<hbm>>) dst(%arg9 : memref<80xi32, #tpu.memory_space<vmem>>)
      %dma_wait3A_161 = arith.constant 0 : i32
      %dma_wait3A_162 = tpu.memref_slice %arg6[%dma_wait3A_161] : memref<10000xi32, #tpu.memory_space<vmem>> -> memref<80xi32, #tpu.memory_space<vmem>>
      %dma_wait3A_163 = arith.constant 0 : i32
      %dma_wait3A_164 = arith.constant 0 : i32
      %dma_wait3A_165 = tpu.memref_slice %arg2[%dma_wait3A_163, %dma_wait3A_164] : memref<10000x128xf32, #tpu.memory_space<hbm>> -> memref<10000x128xf32, #tpu.memory_space<hbm>>
      tpu.wait_indirect_dma semaphore(%arg16 : memref<!tpu.dma_semaphore, #tpu.memory_space<semaphore_mem>>) src(%dma_wait3A_165 : memref<10000x128xf32, #tpu.memory_space<hbm>>) dst(%arg12 : memref<80x128xf32, #tpu.memory_space<vmem>>)
      %dma_start3A_166 = arith.constant 0 : i32
      %dma_start3A_167 = arith.constant 0 : i32
      %dma_start3A_168 = tpu.memref_slice %arg13[%dma_start3A_166, %dma_start3A_167] : memref<10000x128xf32, #tpu.memory_space<vmem_shared>> -> memref<10000x128xf32, #tpu.memory_space<vmem_shared>>
      tpu.enqueue_indirect_dma source(%arg12 : memref<80x128xf32, #tpu.memory_space<vmem>>) target(%dma_start3A_168 : memref<10000x128xf32, #tpu.memory_space<vmem_shared>>) offsets(%arg9 : memref<80xi32, #tpu.memory_space<vmem>>) semaphore(%arg22 : memref<!tpu.dma_semaphore, #tpu.memory_space<semaphore_mem>>) {add = true}
      %dma_wait3A_169 = arith.constant 0 : i32
      %dma_wait3A_170 = arith.constant 0 : i32
      %dma_wait3A_171 = tpu.memref_slice %arg13[%dma_wait3A_169, %dma_wait3A_170] : memref<10000x128xf32, #tpu.memory_space<vmem_shared>> -> memref<10000x128xf32, #tpu.memory_space<vmem_shared>>
      tpu.wait_indirect_dma semaphore(%arg22 : memref<!tpu.dma_semaphore, #tpu.memory_space<semaphore_mem>>) src(%arg12 : memref<80x128xf32, #tpu.memory_space<vmem>>) dst(%dma_wait3A_171 : memref<10000x128xf32, #tpu.memory_space<vmem_shared>>)
      %add3A_172 = arith.constant 2 : i32
      %add3A_173 = arith.addi %add3A_100, %add3A_172 : i32
      %add3A_174 = arith.constant 3 : i32
      %add3A_175 = arith.addi %add3A_173, %add3A_174 : i32
      %lt3A_176 = arith.constant 125 : i32
      %lt3A_177 = arith.cmpi slt, %add3A_175, %lt3A_176 : i32
      %convert_element_type3A_178 = arith.extui %lt3A_177 : i1 to i32
      %cond3A_179 = arith.constant 0 : i32
      %cond3A_180 = arith.cmpi ne, %convert_element_type3A_178, %cond3A_179 : i32
      scf.if %cond3A_180 {
        %add3A_181 = arith.constant 2 : i32
        %add3A_182 = arith.addi %add3A_100, %add3A_181 : i32
        %add3A_183 = arith.constant 3 : i32
        %add3A_184 = arith.addi %add3A_182, %add3A_183 : i32
        %dma_start3A_185 = arith.constant 0 : i32
        %dma_start3A_186 = tpu.memref_slice %arg4[%add3A, %add3A_184, %dma_start3A_185] : memref<32x125x80xi32, #tpu.memory_space<hbm>> -> memref<1x1x80xi32, #tpu.memory_space<hbm>>
        %dma_start3A_187 = tpu.memref_squeeze %dma_start3A_186 : memref<1x1x80xi32, #tpu.memory_space<hbm>> -> memref<80xi32, #tpu.memory_space<hbm>>
        %dma_start3A_188 = arith.constant 0 : i32
        %dma_start3A_189 = tpu.memref_slice %arg4[%add3A, %add3A_184, %dma_start3A_188] : memref<32x125x80xi32, #tpu.memory_space<hbm>> -> memref<1x1x80xi32, #tpu.memory_space<hbm>>
        %dma_start3A_190 = tpu.memref_squeeze %dma_start3A_189 : memref<1x1x80xi32, #tpu.memory_space<hbm>> -> memref<80xi32, #tpu.memory_space<hbm>>
        tpu.enqueue_dma source(%dma_start3A_190 : memref<80xi32, #tpu.memory_space<hbm>>) target(%arg9 : memref<80xi32, #tpu.memory_space<vmem>>) target_semaphore(%arg19 : memref<!tpu.dma_semaphore, #tpu.memory_space<semaphore_mem>>)
        %mul3A_191 = arith.constant 80 : i32
        %mul3A_192 = arith.muli %add3A_184, %mul3A_191 : i32
        %multiple_of3A_193 = tpu.assume_multiple %mul3A_192, 8 : i32
        %dma_start3A_194 = tpu.memref_slice %arg6[%multiple_of3A_193] : memref<10000xi32, #tpu.memory_space<vmem>> -> memref<80xi32, #tpu.memory_space<vmem>>
        %dma_start3A_195 = arith.constant 0 : i32
        %dma_start3A_196 = arith.constant 0 : i32
        %dma_start3A_197 = tpu.memref_slice %arg2[%dma_start3A_195, %dma_start3A_196] : memref<10000x128xf32, #tpu.memory_space<hbm>> -> memref<10000x128xf32, #tpu.memory_space<hbm>>
        tpu.enqueue_indirect_dma source(%dma_start3A_197 : memref<10000x128xf32, #tpu.memory_space<hbm>>) target(%arg12 : memref<80x128xf32, #tpu.memory_space<vmem>>) offsets(%dma_start3A_194 : memref<80xi32, #tpu.memory_space<vmem>>) semaphore(%arg16 : memref<!tpu.dma_semaphore, #tpu.memory_space<semaphore_mem>>)
      } else {
      }
    }
    %scan3A_50 = arith.constant 41 : i32
    %dma_wait3A = arith.constant 0 : i32
    %dma_wait3A_51 = arith.constant 0 : i32
    %dma_wait3A_52 = tpu.memref_slice %arg4[%add3A, %dma_wait3A, %dma_wait3A_51] : memref<32x125x80xi32, #tpu.memory_space<hbm>> -> memref<1x1x80xi32, #tpu.memory_space<hbm>>
    %dma_wait3A_53 = tpu.memref_squeeze %dma_wait3A_52 : memref<1x1x80xi32, #tpu.memory_space<hbm>> -> memref<80xi32, #tpu.memory_space<hbm>>
    %dma_wait3A_54 = arith.constant 0 : i32
    %dma_wait3A_55 = tpu.memref_slice %arg4[%add3A, %dma_wait3A, %dma_wait3A_54] : memref<32x125x80xi32, #tpu.memory_space<hbm>> -> memref<1x1x80xi32, #tpu.memory_space<hbm>>
    %dma_wait3A_56 = tpu.memref_squeeze %dma_wait3A_55 : memref<1x1x80xi32, #tpu.memory_space<hbm>> -> memref<80xi32, #tpu.memory_space<hbm>>
    tpu.wait_dma2 semaphore(%arg17 : memref<!tpu.dma_semaphore, #tpu.memory_space<semaphore_mem>>) src(%dma_wait3A_56 : memref<80xi32, #tpu.memory_space<hbm>>) dst(%arg7 : memref<80xi32, #tpu.memory_space<vmem>>)
    %dma_wait3A_57 = arith.constant 0 : i32
    %dma_wait3A_58 = tpu.memref_slice %arg6[%dma_wait3A_57] : memref<10000xi32, #tpu.memory_space<vmem>> -> memref<80xi32, #tpu.memory_space<vmem>>
    %dma_wait3A_59 = arith.constant 0 : i32
    %dma_wait3A_60 = arith.constant 0 : i32
    %dma_wait3A_61 = tpu.memref_slice %arg2[%dma_wait3A_59, %dma_wait3A_60] : memref<10000x128xf32, #tpu.memory_space<hbm>> -> memref<10000x128xf32, #tpu.memory_space<hbm>>
    tpu.wait_indirect_dma semaphore(%arg14 : memref<!tpu.dma_semaphore, #tpu.memory_space<semaphore_mem>>) src(%dma_wait3A_61 : memref<10000x128xf32, #tpu.memory_space<hbm>>) dst(%arg10 : memref<80x128xf32, #tpu.memory_space<vmem>>)
    %dma_start3A_62 = arith.constant 0 : i32
    %dma_start3A_63 = arith.constant 0 : i32
    %dma_start3A_64 = tpu.memref_slice %arg13[%dma_start3A_62, %dma_start3A_63] : memref<10000x128xf32, #tpu.memory_space<vmem_shared>> -> memref<10000x128xf32, #tpu.memory_space<vmem_shared>>
    tpu.enqueue_indirect_dma source(%arg10 : memref<80x128xf32, #tpu.memory_space<vmem>>) target(%dma_start3A_64 : memref<10000x128xf32, #tpu.memory_space<vmem_shared>>) offsets(%arg7 : memref<80xi32, #tpu.memory_space<vmem>>) semaphore(%arg20 : memref<!tpu.dma_semaphore, #tpu.memory_space<semaphore_mem>>) {add = true}
    %dma_wait3A_65 = arith.constant 0 : i32
    %dma_wait3A_66 = arith.constant 0 : i32
    %dma_wait3A_67 = tpu.memref_slice %arg13[%dma_wait3A_65, %dma_wait3A_66] : memref<10000x128xf32, #tpu.memory_space<vmem_shared>> -> memref<10000x128xf32, #tpu.memory_space<vmem_shared>>
    tpu.wait_indirect_dma semaphore(%arg20 : memref<!tpu.dma_semaphore, #tpu.memory_space<semaphore_mem>>) src(%arg10 : memref<80x128xf32, #tpu.memory_space<vmem>>) dst(%dma_wait3A_67 : memref<10000x128xf32, #tpu.memory_space<vmem_shared>>)
    %dma_wait3A_68 = arith.constant 0 : i32
    %dma_wait3A_69 = arith.constant 0 : i32
    %dma_wait3A_70 = tpu.memref_slice %arg4[%add3A, %dma_wait3A_68, %dma_wait3A_69] : memref<32x125x80xi32, #tpu.memory_space<hbm>> -> memref<1x1x80xi32, #tpu.memory_space<hbm>>
    %dma_wait3A_71 = tpu.memref_squeeze %dma_wait3A_70 : memref<1x1x80xi32, #tpu.memory_space<hbm>> -> memref<80xi32, #tpu.memory_space<hbm>>
    %dma_wait3A_72 = arith.constant 0 : i32
    %dma_wait3A_73 = tpu.memref_slice %arg4[%add3A, %dma_wait3A_68, %dma_wait3A_72] : memref<32x125x80xi32, #tpu.memory_space<hbm>> -> memref<1x1x80xi32, #tpu.memory_space<hbm>>
    %dma_wait3A_74 = tpu.memref_squeeze %dma_wait3A_73 : memref<1x1x80xi32, #tpu.memory_space<hbm>> -> memref<80xi32, #tpu.memory_space<hbm>>
    tpu.wait_dma2 semaphore(%arg18 : memref<!tpu.dma_semaphore, #tpu.memory_space<semaphore_mem>>) src(%dma_wait3A_74 : memref<80xi32, #tpu.memory_space<hbm>>) dst(%arg8 : memref<80xi32, #tpu.memory_space<vmem>>)
    %dma_wait3A_75 = arith.constant 0 : i32
    %dma_wait3A_76 = tpu.memref_slice %arg6[%dma_wait3A_75] : memref<10000xi32, #tpu.memory_space<vmem>> -> memref<80xi32, #tpu.memory_space<vmem>>
    %dma_wait3A_77 = arith.constant 0 : i32
    %dma_wait3A_78 = arith.constant 0 : i32
    %dma_wait3A_79 = tpu.memref_slice %arg2[%dma_wait3A_77, %dma_wait3A_78] : memref<10000x128xf32, #tpu.memory_space<hbm>> -> memref<10000x128xf32, #tpu.memory_space<hbm>>
    tpu.wait_indirect_dma semaphore(%arg15 : memref<!tpu.dma_semaphore, #tpu.memory_space<semaphore_mem>>) src(%dma_wait3A_79 : memref<10000x128xf32, #tpu.memory_space<hbm>>) dst(%arg11 : memref<80x128xf32, #tpu.memory_space<vmem>>)
    %dma_start3A_80 = arith.constant 0 : i32
    %dma_start3A_81 = arith.constant 0 : i32
    %dma_start3A_82 = tpu.memref_slice %arg13[%dma_start3A_80, %dma_start3A_81] : memref<10000x128xf32, #tpu.memory_space<vmem_shared>> -> memref<10000x128xf32, #tpu.memory_space<vmem_shared>>
    tpu.enqueue_indirect_dma source(%arg11 : memref<80x128xf32, #tpu.memory_space<vmem>>) target(%dma_start3A_82 : memref<10000x128xf32, #tpu.memory_space<vmem_shared>>) offsets(%arg8 : memref<80xi32, #tpu.memory_space<vmem>>) semaphore(%arg21 : memref<!tpu.dma_semaphore, #tpu.memory_space<semaphore_mem>>) {add = true}
    %dma_wait3A_83 = arith.constant 0 : i32
    %dma_wait3A_84 = arith.constant 0 : i32
    %dma_wait3A_85 = tpu.memref_slice %arg13[%dma_wait3A_83, %dma_wait3A_84] : memref<10000x128xf32, #tpu.memory_space<vmem_shared>> -> memref<10000x128xf32, #tpu.memory_space<vmem_shared>>
    tpu.wait_indirect_dma semaphore(%arg21 : memref<!tpu.dma_semaphore, #tpu.memory_space<semaphore_mem>>) src(%arg11 : memref<80x128xf32, #tpu.memory_space<vmem>>) dst(%dma_wait3A_85 : memref<10000x128xf32, #tpu.memory_space<vmem_shared>>)
    %barrier3A_86 = arith.constant 0 : index
    tpu.barrier barrier_id(%barrier3A_86)
    %mul3A_87 = arith.constant 624 : i32
    %mul3A_88 = arith.muli %arg1, %mul3A_87 : i32
    %mul3A_89 = arith.constant 624 : i32
    %mul3A_90 = arith.muli %arg1, %mul3A_89 : i32
    "tpu.region"() ({
      %run_scoped3A = tpu.sem_alloc : memref<!tpu.dma_semaphore, #tpu.memory_space<semaphore_mem>>
      %dma_start3A_96 = arith.constant 0 : i32
      %dma_start3A_97 = tpu.memref_slice %arg5[%arg0, %mul3A_90, %dma_start3A_96] : memref<2x10000x128xf32, #tpu.memory_space<hbm>> -> memref<1x624x128xf32, #tpu.memory_space<hbm>>
      %dma_start3A_98 = tpu.memref_squeeze %dma_start3A_97 : memref<1x624x128xf32, #tpu.memory_space<hbm>> -> memref<624x128xf32, #tpu.memory_space<hbm>>
      %dma_start3A_99 = arith.constant 0 : i32
      %dma_start3A_100 = tpu.memref_slice %arg13[%mul3A_88, %dma_start3A_99] : memref<10000x128xf32, #tpu.memory_space<vmem_shared>> -> memref<624x128xf32, #tpu.memory_space<vmem_shared>>
      tpu.enqueue_dma source(%dma_start3A_100 : memref<624x128xf32, #tpu.memory_space<vmem_shared>>) target(%dma_start3A_98 : memref<624x128xf32, #tpu.memory_space<hbm>>) target_semaphore(%run_scoped3A : memref<!tpu.dma_semaphore, #tpu.memory_space<semaphore_mem>>)
      %dma_wait3A_101 = arith.constant 0 : i32
      %dma_wait3A_102 = tpu.memref_slice %arg5[%arg0, %mul3A_90, %dma_wait3A_101] : memref<2x10000x128xf32, #tpu.memory_space<hbm>> -> memref<1x624x128xf32, #tpu.memory_space<hbm>>
      %dma_wait3A_103 = tpu.memref_squeeze %dma_wait3A_102 : memref<1x624x128xf32, #tpu.memory_space<hbm>> -> memref<624x128xf32, #tpu.memory_space<hbm>>
      %dma_wait3A_104 = arith.constant 0 : i32
      %dma_wait3A_105 = tpu.memref_slice %arg13[%mul3A_88, %dma_wait3A_104] : memref<10000x128xf32, #tpu.memory_space<vmem_shared>> -> memref<624x128xf32, #tpu.memory_space<vmem_shared>>
      tpu.wait_dma2 semaphore(%run_scoped3A : memref<!tpu.dma_semaphore, #tpu.memory_space<semaphore_mem>>) src(%dma_wait3A_105 : memref<624x128xf32, #tpu.memory_space<vmem_shared>>) dst(%dma_wait3A_103 : memref<624x128xf32, #tpu.memory_space<hbm>>)
      tpu.yield
    }) : () -> ()
    %eq3A_91 = arith.constant 15 : i32
    %eq3A_92 = arith.cmpi eq, %arg1, %eq3A_91 : i32
    %convert_element_type3A_93 = arith.extui %eq3A_92 : i1 to i32
    %cond3A_94 = arith.constant 0 : i32
    %cond3A_95 = arith.cmpi ne, %convert_element_type3A_93, %cond3A_94 : i32
    scf.if %cond3A_95 {
      "tpu.region"() ({
        %run_scoped3A = tpu.sem_alloc : memref<!tpu.dma_semaphore, #tpu.memory_space<semaphore_mem>>
        %dma_start3A_96 = arith.constant 9984 : i32
        %dma_start3A_97 = arith.constant 0 : i32
        %dma_start3A_98 = tpu.memref_slice %arg5[%arg0, %dma_start3A_96, %dma_start3A_97] : memref<2x10000x128xf32, #tpu.memory_space<hbm>> -> memref<1x16x128xf32, #tpu.memory_space<hbm>>
        %dma_start3A_99 = tpu.memref_squeeze %dma_start3A_98 : memref<1x16x128xf32, #tpu.memory_space<hbm>> -> memref<16x128xf32, #tpu.memory_space<hbm>>
        %dma_start3A_100 = arith.constant 9984 : i32
        %dma_start3A_101 = arith.constant 0 : i32
        %dma_start3A_102 = tpu.memref_slice %arg13[%dma_start3A_100, %dma_start3A_101] : memref<10000x128xf32, #tpu.memory_space<vmem_shared>> -> memref<16x128xf32, #tpu.memory_space<vmem_shared>>
        tpu.enqueue_dma source(%dma_start3A_102 : memref<16x128xf32, #tpu.memory_space<vmem_shared>>) target(%dma_start3A_99 : memref<16x128xf32, #tpu.memory_space<hbm>>) target_semaphore(%run_scoped3A : memref<!tpu.dma_semaphore, #tpu.memory_space<semaphore_mem>>)
        %dma_wait3A_103 = arith.constant 9984 : i32
        %dma_wait3A_104 = arith.constant 0 : i32
        %dma_wait3A_105 = tpu.memref_slice %arg5[%arg0, %dma_wait3A_103, %dma_wait3A_104] : memref<2x10000x128xf32, #tpu.memory_space<hbm>> -> memref<1x16x128xf32, #tpu.memory_space<hbm>>
        %dma_wait3A_106 = tpu.memref_squeeze %dma_wait3A_105 : memref<1x16x128xf32, #tpu.memory_space<hbm>> -> memref<16x128xf32, #tpu.memory_space<hbm>>
        %dma_wait3A_107 = arith.constant 9984 : i32
        %dma_wait3A_108 = arith.constant 0 : i32
        %dma_wait3A_109 = tpu.memref_slice %arg13[%dma_wait3A_107, %dma_wait3A_108] : memref<10000x128xf32, #tpu.memory_space<vmem_shared>> -> memref<16x128xf32, #tpu.memory_space<vmem_shared>>
        tpu.wait_dma2 semaphore(%run_scoped3A : memref<!tpu.dma_semaphore, #tpu.memory_space<semaphore_mem>>) src(%dma_wait3A_109 : memref<16x128xf32, #tpu.memory_space<vmem_shared>>) dst(%dma_wait3A_106 : memref<16x128xf32, #tpu.memory_space<hbm>>)
        tpu.yield
      }) : () -> ()
    } else {
    }
    return
  }
}

module attributes {stable_mosaic.version = 14 : i64} {
  func.func @_mm_body(%arg0: i32, %arg1: memref<1000x128xf32, #tpu.memory_space<vmem>>, %arg2: memref<128x128xf32, #tpu.memory_space<vmem>>, %arg3: memref<1000x1xf32, #tpu.memory_space<vmem>>, %arg4: memref<1000x128xf32, #tpu.memory_space<vmem>>) attributes {dimension_semantics = [#tpu.dimension_semantics<arbitrary>], iteration_bounds = array<i64: 10>, scalar_prefetch = 0 : i64, scratch_operands = 0 : i64, tpu.core_type = #tpu.core_type<tc>, window_params = [{transform_indices = @transform_0, window_bounds = array<i64: 1000, 128>}, {pipeline_mode = #tpu.pipeline_mode<synchronous>, transform_indices = @transform_1, window_bounds = array<i64: 128, 128>}, {transform_indices = @transform_2, window_bounds = array<i64: 1000, 1>}, {transform_indices = @transform_3, window_bounds = array<i64: 1000, 128>}]} {
    %get3A = arith.constant 0 : index
    %get3A_0 = arith.constant 0 : index
    %get3A_1 = vector.load %arg1[%get3A, %get3A_0] : memref<1000x128xf32, #tpu.memory_space<vmem>>, vector<1000x128xf32>
    %get3A_2 = arith.constant 0 : index
    %get3A_3 = arith.constant 0 : index
    %get3A_4 = vector.load %arg2[%get3A_2, %get3A_3] : memref<128x128xf32, #tpu.memory_space<vmem>>, vector<128x128xf32>
    %dot_general3A = arith.constant dense<0.000000e+00> : vector<1000x128xf32>
    %dot_general3A_5 = tpu.matmul %get3A_1, %get3A_4, %dot_general3A {dimension_numbers = #tpu.dot_dimension_numbers<[1], [0], [0], [1], [0, 0, 1, 1], [], []>, transpose_lhs_hint = false} : vector<1000x128xf32>, vector<128x128xf32>, vector<1000x128xf32> -> vector<1000x128xf32>
    %get3A_6 = arith.constant 0 : index
    %get3A_7 = arith.constant 0 : index
    %get3A_8 = vector.load %arg3[%get3A_6, %get3A_7] : memref<1000x1xf32, #tpu.memory_space<vmem>>, vector<1000x1xf32>
    %add3A = arith.constant 1.000000e+00 : f32
    %add3A_9 = vector.broadcast %add3A : f32 to vector<1000x1xf32>
    %add3A_10 = arith.addf %get3A_8, %add3A_9 : vector<1000x1xf32>
    %rsqrt3A = math.rsqrt %add3A_10 : vector<1000x1xf32>
    %mul3A = vector.broadcast %rsqrt3A : vector<1000x1xf32> to vector<1000x128xf32>
    %mul3A_11 = arith.mulf %dot_general3A_5, %mul3A : vector<1000x128xf32>
    %swap3A = arith.constant 0 : index
    %swap3A_12 = arith.constant 0 : index
    %swap3A_13 = vector.load %arg4[%swap3A, %swap3A_12] : memref<1000x128xf32, #tpu.memory_space<vmem>>, vector<1000x128xf32>
    tpu.vector_store %arg4[%swap3A, %swap3A_12], %mul3A_11 {strides = array<i32>} : memref<1000x128xf32, #tpu.memory_space<vmem>>, vector<1000x128xf32>,
    return
  }
  func.func @transform_0(%arg0: i32) -> (i32, i32) {
    %c0_i32 = arith.constant 0 : i32
    %c0_i32_0 = arith.constant 0 : i32
    return %arg0, %c0_i32 : i32, i32
  }
  func.func @transform_1(%arg0: i32) -> (i32, i32) {
    %c0_i32 = arith.constant 0 : i32
    %c0_i32_0 = arith.constant 0 : i32
    %c0_i32_1 = arith.constant 0 : i32
    return %c0_i32, %c0_i32_0 : i32, i32
  }
  func.func @transform_2(%arg0: i32) -> (i32, i32) {
    %c0_i32 = arith.constant 0 : i32
    %c0_i32_0 = arith.constant 0 : i32
    return %arg0, %c0_i32 : i32, i32
  }
  func.func @transform_3(%arg0: i32) -> (i32, i32) {
    %c0_i32 = arith.constant 0 : i32
    %c0_i32_0 = arith.constant 0 : i32
    return %arg0, %c0_i32 : i32, i32
  }
}

module attributes {stable_mosaic.version = 14 : i64} {
  func.func @_post_body(%arg0: i32, %arg1: memref<2x1000x128xf32, #tpu.memory_space<vmem>>, %arg2: memref<1000x128xf32, #tpu.memory_space<vmem>>, %arg3: memref<1000x1xf32, #tpu.memory_space<vmem>>, %arg4: memref<1x128xf32, #tpu.memory_space<vmem>>, %arg5: memref<1000x128xf32, #tpu.memory_space<vmem>>, %arg6: memref<1x128xf32, #tpu.memory_space<vmem>>) attributes {dimension_semantics = [#tpu.dimension_semantics<arbitrary>], iteration_bounds = array<i64: 10>, scalar_prefetch = 0 : i64, scratch_operands = 0 : i64, tpu.core_type = #tpu.core_type<tc>, window_params = [{transform_indices = @transform_0, window_bounds = array<i64: 2, 1000, 128>}, {transform_indices = @transform_1, window_bounds = array<i64: 1000, 128>}, {transform_indices = @transform_2, window_bounds = array<i64: 1000, 1>}, {pipeline_mode = #tpu.pipeline_mode<synchronous>, transform_indices = @transform_3, window_bounds = array<i64: 1, 128>}, {transform_indices = @transform_4, window_bounds = array<i64: 1000, 128>}, {pipeline_mode = #tpu.pipeline_mode<synchronous>, transform_indices = @transform_5, window_bounds = array<i64: 1, 128>}]} {
    %get3A = arith.constant 0 : index
    %get3A_0 = arith.constant 0 : index
    %get3A_1 = vector.load %arg3[%get3A, %get3A_0] : memref<1000x1xf32, #tpu.memory_space<vmem>>, vector<1000x1xf32>
    %add3A = arith.constant 1.000000e+00 : f32
    %add3A_2 = vector.broadcast %add3A : f32 to vector<1000x1xf32>
    %add3A_3 = arith.addf %get3A_1, %add3A_2 : vector<1000x1xf32>
    %rsqrt3A = math.rsqrt %add3A_3 : vector<1000x1xf32>
    %get3A_4 = arith.constant 0 : index
    %get3A_5 = arith.constant 0 : index
    %get3A_6 = arith.constant 0 : index
    %get3A_7 = vector.load %arg1[%get3A_4, %get3A_5, %get3A_6] : memref<2x1000x128xf32, #tpu.memory_space<vmem>>, vector<1x1000x128xf32>
    %get3A_8 = vector.shape_cast %get3A_7 : vector<1x1000x128xf32> to vector<1000x128xf32>
    %get3A_9 = arith.constant 1 : index
    %get3A_10 = arith.constant 0 : index
    %get3A_11 = arith.constant 0 : index
    %get3A_12 = vector.load %arg1[%get3A_9, %get3A_10, %get3A_11] : memref<2x1000x128xf32, #tpu.memory_space<vmem>>, vector<1x1000x128xf32>
    %get3A_13 = vector.shape_cast %get3A_12 : vector<1x1000x128xf32> to vector<1000x128xf32>
    %add3A_14 = arith.addf %get3A_8, %get3A_13 : vector<1000x128xf32>
    %get3A_15 = arith.constant 0 : index
    %get3A_16 = arith.constant 0 : index
    %get3A_17 = vector.load %arg2[%get3A_15, %get3A_16] : memref<1000x128xf32, #tpu.memory_space<vmem>>, vector<1000x128xf32>
    %sub3A = arith.subf %add3A_14, %get3A_17 : vector<1000x128xf32>
    %mul3A = vector.broadcast %rsqrt3A : vector<1000x1xf32> to vector<1000x128xf32>
    %mul3A_18 = arith.mulf %mul3A, %sub3A : vector<1000x128xf32>
    %get3A_19 = arith.constant 0 : index
    %get3A_20 = arith.constant 0 : index
    %get3A_21 = vector.load %arg4[%get3A_19, %get3A_20] : memref<1x128xf32, #tpu.memory_space<vmem>>, vector<1x128xf32>
    %add3A_22 = vector.broadcast %get3A_21 : vector<1x128xf32> to vector<1000x128xf32>
    %add3A_23 = arith.addf %mul3A_18, %add3A_22 : vector<1000x128xf32>
    %gt3A = arith.constant 0.000000e+00 : f32
    %gt3A_24 = vector.broadcast %gt3A : f32 to vector<1000x128xf32>
    %gt3A_25 = arith.cmpf ogt, %add3A_23, %gt3A_24 : vector<1000x128xf32>
    %min3A = arith.constant 0.000000e+00 : f32
    %min3A_26 = vector.broadcast %min3A : f32 to vector<1000x128xf32>
    %min3A_27 = arith.minimumf %add3A_23, %min3A_26 : vector<1000x128xf32>
    %exp3A = math.exp %min3A_27 : vector<1000x128xf32>
    %sub3A_28 = arith.constant 1.000000e+00 : f32
    %sub3A_29 = vector.broadcast %sub3A_28 : f32 to vector<1000x128xf32>
    %sub3A_30 = arith.subf %exp3A, %sub3A_29 : vector<1000x128xf32>
    %mul3A_31 = arith.constant 1.67326319 : f32
    %mul3A_32 = vector.broadcast %mul3A_31 : f32 to vector<1000x128xf32>
    %mul3A_33 = arith.mulf %mul3A_32, %sub3A_30 : vector<1000x128xf32>
    %select_n3A = arith.select %gt3A_25, %add3A_23, %mul3A_33 : vector<1000x128xi1>, vector<1000x128xf32>
    %mul3A_34 = arith.constant 1.05070102 : f32
    %mul3A_35 = vector.broadcast %mul3A_34 : f32 to vector<1000x128xf32>
    %mul3A_36 = arith.mulf %mul3A_35, %select_n3A : vector<1000x128xf32>
    %swap3A = arith.constant 0 : index
    %swap3A_37 = arith.constant 0 : index
    %swap3A_38 = vector.load %arg5[%swap3A, %swap3A_37] : memref<1000x128xf32, #tpu.memory_space<vmem>>, vector<1000x128xf32>
    tpu.vector_store %arg5[%swap3A, %swap3A_37], %mul3A_36 {strides = array<i32>} : memref<1000x128xf32, #tpu.memory_space<vmem>>, vector<1000x128xf32>,
    %eq3A = arith.constant 0 : i32
    %eq3A_39 = arith.cmpi eq, %arg0, %eq3A : i32
    %convert_element_type3A = arith.extui %eq3A_39 : i1 to i32
    %cond3A = arith.constant 0 : i32
    %cond3A_40 = arith.cmpi ne, %convert_element_type3A, %cond3A : i32
    scf.if %cond3A_40 {
      %broadcast_in_dim3A_49 = arith.constant 0.000000e+00 : f32
      %broadcast_in_dim3A_50 = vector.broadcast %broadcast_in_dim3A_49 : f32 to vector<1x128xf32>
      %swap3A_51 = arith.constant 0 : index
      %swap3A_52 = arith.constant 0 : index
      %swap3A_53 = vector.load %arg6[%swap3A_51, %swap3A_52] : memref<1x128xf32, #tpu.memory_space<vmem>>, vector<1x128xf32>
      tpu.vector_store %arg6[%swap3A_51, %swap3A_52], %broadcast_in_dim3A_50 {strides = array<i32>} : memref<1x128xf32, #tpu.memory_space<vmem>>, vector<1x128xf32>,
    } else {
    }
    %get3A_41 = arith.constant 0 : index
    %get3A_42 = arith.constant 0 : index
    %get3A_43 = vector.load %arg6[%get3A_41, %get3A_42] : memref<1x128xf32, #tpu.memory_space<vmem>>, vector<1x128xf32>
    %reduce_sum3A = arith.constant dense<0.000000e+00> : vector<128xf32>
    %reduce_sum3A_44 = vector.multi_reduction <add>, %mul3A_36, %reduce_sum3A [0] : vector<1000x128xf32> to vector<128xf32>
    %broadcast_in_dim3A = vector.shape_cast %reduce_sum3A_44 : vector<128xf32> to vector<1x128xf32>
    %add3A_45 = arith.addf %get3A_43, %broadcast_in_dim3A : vector<1x128xf32>
    %swap3A_46 = arith.constant 0 : index
    %swap3A_47 = arith.constant 0 : index
    %swap3A_48 = vector.load %arg6[%swap3A_46, %swap3A_47] : memref<1x128xf32, #tpu.memory_space<vmem>>, vector<1x128xf32>
    tpu.vector_store %arg6[%swap3A_46, %swap3A_47], %add3A_45 {strides = array<i32>} : memref<1x128xf32, #tpu.memory_space<vmem>>, vector<1x128xf32>,
    return
  }
  func.func @transform_0(%arg0: i32) -> (i32, i32, i32) {
    %c0_i32 = arith.constant 0 : i32
    %c0_i32_0 = arith.constant 0 : i32
    %c0_i32_1 = arith.constant 0 : i32
    return %c0_i32, %arg0, %c0_i32_0 : i32, i32, i32
  }
  func.func @transform_1(%arg0: i32) -> (i32, i32) {
    %c0_i32 = arith.constant 0 : i32
    %c0_i32_0 = arith.constant 0 : i32
    return %arg0, %c0_i32 : i32, i32
  }
  func.func @transform_2(%arg0: i32) -> (i32, i32) {
    %c0_i32 = arith.constant 0 : i32
    %c0_i32_0 = arith.constant 0 : i32
    return %arg0, %c0_i32 : i32, i32
  }
  func.func @transform_3(%arg0: i32) -> (i32, i32) {
    %c0_i32 = arith.constant 0 : i32
    %c0_i32_0 = arith.constant 0 : i32
    %c0_i32_1 = arith.constant 0 : i32
    return %c0_i32, %c0_i32_0 : i32, i32
  }
  func.func @transform_4(%arg0: i32) -> (i32, i32) {
    %c0_i32 = arith.constant 0 : i32
    %c0_i32_0 = arith.constant 0 : i32
    return %arg0, %c0_i32 : i32, i32
  }
  func.func @transform_5(%arg0: i32) -> (i32, i32) {
    %c0_i32 = arith.constant 0 : i32
    %c0_i32_0 = arith.constant 0 : i32
    %c0_i32_1 = arith.constant 0 : i32
    return %c0_i32, %c0_i32_0 : i32, i32
  }
}

module attributes {stable_mosaic.version = 14 : i64} {
  func.func @_varmm_body(%arg0: i32, %arg1: i32, %arg2: memref<1000x128xf32, #tpu.memory_space<vmem>>, %arg3: memref<1x128xf32, #tpu.memory_space<vmem>>, %arg4: memref<1x128xf32, #tpu.memory_space<vmem>>, %arg5: memref<1x128xf32, #tpu.memory_space<vmem>>, %arg6: memref<128x128xf32, #tpu.memory_space<vmem>>, %arg7: memref<1000x1xf32, #tpu.memory_space<vmem>>, %arg8: memref<1000x128xf32, #tpu.memory_space<vmem>>, %arg9: memref<1x128xf32, #tpu.memory_space<vmem>>) attributes {dimension_semantics = [#tpu.dimension_semantics<arbitrary>, #tpu.dimension_semantics<arbitrary>], iteration_bounds = array<i64: 2, 10>, scalar_prefetch = 0 : i64, scratch_operands = 1 : i64, tpu.core_type = #tpu.core_type<tc>, window_params = [{transform_indices = @transform_0, window_bounds = array<i64: 1000, 128>}, {pipeline_mode = #tpu.pipeline_mode<synchronous>, transform_indices = @transform_1, window_bounds = array<i64: 1, 128>}, {pipeline_mode = #tpu.pipeline_mode<synchronous>, transform_indices = @transform_2, window_bounds = array<i64: 1, 128>}, {pipeline_mode = #tpu.pipeline_mode<synchronous>, transform_indices = @transform_3, window_bounds = array<i64: 1, 128>}, {pipeline_mode = #tpu.pipeline_mode<synchronous>, transform_indices = @transform_4, window_bounds = array<i64: 128, 128>}, {transform_indices = @transform_5, window_bounds = array<i64: 1000, 1>}, {transform_indices = @transform_6, window_bounds = array<i64: 1000, 128>}]} {
    %eq3A = arith.constant 0 : i32
    %eq3A_0 = arith.cmpi eq, %arg0, %eq3A : i32
    %convert_element_type3A = arith.extui %eq3A_0 : i1 to i32
    %cond3A = arith.constant 0 : i32
    %cond3A_1 = arith.cmpi ne, %convert_element_type3A, %cond3A : i32
    scf.if %cond3A_1 {
      %eq3A_7 = arith.constant 0 : i32
      %eq3A_8 = arith.cmpi eq, %arg1, %eq3A_7 : i32
      %convert_element_type3A_9 = arith.extui %eq3A_8 : i1 to i32
      %cond3A_10 = arith.constant 0 : i32
      %cond3A_11 = arith.cmpi ne, %convert_element_type3A_9, %cond3A_10 : i32
      scf.if %cond3A_11 {
        %broadcast_in_dim3A_27 = arith.constant 0.000000e+00 : f32
        %broadcast_in_dim3A_28 = vector.broadcast %broadcast_in_dim3A_27 : f32 to vector<1x128xf32>
        %swap3A_29 = arith.constant 0 : index
        %swap3A_30 = arith.constant 0 : index
        %swap3A_31 = vector.load %arg9[%swap3A_29, %swap3A_30] : memref<1x128xf32, #tpu.memory_space<vmem>>, vector<1x128xf32>
        tpu.vector_store %arg9[%swap3A_29, %swap3A_30], %broadcast_in_dim3A_28 {strides = array<i32>} : memref<1x128xf32, #tpu.memory_space<vmem>>, vector<1x128xf32>,
      } else {
      }
      %get3A = arith.constant 0 : index
      %get3A_12 = arith.constant 0 : index
      %get3A_13 = vector.load %arg2[%get3A, %get3A_12] : memref<1000x128xf32, #tpu.memory_space<vmem>>, vector<1000x128xf32>
      %get3A_14 = arith.constant 0 : index
      %get3A_15 = arith.constant 0 : index
      %get3A_16 = vector.load %arg3[%get3A_14, %get3A_15] : memref<1x128xf32, #tpu.memory_space<vmem>>, vector<1x128xf32>
      %mul3A = arith.constant 9.99999974E-5 : f32
      %mul3A_17 = vector.broadcast %mul3A : f32 to vector<1x128xf32>
      %mul3A_18 = arith.mulf %get3A_16, %mul3A_17 : vector<1x128xf32>
      %sub3A = vector.broadcast %mul3A_18 : vector<1x128xf32> to vector<1000x128xf32>
      %sub3A_19 = arith.subf %get3A_13, %sub3A : vector<1000x128xf32>
      %get3A_20 = arith.constant 0 : index
      %get3A_21 = arith.constant 0 : index
      %get3A_22 = vector.load %arg9[%get3A_20, %get3A_21] : memref<1x128xf32, #tpu.memory_space<vmem>>, vector<1x128xf32>
      %mul3A_23 = arith.mulf %sub3A_19, %sub3A_19 : vector<1000x128xf32>
      %reduce_sum3A = arith.constant dense<0.000000e+00> : vector<128xf32>
      %reduce_sum3A_24 = vector.multi_reduction <add>, %mul3A_23, %reduce_sum3A [0] : vector<1000x128xf32> to vector<128xf32>
      %broadcast_in_dim3A = vector.shape_cast %reduce_sum3A_24 : vector<128xf32> to vector<1x128xf32>
      %add3A = arith.addf %get3A_22, %broadcast_in_dim3A : vector<1x128xf32>
      %swap3A = arith.constant 0 : index
      %swap3A_25 = arith.constant 0 : index
      %swap3A_26 = vector.load %arg9[%swap3A, %swap3A_25] : memref<1x128xf32, #tpu.memory_space<vmem>>, vector<1x128xf32>
      tpu.vector_store %arg9[%swap3A, %swap3A_25], %add3A {strides = array<i32>} : memref<1x128xf32, #tpu.memory_space<vmem>>, vector<1x128xf32>,
    } else {
    }
    %eq3A_2 = arith.constant 1 : i32
    %eq3A_3 = arith.cmpi eq, %arg0, %eq3A_2 : i32
    %convert_element_type3A_4 = arith.extui %eq3A_3 : i1 to i32
    %cond3A_5 = arith.constant 0 : i32
    %cond3A_6 = arith.cmpi ne, %convert_element_type3A_4, %cond3A_5 : i32
    scf.if %cond3A_6 {
      %get3A = arith.constant 0 : index
      %get3A_7 = arith.constant 0 : index
      %get3A_8 = vector.load %arg3[%get3A, %get3A_7] : memref<1x128xf32, #tpu.memory_space<vmem>>, vector<1x128xf32>
      %mul3A = arith.constant 9.99999974E-5 : f32
      %mul3A_9 = vector.broadcast %mul3A : f32 to vector<1x128xf32>
      %mul3A_10 = arith.mulf %get3A_8, %mul3A_9 : vector<1x128xf32>
      %get3A_11 = arith.constant 0 : index
      %get3A_12 = arith.constant 0 : index
      %get3A_13 = vector.load %arg4[%get3A_11, %get3A_12] : memref<1x128xf32, #tpu.memory_space<vmem>>, vector<1x128xf32>
      %get3A_14 = arith.constant 0 : index
      %get3A_15 = arith.constant 0 : index
      %get3A_16 = vector.load %arg9[%get3A_14, %get3A_15] : memref<1x128xf32, #tpu.memory_space<vmem>>, vector<1x128xf32>
      %mul3A_17 = arith.constant 9.99999974E-5 : f32
      %mul3A_18 = vector.broadcast %mul3A_17 : f32 to vector<1x128xf32>
      %mul3A_19 = arith.mulf %get3A_16, %mul3A_18 : vector<1x128xf32>
      %add3A = arith.constant 9.99999974E-6 : f32
      %add3A_20 = vector.broadcast %add3A : f32 to vector<1x128xf32>
      %add3A_21 = arith.addf %mul3A_19, %add3A_20 : vector<1x128xf32>
      %rsqrt3A = math.rsqrt %add3A_21 : vector<1x128xf32>
      %mul3A_22 = arith.mulf %get3A_13, %rsqrt3A : vector<1x128xf32>
      %get3A_23 = arith.constant 0 : index
      %get3A_24 = arith.constant 0 : index
      %get3A_25 = vector.load %arg5[%get3A_23, %get3A_24] : memref<1x128xf32, #tpu.memory_space<vmem>>, vector<1x128xf32>
      %mul3A_26 = arith.mulf %mul3A_10, %mul3A_22 : vector<1x128xf32>
      %sub3A = arith.subf %get3A_25, %mul3A_26 : vector<1x128xf32>
      %get3A_27 = arith.constant 0 : index
      %get3A_28 = arith.constant 0 : index
      %get3A_29 = vector.load %arg2[%get3A_27, %get3A_28] : memref<1000x128xf32, #tpu.memory_space<vmem>>, vector<1000x128xf32>
      %mul3A_30 = vector.broadcast %mul3A_22 : vector<1x128xf32> to vector<1000x128xf32>
      %mul3A_31 = arith.mulf %get3A_29, %mul3A_30 : vector<1000x128xf32>
      %add3A_32 = vector.broadcast %sub3A : vector<1x128xf32> to vector<1000x128xf32>
      %add3A_33 = arith.addf %mul3A_31, %add3A_32 : vector<1000x128xf32>
      %get3A_34 = arith.constant 0 : index
      %get3A_35 = arith.constant 0 : index
      %get3A_36 = vector.load %arg6[%get3A_34, %get3A_35] : memref<128x128xf32, #tpu.memory_space<vmem>>, vector<128x128xf32>
      %dot_general3A = arith.constant dense<0.000000e+00> : vector<1000x128xf32>
      %dot_general3A_37 = tpu.matmul %add3A_33, %get3A_36, %dot_general3A {dimension_numbers = #tpu.dot_dimension_numbers<[1], [0], [0], [1], [0, 0, 1, 1], [], []>, transpose_lhs_hint = false} : vector<1000x128xf32>, vector<128x128xf32>, vector<1000x128xf32> -> vector<1000x128xf32>
      %get3A_38 = arith.constant 0 : index
      %get3A_39 = arith.constant 0 : index
      %get3A_40 = vector.load %arg7[%get3A_38, %get3A_39] : memref<1000x1xf32, #tpu.memory_space<vmem>>, vector<1000x1xf32>
      %add3A_41 = arith.constant 1.000000e+00 : f32
      %add3A_42 = vector.broadcast %add3A_41 : f32 to vector<1000x1xf32>
      %add3A_43 = arith.addf %get3A_40, %add3A_42 : vector<1000x1xf32>
      %rsqrt3A_44 = math.rsqrt %add3A_43 : vector<1000x1xf32>
      %mul3A_45 = vector.broadcast %rsqrt3A_44 : vector<1000x1xf32> to vector<1000x128xf32>
      %mul3A_46 = arith.mulf %dot_general3A_37, %mul3A_45 : vector<1000x128xf32>
      %swap3A = arith.constant 0 : index
      %swap3A_47 = arith.constant 0 : index
      %swap3A_48 = vector.load %arg8[%swap3A, %swap3A_47] : memref<1000x128xf32, #tpu.memory_space<vmem>>, vector<1000x128xf32>
      tpu.vector_store %arg8[%swap3A, %swap3A_47], %mul3A_46 {strides = array<i32>} : memref<1000x128xf32, #tpu.memory_space<vmem>>, vector<1000x128xf32>,
    } else {
    }
    return
  }
  func.func @transform_0(%arg0: i32, %arg1: i32) -> (i32, i32) {
    %c0_i32 = arith.constant 0 : i32
    %c0_i32_0 = arith.constant 0 : i32
    return %arg1, %c0_i32 : i32, i32
  }
  func.func @transform_1(%arg0: i32, %arg1: i32) -> (i32, i32) {
    %c0_i32 = arith.constant 0 : i32
    %c0_i32_0 = arith.constant 0 : i32
    %c0_i32_1 = arith.constant 0 : i32
    return %c0_i32, %c0_i32_0 : i32, i32
  }
  func.func @transform_2(%arg0: i32, %arg1: i32) -> (i32, i32) {
    %c0_i32 = arith.constant 0 : i32
    %c0_i32_0 = arith.constant 0 : i32
    %c0_i32_1 = arith.constant 0 : i32
    return %c0_i32, %c0_i32_0 : i32, i32
  }
  func.func @transform_3(%arg0: i32, %arg1: i32) -> (i32, i32) {
    %c0_i32 = arith.constant 0 : i32
    %c0_i32_0 = arith.constant 0 : i32
    %c0_i32_1 = arith.constant 0 : i32
    return %c0_i32, %c0_i32_0 : i32, i32
  }
  func.func @transform_4(%arg0: i32, %arg1: i32) -> (i32, i32) {
    %c0_i32 = arith.constant 0 : i32
    %c0_i32_0 = arith.constant 0 : i32
    %c0_i32_1 = arith.constant 0 : i32
    return %c0_i32, %c0_i32_0 : i32, i32
  }
  func.func @transform_5(%arg0: i32, %arg1: i32) -> (i32, i32) {
    %c0_i32 = arith.constant 0 : i32
    %c0_i32_0 = arith.constant 0 : i32
    return %arg1, %c0_i32 : i32, i32
  }
  func.func @transform_6(%arg0: i32, %arg1: i32) -> (i32, i32) {
    %c0_i32 = arith.constant 0 : i32
    %c0_i32_0 = arith.constant 0 : i32
    return %arg1, %c0_i32 : i32, i32
  }
}

module attributes {stable_mosaic.version = 14 : i64} {
  func.func @_post3_body(%arg0: i32, %arg1: memref<2x1000x128xf32, #tpu.memory_space<vmem>>, %arg2: memref<1000x128xf32, #tpu.memory_space<vmem>>, %arg3: memref<1000x1xf32, #tpu.memory_space<vmem>>, %arg4: memref<1x128xf32, #tpu.memory_space<vmem>>, %arg5: memref<1000x1xi32, #tpu.memory_space<vmem>>, %arg6: memref<128x64xf32, #tpu.memory_space<vmem>>, %arg7: memref<1x64xf32, #tpu.memory_space<vmem>>, %arg8: memref<64x1xf32, #tpu.memory_space<vmem>>, %arg9: memref<1x1xf32, #tpu.memory_space<vmem>>, %arg10: memref<128x1xf32, #tpu.memory_space<vmem>>, %arg11: memref<128x128xf32, #tpu.memory_space<vmem>>) attributes {dimension_semantics = [#tpu.dimension_semantics<arbitrary>], iteration_bounds = array<i64: 10>, scalar_prefetch = 0 : i64, scratch_operands = 1 : i64, tpu.core_type = #tpu.core_type<tc>, window_params = [{transform_indices = @transform_0, window_bounds = array<i64: 2, 1000, 128>}, {transform_indices = @transform_1, window_bounds = array<i64: 1000, 128>}, {transform_indices = @transform_2, window_bounds = array<i64: 1000, 1>}, {pipeline_mode = #tpu.pipeline_mode<synchronous>, transform_indices = @transform_3, window_bounds = array<i64: 1, 128>}, {transform_indices = @transform_4, window_bounds = array<i64: 1000, 1>}, {pipeline_mode = #tpu.pipeline_mode<synchronous>, transform_indices = @transform_5, window_bounds = array<i64: 128, 64>}, {pipeline_mode = #tpu.pipeline_mode<synchronous>, transform_indices = @transform_6, window_bounds = array<i64: 1, 64>}, {pipeline_mode = #tpu.pipeline_mode<synchronous>, transform_indices = @transform_7, window_bounds = array<i64: 64, 1>}, {pipeline_mode = #tpu.pipeline_mode<synchronous>, transform_indices = @transform_8, window_bounds = array<i64: 1, 1>}, {pipeline_mode = #tpu.pipeline_mode<synchronous>, transform_indices = @transform_9, window_bounds = array<i64: 128, 1>}]} {
    %get3A = arith.constant 0 : index
    %get3A_0 = arith.constant 0 : index
    %get3A_1 = vector.load %arg3[%get3A, %get3A_0] : memref<1000x1xf32, #tpu.memory_space<vmem>>, vector<1000x1xf32>
    %add3A = arith.constant 1.000000e+00 : f32
    %add3A_2 = vector.broadcast %add3A : f32 to vector<1000x1xf32>
    %add3A_3 = arith.addf %get3A_1, %add3A_2 : vector<1000x1xf32>
    %rsqrt3A = math.rsqrt %add3A_3 : vector<1000x1xf32>
    %get3A_4 = arith.constant 0 : index
    %get3A_5 = arith.constant 0 : index
    %get3A_6 = arith.constant 0 : index
    %get3A_7 = vector.load %arg1[%get3A_4, %get3A_5, %get3A_6] : memref<2x1000x128xf32, #tpu.memory_space<vmem>>, vector<1x1000x128xf32>
    %get3A_8 = vector.shape_cast %get3A_7 : vector<1x1000x128xf32> to vector<1000x128xf32>
    %get3A_9 = arith.constant 1 : index
    %get3A_10 = arith.constant 0 : index
    %get3A_11 = arith.constant 0 : index
    %get3A_12 = vector.load %arg1[%get3A_9, %get3A_10, %get3A_11] : memref<2x1000x128xf32, #tpu.memory_space<vmem>>, vector<1x1000x128xf32>
    %get3A_13 = vector.shape_cast %get3A_12 : vector<1x1000x128xf32> to vector<1000x128xf32>
    %add3A_14 = arith.addf %get3A_8, %get3A_13 : vector<1000x128xf32>
    %get3A_15 = arith.constant 0 : index
    %get3A_16 = arith.constant 0 : index
    %get3A_17 = vector.load %arg2[%get3A_15, %get3A_16] : memref<1000x128xf32, #tpu.memory_space<vmem>>, vector<1000x128xf32>
    %sub3A = arith.subf %add3A_14, %get3A_17 : vector<1000x128xf32>
    %mul3A = vector.broadcast %rsqrt3A : vector<1000x1xf32> to vector<1000x128xf32>
    %mul3A_18 = arith.mulf %mul3A, %sub3A : vector<1000x128xf32>
    %get3A_19 = arith.constant 0 : index
    %get3A_20 = arith.constant 0 : index
    %get3A_21 = vector.load %arg4[%get3A_19, %get3A_20] : memref<1x128xf32, #tpu.memory_space<vmem>>, vector<1x128xf32>
    %add3A_22 = vector.broadcast %get3A_21 : vector<1x128xf32> to vector<1000x128xf32>
    %add3A_23 = arith.addf %mul3A_18, %add3A_22 : vector<1000x128xf32>
    %max3A = arith.constant 0.000000e+00 : f32
    %max3A_24 = vector.broadcast %max3A : f32 to vector<1000x128xf32>
    %max3A_25 = arith.maximumf %add3A_23, %max3A_24 : vector<1000x128xf32>
    %get3A_26 = arith.constant 0 : index
    %get3A_27 = arith.constant 0 : index
    %get3A_28 = vector.load %arg5[%get3A_26, %get3A_27] : memref<1000x1xi32, #tpu.memory_space<vmem>>, vector<1000x1xi32>
    %iota3A = tpu.iota {dimensions = array<i32: 1>} : vector<1x128xi32>
    %eq3A = vector.broadcast %get3A_28 : vector<1000x1xi32> to vector<1000x128xi32>
    %eq3A_29 = vector.broadcast %iota3A : vector<1x128xi32> to vector<1000x128xi32>
    %eq3A_30 = arith.cmpi eq, %eq3A, %eq3A_29 : vector<1000x128xi32>
    %convert_element_type3A = arith.extui %eq3A_30 : vector<1000x128xi1> to vector<1000x128xi32>
    %convert_element_type3A_31 = arith.sitofp %convert_element_type3A : vector<1000x128xi32> to vector<1000x128xf32>
    %dot_general3A = arith.constant dense<0.000000e+00> : vector<128x128xf32>
    %dot_general3A_32 = tpu.matmul %convert_element_type3A_31, %max3A_25, %dot_general3A {dimension_numbers = #tpu.dot_dimension_numbers<[0], [0], [1], [1], [0, 1, 1, 1], [], []>, precision = #tpu.contract_precision<fp32>, transpose_lhs_hint = false} : vector<1000x128xf32>, vector<1000x128xf32>, vector<128x128xf32> -> vector<128x128xf32>
    %eq3A_33 = arith.constant 0 : i32
    %eq3A_34 = arith.cmpi eq, %arg0, %eq3A_33 : i32
    %convert_element_type3A_35 = arith.extui %eq3A_34 : i1 to i32
    %cond3A = arith.constant 0 : i32
    %cond3A_36 = arith.cmpi ne, %convert_element_type3A_35, %cond3A : i32
    scf.if %cond3A_36 {
      %broadcast_in_dim3A = arith.constant 0.000000e+00 : f32
      %broadcast_in_dim3A_48 = vector.broadcast %broadcast_in_dim3A : f32 to vector<128x128xf32>
      %swap3A_49 = arith.constant 0 : index
      %swap3A_50 = arith.constant 0 : index
      %swap3A_51 = vector.load %arg11[%swap3A_49, %swap3A_50] : memref<128x128xf32, #tpu.memory_space<vmem>>, vector<128x128xf32>
      tpu.vector_store %arg11[%swap3A_49, %swap3A_50], %broadcast_in_dim3A_48 {strides = array<i32>} : memref<128x128xf32, #tpu.memory_space<vmem>>, vector<128x128xf32>,
    } else {
    }
    %get3A_37 = arith.constant 0 : index
    %get3A_38 = arith.constant 0 : index
    %get3A_39 = vector.load %arg11[%get3A_37, %get3A_38] : memref<128x128xf32, #tpu.memory_space<vmem>>, vector<128x128xf32>
    %add3A_40 = arith.addf %get3A_39, %dot_general3A_32 : vector<128x128xf32>
    %swap3A = arith.constant 0 : index
    %swap3A_41 = arith.constant 0 : index
    %swap3A_42 = vector.load %arg11[%swap3A, %swap3A_41] : memref<128x128xf32, #tpu.memory_space<vmem>>, vector<128x128xf32>
    tpu.vector_store %arg11[%swap3A, %swap3A_41], %add3A_40 {strides = array<i32>} : memref<128x128xf32, #tpu.memory_space<vmem>>, vector<128x128xf32>,
    %eq3A_43 = arith.constant 9 : i32
    %eq3A_44 = arith.cmpi eq, %arg0, %eq3A_43 : i32
    %convert_element_type3A_45 = arith.extui %eq3A_44 : i1 to i32
    %cond3A_46 = arith.constant 0 : i32
    %cond3A_47 = arith.cmpi ne, %convert_element_type3A_45, %cond3A_46 : i32
    scf.if %cond3A_47 {
      %get3A_48 = arith.constant 0 : index
      %get3A_49 = arith.constant 0 : index
      %get3A_50 = vector.load %arg11[%get3A_48, %get3A_49] : memref<128x128xf32, #tpu.memory_space<vmem>>, vector<128x128xf32>
      %get3A_51 = arith.constant 0 : index
      %get3A_52 = arith.constant 0 : index
      %get3A_53 = vector.load %arg6[%get3A_51, %get3A_52] : memref<128x64xf32, #tpu.memory_space<vmem>>, vector<128x64xf32>
      %dot_general3A_54 = arith.constant dense<0.000000e+00> : vector<128x64xf32>
      %dot_general3A_55 = tpu.matmul %get3A_50, %get3A_53, %dot_general3A_54 {dimension_numbers = #tpu.dot_dimension_numbers<[1], [0], [0], [1], [0, 0, 1, 1], [], []>, transpose_lhs_hint = false} : vector<128x128xf32>, vector<128x64xf32>, vector<128x64xf32> -> vector<128x64xf32>
      %get3A_56 = arith.constant 0 : index
      %get3A_57 = arith.constant 0 : index
      %get3A_58 = vector.load %arg7[%get3A_56, %get3A_57] : memref<1x64xf32, #tpu.memory_space<vmem>>, vector<1x64xf32>
      %add3A_59 = vector.broadcast %get3A_58 : vector<1x64xf32> to vector<128x64xf32>
      %add3A_60 = arith.addf %dot_general3A_55, %add3A_59 : vector<128x64xf32>
      %gt3A = arith.constant 0.000000e+00 : f32
      %gt3A_61 = vector.broadcast %gt3A : f32 to vector<128x64xf32>
      %gt3A_62 = arith.cmpf ogt, %add3A_60, %gt3A_61 : vector<128x64xf32>
      %min3A = arith.constant 0.000000e+00 : f32
      %min3A_63 = vector.broadcast %min3A : f32 to vector<128x64xf32>
      %min3A_64 = arith.minimumf %add3A_60, %min3A_63 : vector<128x64xf32>
      %exp3A = math.exp %min3A_64 : vector<128x64xf32>
      %sub3A_65 = arith.constant 1.000000e+00 : f32
      %sub3A_66 = vector.broadcast %sub3A_65 : f32 to vector<128x64xf32>
      %sub3A_67 = arith.subf %exp3A, %sub3A_66 : vector<128x64xf32>
      %mul3A_68 = arith.constant 1.67326319 : f32
      %mul3A_69 = vector.broadcast %mul3A_68 : f32 to vector<128x64xf32>
      %mul3A_70 = arith.mulf %mul3A_69, %sub3A_67 : vector<128x64xf32>
      %select_n3A = arith.select %gt3A_62, %add3A_60, %mul3A_70 : vector<128x64xi1>, vector<128x64xf32>
      %mul3A_71 = arith.constant 1.05070102 : f32
      %mul3A_72 = vector.broadcast %mul3A_71 : f32 to vector<128x64xf32>
      %mul3A_73 = arith.mulf %mul3A_72, %select_n3A : vector<128x64xf32>
      %get3A_74 = arith.constant 0 : index
      %get3A_75 = arith.constant 0 : index
      %get3A_76 = vector.load %arg8[%get3A_74, %get3A_75] : memref<64x1xf32, #tpu.memory_space<vmem>>, vector<64x1xf32>
      %dot_general3A_77 = arith.constant dense<0.000000e+00> : vector<128x1xf32>
      %dot_general3A_78 = tpu.matmul %mul3A_73, %get3A_76, %dot_general3A_77 {dimension_numbers = #tpu.dot_dimension_numbers<[1], [0], [0], [1], [0, 0, 1, 1], [], []>, transpose_lhs_hint = false} : vector<128x64xf32>, vector<64x1xf32>, vector<128x1xf32> -> vector<128x1xf32>
      %get3A_79 = arith.constant 0 : index
      %get3A_80 = arith.constant 0 : index
      %get3A_81 = vector.load %arg9[%get3A_79, %get3A_80] : memref<1x1xf32, #tpu.memory_space<vmem>>, vector<1x1xf32>
      %add3A_82 = vector.broadcast %get3A_81 : vector<1x1xf32> to vector<128x1xf32>
      %add3A_83 = arith.addf %dot_general3A_78, %add3A_82 : vector<128x1xf32>
      %swap3A_84 = arith.constant 0 : index
      %swap3A_85 = arith.constant 0 : index
      %swap3A_86 = vector.load %arg10[%swap3A_84, %swap3A_85] : memref<128x1xf32, #tpu.memory_space<vmem>>, vector<128x1xf32>
      tpu.vector_store %arg10[%swap3A_84, %swap3A_85], %add3A_83 {strides = array<i32>} : memref<128x1xf32, #tpu.memory_space<vmem>>, vector<128x1xf32>,
    } else {
    }
    return
  }
  func.func @transform_0(%arg0: i32) -> (i32, i32, i32) {
    %c0_i32 = arith.constant 0 : i32
    %c0_i32_0 = arith.constant 0 : i32
    %c0_i32_1 = arith.constant 0 : i32
    return %c0_i32, %arg0, %c0_i32_0 : i32, i32, i32
  }
  func.func @transform_1(%arg0: i32) -> (i32, i32) {
    %c0_i32 = arith.constant 0 : i32
    %c0_i32_0 = arith.constant 0 : i32
    return %arg0, %c0_i32 : i32, i32
  }
  func.func @transform_2(%arg0: i32) -> (i32, i32) {
    %c0_i32 = arith.constant 0 : i32
    %c0_i32_0 = arith.constant 0 : i32
    return %arg0, %c0_i32 : i32, i32
  }
  func.func @transform_3(%arg0: i32) -> (i32, i32) {
    %c0_i32 = arith.constant 0 : i32
    %c0_i32_0 = arith.constant 0 : i32
    %c0_i32_1 = arith.constant 0 : i32
    return %c0_i32, %c0_i32_0 : i32, i32
  }
  func.func @transform_4(%arg0: i32) -> (i32, i32) {
    %c0_i32 = arith.constant 0 : i32
    %c0_i32_0 = arith.constant 0 : i32
    return %arg0, %c0_i32 : i32, i32
  }
  func.func @transform_5(%arg0: i32) -> (i32, i32) {
    %c0_i32 = arith.constant 0 : i32
    %c0_i32_0 = arith.constant 0 : i32
    %c0_i32_1 = arith.constant 0 : i32
    return %c0_i32, %c0_i32_0 : i32, i32
  }
  func.func @transform_6(%arg0: i32) -> (i32, i32) {
    %c0_i32 = arith.constant 0 : i32
    %c0_i32_0 = arith.constant 0 : i32
    %c0_i32_1 = arith.constant 0 : i32
    return %c0_i32, %c0_i32_0 : i32, i32
  }
  func.func @transform_7(%arg0: i32) -> (i32, i32) {
    %c0_i32 = arith.constant 0 : i32
    %c0_i32_0 = arith.constant 0 : i32
    %c0_i32_1 = arith.constant 0 : i32
    return %c0_i32, %c0_i32_0 : i32, i32
  }
  func.func @transform_8(%arg0: i32) -> (i32, i32) {
    %c0_i32 = arith.constant 0 : i32
    %c0_i32_0 = arith.constant 0 : i32
    %c0_i32_1 = arith.constant 0 : i32
    return %c0_i32, %c0_i32_0 : i32, i32
  }
  func.func @transform_9(%arg0: i32) -> (i32, i32) {
    %c0_i32 = arith.constant 0 : i32
    %c0_i32_0 = arith.constant 0 : i32
    %c0_i32_1 = arith.constant 0 : i32
    return %c0_i32, %c0_i32_0 : i32, i32
  }
}

</mosaic_0001>

<sc_bundles>
// kernel: kernel.12.cloned.1.call-start
scs
__scs_entry_jumppad:
0x0: {  	(pc) =	sbr.rel $0x88, $3  }
0x1: {  	(tag) =	ssettag $0x0;
	lr =	simm.s32 $0x1  }
0x2: {  	[smem:$0x3F90] =	sst lr;
	_ =	strace $0xD0000000  }
0x3: {  	_ = 	snop  }
0x4: {  	_ = 	snop  }
0x5: {  	_ = 	snop  }
0x6: {  	_ = 	snop  }
0x7: {  	_ = 	snop  }
__scs_overlays_trampoline_lowered:
0x8: {  	[smem:$0x3F9F] =	sst s0  }
0x9: {  	[smem:$0x3FA0] =	sst s1  }
0xa: {  	[smem:$0x3FA1] =	sst s2  }
0xb: {  	[smem:$0x3FA2] =	sst s3  }
0xc: {  	[smem:$0x3FA3] =	sst s4  }
0xd: {  	[smem:$0x3FA4] =	sst s5  }
0xe: {  	[smem:$0x3FA5] =	sst s6  }
0xf: {  	[smem:$0x3FA6] =	sst s7  }
0x10: {  	[smem:$0x3FA7] =	sst s8  }
0x11: {  	[smem:$0x3FA8] =	sst s9;
	s0 =	simm.s32 @!p0 $0x0  }
0x12: {  	s1 =	sld [smem:$0x3F8E];
	s0 =	simm.s32 @p0 $0x1  }
0x13: {  	[smem:$0x3FA9] =	sst s0;
	s0 =	simm.s32 @!p1 $0x0  }
0x14: {  	s2 =	sld [smem:$0x3F8D];
	s0 =	simm.s32 @p1 $0x1  }
0x15: {  	[smem:$0x3FAA] =	sst s0;
	s0 =	simm.s32 @!p2 $0x0  }
0x16: {  	s3 =	sld [smem:$0x3FDB];
	s0 =	simm.s32 @p2 $0x1  }
0x17: {  	s4 =	simm.s32 $0x1BF5;
	[smem:$0x3FAC] =	sst s0  }
0x18: {  	s0 =	sld [smem:$0x3F8F];
	_ =	swait.ge [sflag:s4], $0x0  }
0x19: {  	s7 =	sld [smem:$0x3F90]  }
0x1a: {  	s8 =	sadd.s32 $0xFFFFE003, lr  }
0x1b: {  	s9 =	sadd.s32 $0xFFFFFEF7, lr;
	s5 =	simm.s32 $0xFFFFFFFF;
	p2 =	slt.u32 s8, $0xFFFFF086  }
0x1c: {  	p1 =	slt.u32 s9, $0xF7A;
	s5 =	simm.s32 @!p2 $0x0  }
0x1d: {  	s5 =	simm.s32 @p1 $0x1;
	p0 =	seq.s32 s7, s2  }
0x1e: {  	s7 =	smul.u32 @!p0 $0xF7A, s2;
	p2 =	seq.s32 @!p0 s5, $0x0  }
0x1f: {  	s9 =	smul.u32 $0xF7A, s1;
	s8 =	simm.s32 @!p0 $0x1BF5;
	p2 =	por !p2, p0  }
0x20: {  	[sflag:s8] =	ssyncset.s32 @!p0 $0xFFFFF086;
	s6 =	sadd.s32 @!p0 s3, s7;
	s7 =	simm.s32 @!p0 $0x108  }
0x21: {  	s3 =	sadd.s32 s3, s9;
	s6 =	sadd.s32 @!p0 $0x88, s6;
	s7 =	simm.s32 @p2 $0x1082  }
0x22: {  	[simem:s7], [sflag:s8] =	dma.local @!p0 [hbm:s6], $0xF7A  }
0x23: {  	s9 =	sor.u32 $0xD0000000, s2;
	s6 =	simm.s32 $0x108;
	_ =	swait.ge @!p0 [sflag:s8], $0x0  }
0x24: {  	s3 =	sadd.s32 $0x88, s3;
	s6 =	simm.s32 @!p1 $0x1082;
	[sflag:s4] =	ssyncset.s32 $0xFFFFF086  }
0x25: {  	[simem:s6], [sflag:s4] =	dma.local [hbm:s3], $0xF7A  }
0x26: {  	[smem:$0x3F90] =	sst s1;
	(tag) =	ssettag s2;
	_ =	strace s9  }
0x27: {  	s1 =	sld [smem:$0x3FA0]  }
0x28: {  	s2 =	sld [smem:$0x3FA1]  }
0x29: {  	s4 =	sld [smem:$0x3FA3]  }
0x2a: {  	p0 =	seq.s32 s5, $0x0;
	s5 =	sld [smem:$0x3FA4]  }
0x2b: {  	s6 =	sld [smem:$0x3FA5]  }
0x2c: {  	s7 =	sld [smem:$0x3FA6]  }
0x2d: {  	s3 =	simm.s32 $0x108;
	s8 =	sld [smem:$0x3FA7]  }
0x2e: {  	s3 =	simm.s32 @!p0 $0x1082;
	s9 =	sld [smem:$0x3FA8]  }
0x2f: {  	lr =	sadd.s32 s0, s3;
	s0 =	sld [smem:$0x3F9F]  }
0x30: {  	s3 =	sld [smem:$0x3FA2]  }
0x31: {  	[smem:$0x3FAB] =	sst s10  }
0x32: {  	s10 =	sld [smem:$0x3FA9];
	_ =	sdelay $0x3  }
0x33: {  	p0 =	seq.s32 s10, $0x1;
	s10 =	sld [smem:$0x3FAB];
	_ =	sdelay $0x3  }
0x34: {  	[smem:$0x3FAB] =	sst s10  }
0x35: {  	s10 =	sld [smem:$0x3FAA];
	_ =	sdelay $0x3  }
0x36: {  	p1 =	seq.s32 s10, $0x1;
	s10 =	sld [smem:$0x3FAB];
	_ =	sdelay $0x3  }
0x37: {  	[smem:$0x3FAB] =	sst s10  }
0x38: {  	s10 =	sld [smem:$0x3FAC]  }
0x39: {  	_ = 	snop;
	(pc) =	sbr.ind lr, $3  }
0x3a: {  	_ = 	snop  }
0x3b: {  	_ = 	snop  }
0x3c: {  	p2 =	seq.s32 s10, $0x1;
	s10 =	sld [smem:$0x3FAB]  }
0x3d: {  	_ =	shalt  }
0x3e: {  	_ =	shalt  }
0x3f: {  	_ =	shalt  }
0x40: {  	_ =	shalt  }
0x41: {  	_ =	shalt  }
0x42: {  	_ =	shalt  }
0x43: {  	_ =	shalt  }
0x44: {  	_ =	shalt  }
0x45: {  	_ =	shalt  }
0x46: {  	_ =	shalt  }
0x47: {  	_ =	shalt  }
0x48: {  	_ =	shalt  }
0x49: {  	_ =	shalt  }
0x4a: {  	_ =	shalt  }
0x4b: {  	_ =	shalt  }
0x4c: {  	_ =	shalt  }
0x4d: {  	_ =	shalt  }
0x4e: {  	_ =	shalt  }
0x4f: {  	_ =	shalt  }
0x50: {  	_ =	shalt  }
0x51: {  	_ =	shalt  }
0x52: {  	_ =	shalt  }
0x53: {  	_ =	shalt  }
0x54: {  	_ =	shalt  }
0x55: {  	_ =	shalt  }
0x56: {  	_ =	shalt  }
0x57: {  	_ =	shalt  }
0x58: {  	_ =	shalt  }
0x59: {  	_ =	shalt  }
0x5a: {  	_ =	shalt  }
0x5b: {  	_ =	shalt  }
0x5c: {  	_ =	shalt  }
0x5d: {  	_ =	shalt  }
0x5e: {  	_ =	shalt  }
0x5f: {  	_ =	shalt  }
0x60: {  	_ =	shalt  }
0x61: {  	_ =	shalt  }
0x62: {  	_ =	shalt  }
0x63: {  	_ =	shalt  }
0x64: {  	_ =	shalt  }
0x65: {  	_ =	shalt  }
0x66: {  	_ =	shalt  }
0x67: {  	_ =	shalt  }
0x68: {  	_ =	shalt  }
0x69: {  	_ =	shalt  }
0x6a: {  	_ =	shalt  }
0x6b: {  	_ =	shalt  }
0x6c: {  	_ =	shalt  }
0x6d: {  	_ =	shalt  }
0x6e: {  	_ =	shalt  }
0x6f: {  	_ =	shalt  }
0x70: {  	_ =	shalt  }
0x71: {  	_ =	shalt  }
0x72: {  	_ =	shalt  }
0x73: {  	_ =	shalt  }
0x74: {  	_ =	shalt  }
0x75: {  	_ =	shalt  }
0x76: {  	_ =	shalt  }
0x77: {  	_ =	shalt  }
0x78: {  	_ =	shalt  }
0x79: {  	_ =	shalt  }
0x7a: {  	_ =	shalt  }
0x7b: {  	_ =	shalt  }
0x7c: {  	_ =	shalt  }
0x7d: {  	_ =	shalt  }
0x7e: {  	_ =	shalt  }
0x7f: {  	_ =	shalt  }
0x80: {  	_ =	shalt  }
0x81: {  	_ =	shalt  }
0x82: {  	_ =	shalt  }
0x83: {  	_ =	shalt  }
0x84: {  	_ =	shalt  }
0x85: {  	_ =	shalt  }
0x86: {  	_ =	shalt  }
0x87: {  	_ =	shalt  }
.Lfunc_end0:
.L_simem_size_0:
called_computation_lowered:
.L_overlay_start_0:
0x88: {  	s2 =	sld [smem:$0x3FD9]  }
0x89: {  	s3 =	sld [smem:$0x3FFE];
	_ =	sdelay $0x1  }
0x8a: {  	s1 =	srdreg.scid  }
0x8b: {  	s0 =	sand.u32 $0x1, s1  }
0x8c: {  	s16 =	sshll.u32 s0, $0xA;
	s2 =	sadd.s32 s3, s2  }
0x8d: {  	s2 =	sadd.s32 s2, s16  }
0x8e: {  	[smem:$0x3FB7] =	sst s2  }
0x8f: {  	_ = 	snop  }
0x90: {  	(tm) =	ssettm $0x1  }
0x91: {  	s17 =	sld [smem:$0x3FFB];
	_ =	sdelay $0x3  }
0x92: {  	_ =	strace s17  }
0x93: {  	s2 =	sld [smem:$0x3FFC];
	_ =	sdelay $0x3  }
0x94: {  	_ =	strace s2  }
0x95: {  	s2 =	sld [smem:$0x3FFD];
	_ =	sdelay $0x3  }
0x96: {  	_ =	strace s2  }
0x97: {  	_ =	strace $0x8FFFFFFF  }
0x98: {  	s18 =	sld [smem:$0x3FDB];
	_ =	sdelay $0x1  }
0x99: {  	s19 =	simm.s32 $_scs_section_size  }
0x9a: {  	s4 =	simm.s32 $_size__tile_overlayer_lowered;
	s5 =	simm.s32 $_tile_overlayer_lowered  }
0x9b: {  	s22 =	simm.s32 $0x1BFF;
	s21 =	sshll.u32 s5, $0x1;
	s2 =	sadd.s32 s19, s18  }
0x9c: {  	s6 =	simm.s32 $0x0;
	s20 =	sshll.u32 s4, $0x1;
	s4 =	sadd.s32 s21, s2  }
0x9d: {  	[timem:s6], [sflag:s22] =	dma.local [hbm:s4], s20  }
0x9e: {  	_ =	swait.ge [sflag:s22], s20  }
0x9f: {  	s3 =	ssub.s32 $0x0, s20;
	[sflag:s22] =	ssyncset.done $0x0  }
0xa0: {  	[sflag:s22] =	ssyncadd.s32 s3;
	_ =	sdelay $0x1  }
0xa1: {  	s23 =	simm.s32 $0x1B8B  }
0xa2: {  	_ =	swait.ge [sflag:s23], $0x1  }
0xa3: {  	[sflag:s23] =	ssyncset.done $0x0  }
0xa4: {  	s25 =	simm.s32 $0x1B8E;
	s24 =	sld [smem:$0x3FFE];
	[sflag:s23] =	ssyncadd.s32 $0xFFFFFFFF  }
0xa5: {  	s26 =	simm.s32 $execute0_lowered;
	[smem:$0x3FD2] =	sst s25  }
0xa6: {  	s4 =	sshll.u32 s26, $0x1;
	_ =	strace $0x80000046;
	[dreg:$0x1] =	wrdreg $0xFFFFFFFF  }
0xa7: {  	s28 =	simm.s32 $_size_execute0_lowered;
	s2 =	sadd.s32 s2, s4;
	[dreg:$0x0] =	wrdreg $0x0  }
0xa8: {  	s4 =	sshll.u32 s28, $0x1;
	[dreg:$0x2] =	wrdreg s2  }
0xa9: {  	[dreg:$0x3] =	wrdreg s4  }
0xaa: {  	[dreg:$0x4] =	wrdreg $0xC0  }
0xab: {  	_ =	task [dreg:s6], $0x5FFFF  }
0xac: {  	[dreg:$0x1] =	wrdreg $0xFFFFFFFF  }
0xad: {  	[dreg:$0x0] =	wrdreg $0x60  }
0xae: {  	[dreg:$0x2] =	wrdreg s24  }
0xaf: {  	[dreg:$0x3] =	wrdreg $0x43000  }
0xb0: {  	[dreg:$0x4] =	wrdreg $0x9  }
0xb1: {  	_ =	task.clear_ibuf [dreg:s6], $0x5FFFF;
	_ =	strace $0x90000046  }
0xb2: {  	s29 =	simm.s32 $0x9;
	_ =	strace $0x80000048  }
0xb3: {  	_ =	swait.ge [sflag:s29], $0x1  }
0xb4: {  	[sflag:s29] =	ssyncadd.s32 $0xFFFFFFFF  }
0xb5: {  	_ =	strace $0x90000048  }
0xb6: {  	_ =	sfence  }
0xb7: {  	s30 =	sld [smem:$0x0];
	_ =	sdelay $0x2  }
0xb8: {  	s31 =	sshll.u32 s1, $0xD;
	s1 =	sshrl.u32 s1, $0x2  }
0xb9: {  	s3 =	sand.u32 $0x4000, s31;
	s1 =	sadd.s32 s1, s30  }
0xba: {  	s0 =	sor.u32 s3, s0;
	s1 =	sshll.u32 s1, $0x11  }
0xbb: {  	s0 =	sor.u32 s1, s0  }
0xbc: {  	s0 =	sadd.s32 $0x8F2B, s0  }
0xbd: {  	[sflag:s0] =	ssyncadd.remote.s32 $0x1  }
0xbe: {  	_ =	sfence.sel $0xFFFF  }
0xbf: {  	[dreg:$0x0] =	wrdreg $0xFFFFFFFF;
	(pc) =	sbr.abs _section_cstart, $3  }
0xc0: {  	[dreg:$0x1] =	wrdreg $0xFFFFFFFF  }
0xc1: {  	_ =	task.clear_ibuf [dreg:s6], $0x2FFFF;
	_ =	strace $0x9FFFFFFF  }
0xc2: {  	(tm) =	ssettm $0x7FFFFFFF  }
0xc3: {  	_ =	shalt  }
tec
execute0_lowered:
.L_overlay_start_1:
0x0: {  	(tag) =	ssettag $0x1  }
0x1: {  	s4 =	rddreg [dreg:$0x0]  }
0x2: {  	s2 =	rddreg [dreg:$0x1]  }
0x3: {  	s0 =	rddreg [dreg:$0x2]  }
0x4: {  	s5 =	srdreg.scid;
	s1 =	stileid.u32  }
0x5: {  	s3 =	simm.s32 $0x0;
	s11 =	simm.s32 $0x4000;
	s12 =	simm.s32 $0x80  }
0x6: {  	s13 =	simm.s32 $0x100;
	s14 =	simm.s32 $0x180;
	s15 =	simm.s32 $0x1  }
0x7: {  	s18 =	simm.s32 $0x20;
	s19 =	simm.s32 $0x10;
	s20 =	simm.s32 $0x0  }
0x8: {  	s5 =	sand.u32 $0x1, s5;
	s6 =	smul.u32 $0x500, s1;
	[smem:$0x7FF] =	sst s3  }
0x9: {  	s28 =	smul.u32 $0xA00, s1;
	s9 =	sshll.u32 s1, $0xC;
	s16 =	sshll.u32 s1, $0x6  }
0xa: {  	s7 =	sshll.u32 s5, $0xB;
	s8 =	sshll.u32 s5, $0x7;
	_ =	strace $0x80000047  }
0xb: {  	s5 =	ssub.s32 $0x2, s5;
	s16 =	sor.u32 $0x1C02, s16;
	s7 =	sadd.s32 s7, s4  }
0xc: {  	s6 =	sor.u32 s8, s6;
	s29 =	sshrl.u32 s5, $0x1;
	s31 =	sshrl.u32 s28, $0x2  }
0xd: {  	s8 =	simm.s32 $0x2;
	s6 =	sshrl.u32 s6, $0x3;
	s10 =	ssub.s32 s5, s29  }
0xe: {  	s30 =	sadd.s32 s9, s7;
	s5 =	sadd.s32 s31, s2;
	s9 =	simm.s32 $0x4080  }
0xf: {  	s6 =	sadd.s32 s6, s4;
	s4 =	sadd.s32 $0xDA00, s30;
	s7 =	smax.u32 s10, $0x1  }
0x10: {  	v0 =	vimm.f32 $0.0e+00;
	v1 =	vimm.f32 $1.000000000e+00;
	s10 =	simm.s32 $0x50;
	s17 =	sshrl.u32 s5, $0x3;
	s6 =	sadd.s32 $0x1DA00, s6  }
.LBB2_1:
0x11: {  	[tilespmem:s3], [sflag:$0x2] =	stream.linear.gather [hbm4b:s4+s3], $0x3E80, $0x38;
	[tilespmem:$0x4580] =	vst v63  }
0x12: {  	_ =	swait.ge [sflag:s8], $0x3E80  }
0x13: {  	[sflag:s8] =	ssyncset.done $0x0  }
0x14: {  	[sflag:s8] =	ssyncadd.s32 $0xFFFFC180  }
0x15: {  	[tilespmem:$0x4080] =	vst v0  }
0x16: {  	[tilespmem:$0x4090] =	vst v0  }
0x17: {  	[tilespmem:$0x40A0] =	vst v0  }
0x18: {  	[tilespmem:$0x40B0] =	vst v0  }
0x19: {  	[tilespmem:$0x40C0] =	vst v0  }
0x1a: {  	[tilespmem:$0x40D0] =	vst v0  }
0x1b: {  	[tilespmem:$0x40E0] =	vst v0  }
0x1c: {  	[tilespmem:$0x40F0] =	vst v0  }
0x1d: {  	[tilespmem:$0x4100] =	vst v0  }
0x1e: {  	[tilespmem:$0x4110] =	vst v0  }
0x1f: {  	[tilespmem:$0x4120] =	vst v0  }
0x20: {  	[tilespmem:$0x4130] =	vst v0  }
0x21: {  	[tilespmem:$0x4140] =	vst v0  }
0x22: {  	[tilespmem:$0x4150] =	vst v0  }
0x23: {  	[tilespmem:$0x4160] =	vst v0  }
0x24: {  	[tilespmem:$0x4170] =	vst v0  }
0x25: {  	[tilespmem:$0x4180] =	vst v0  }
0x26: {  	[tilespmem:$0x4190] =	vst v0  }
0x27: {  	[tilespmem:$0x41A0] =	vst v0  }
0x28: {  	[tilespmem:$0x41B0] =	vst v0  }
0x29: {  	[tilespmem:$0x41C0] =	vst v0  }
0x2a: {  	[tilespmem:$0x41D0] =	vst v0  }
0x2b: {  	[tilespmem:$0x41E0] =	vst v0  }
0x2c: {  	[tilespmem:$0x41F0] =	vst v0  }
0x2d: {  	[tilespmem:$0x4200] =	vst v0  }
0x2e: {  	[tilespmem:$0x4210] =	vst v0  }
0x2f: {  	[tilespmem:$0x4220] =	vst v0  }
0x30: {  	[tilespmem:$0x4230] =	vst v0  }
0x31: {  	[tilespmem:$0x4240] =	vst v0  }
0x32: {  	[tilespmem:$0x4250] =	vst v0  }
0x33: {  	[tilespmem:$0x4260] =	vst v0  }
0x34: {  	[tilespmem:$0x4270] =	vst v0  }
0x35: {  	[tilespmem:$0x4280] =	vst v0  }
0x36: {  	[tilespmem:$0x4290] =	vst v0  }
0x37: {  	[tilespmem:$0x42A0] =	vst v0  }
0x38: {  	[tilespmem:$0x42B0] =	vst v0  }
0x39: {  	[tilespmem:$0x42C0] =	vst v0  }
0x3a: {  	[tilespmem:$0x42D0] =	vst v0  }
0x3b: {  	[tilespmem:$0x42E0] =	vst v0  }
0x3c: {  	[tilespmem:$0x42F0] =	vst v0  }
0x3d: {  	[spmem:s5] =	stream.linear.scatter [tilespmem:s9], [sflag:$0x2], $0x280, $0x38;
	[tilespmem:$0x4580] =	vst v63  }
0x3e: {  	_ =	swait.ge [sflag:s8], $0x280  }
0x3f: {  	[sflag:s8] =	ssyncset.done $0x0  }
0x40: {  	[sflag:s8] =	ssyncadd.s32 $0xFFFFFD80  }
0x41: {  	[tilespmem:$0x4000] =	vst v1  }
0x42: {  	[tilespmem:$0x4010] =	vst v1  }
0x43: {  	[tilespmem:$0x4020] =	vst v1  }
0x44: {  	[tilespmem:$0x4030] =	vst v1  }
0x45: {  	[tilespmem:$0x4040] =	vst v1  }
0x46: {  	[bflag:$0x0] =	sbarrier.arrive $0xFFFF  }
0x47: {  	[spmem:s2] =	stream.indirect.scatter.add.f32 [tilespmem:s11], [sflag:$0x1], $0x1, s3, s10, $0xb8;
	[tilespmem:$0x4580] =	vst v63  }
0x48: {  	_ = 	snop  }
0x49: {  	[spmem:s2] =	stream.indirect.scatter.add.f32 [tilespmem:s11], [sflag:$0x1], $0x1, s12, s10, $0xb8;
	[tilespmem:$0x4580] =	vst v63  }
0x4a: {  	_ = 	snop  }
0x4b: {  	[spmem:s2] =	stream.indirect.scatter.add.f32 [tilespmem:s11], [sflag:$0x1], $0x1, s13, s10, $0xb8;
	[tilespmem:$0x4580] =	vst v63  }
0x4c: {  	_ = 	snop  }
0x4d: {  	[spmem:s2] =	stream.indirect.scatter.add.f32 [tilespmem:s11], [sflag:$0x1], $0x1, s14, s10, $0xb8;
	[tilespmem:$0x4580] =	vst v63  }
0x4e: {  	s21 =	simm.s32 $0x200  }
0x4f: {  	[spmem:s2] =	stream.indirect.scatter.add.f32 [tilespmem:s11], [sflag:$0x1], $0x1, s21, s10, $0xb8;
	[tilespmem:$0x4580] =	vst v63  }
0x50: {  	_ =	swait.ge [sflag:s15], $0x50  }
0x51: {  	s21 =	simm.s32 $0xA00;
	[sflag:s15] =	ssyncset.done $0x0  }
.LBB2_2:
0x52: {  	s22 =	sshra.s32 s21, $0x2;
	[sflag:s15] =	ssyncadd.s32 $0xFFFFFFB0;
	p0 =	sne.s32 s21, $0xF800  }
0x53: {  	[spmem:s2] =	stream.indirect.scatter.add.f32 [tilespmem:s11], [sflag:$0x1], $0x1, s22, s10, $0xb8;
	[tilespmem:$0x4580] =	vst v63  }
.Ltmp0:
0x54: {  	_ = 	snop;
	(pc) =	sbr.rel @p0 .LBB2_2-.Ltmp0, $4  }
0x55: {  	_ = 	snop  }
0x56: {  	s21 =	sadd.s32 $0x200, s21  }
0x57: {  	_ =	swait.ge [sflag:s15], $0x50  }
0x58: {  	[sflag:s15] =	ssyncset.done $0x0  }
0x59: {  	[sflag:s15] =	ssyncadd.s32 $0xFFFFFFB0  }
0x5a: {  	_ =	swait.ge [sflag:s15], $0x50  }
0x5b: {  	[sflag:s15] =	ssyncset.done $0x0  }
0x5c: {  	[sflag:s15] =	ssyncadd.s32 $0xFFFFFFB0  }
0x5d: {  	_ =	swait.ge [sflag:s15], $0x50  }
0x5e: {  	[sflag:s15] =	ssyncset.done $0x0  }
0x5f: {  	[sflag:s15] =	ssyncadd.s32 $0xFFFFFFB0  }
0x60: {  	_ =	swait.ge [sflag:s15], $0x50  }
0x61: {  	[sflag:s15] =	ssyncset.done $0x0  }
0x62: {  	[sflag:s15] =	ssyncadd.s32 $0xFFFFFFB0  }
0x63: {  	_ =	swait.ge [sflag:s15], $0x50  }
0x64: {  	s20 =	sadd.s32 $0x1, s20;
	[sflag:s15] =	ssyncset.done $0x0  }
0x65: {  	p0 =	sne.s32 s20, s7;
	[sflag:s15] =	ssyncadd.s32 $0xFFFFFFB0  }
.Ltmp1:
0x66: {  	[bflag:$0x0] =	sbarrier.arrive $0xFFFF;
	(pc) =	sbr.rel @p0 .LBB2_1-.Ltmp1, $4  }
0x67: {  	[hbm:s6@s18], [sflag:s16] =	dma.strided [spmem:s17@s19], $0x50, s15, $0x10   }
0x68: {  	_ =	swait.ge [sflag:s8], $0x50  }
0x69: {  	[sflag:s8] =	ssyncset.done $0x0  }
0x6a: {  	[sflag:s8] =	ssyncadd.s32 $0xFFFFFFB0  }
0x6b: {  	_ =	sfence.sel $0x180000  }
0x6c: {  	[bflag:$0x0] =	sbarrier.arrive $0xFFFF  }
0x6d: {  	p0 =	sne.s32 s1, $0x0;
	_ =	strace $0x90000047  }
0x6e: {  	s0 =	sadd.s32 @!p0 $0x100000, s0;
	[bflag:$0x2] =	sbarrier.arrive $0xFFFF  }
0x6f: {  	[sflag:s0] =	ssyncadd.tile.s32 @!p0 $0x1;
	_ =	shalt  }
.Lfunc_end2:
_tile_overlayer_lowered:
.L_overlay_start_2:
0x70: {  	(tag) =	ssettag $0x2  }
0x71: {  	s0 =	rddreg [dreg:$0x0];
	s2 =	stileid.u32  }
0x72: {  	s1 =	rddreg [dreg:$0x1];
	p0 =	sne.s32 s2, $0x0  }
0x73: {  	s3 =	rddreg [dreg:$0x2];
	[bflag:$0x3] =	sbarrier.arrive $0xFFFF;
	s2 =	simm.s32 @!p0 $0x1C02  }
0x74: {  	[timem:s3], [sflag:s2] =	dma.local @!p0 [hbm:s0], s1  }
0x75: {  	s0 =	simm.s32 @!p0 $0x2  }
0x76: {  	_ =	swait.ge @!p0 [sflag:s0], s1  }
0x77: {  	s1 =	ssub.s32 @!p0 $0x0, s1;
	[sflag:s0] =	ssyncset.done @!p0 $0x0  }
0x78: {  	[sflag:s0] =	ssyncadd.s32 @!p0 s1  }
0x79: {  	[bflag:$0x3] =	sbarrier.arrive $0xFFFF  }
0x7a: {  	_ =	shalt  }

// kernel: kernel.15.cloned.1.call-start
scs
__scs_entry_jumppad:
0x0: {  	(pc) =	sbr.rel $0x88, $3  }
0x1: {  	(tag) =	ssettag $0x0;
	lr =	simm.s32 $0x1  }
0x2: {  	[smem:$0x3F90] =	sst lr;
	_ =	strace $0xD0000000  }
0x3: {  	_ = 	snop  }
0x4: {  	_ = 	snop  }
0x5: {  	_ = 	snop  }
0x6: {  	_ = 	snop  }
0x7: {  	_ = 	snop  }
__scs_overlays_trampoline_lowered:
0x8: {  	[smem:$0x3F9F] =	sst s0  }
0x9: {  	[smem:$0x3FA0] =	sst s1  }
0xa: {  	[smem:$0x3FA1] =	sst s2  }
0xb: {  	[smem:$0x3FA2] =	sst s3  }
0xc: {  	[smem:$0x3FA3] =	sst s4  }
0xd: {  	[smem:$0x3FA4] =	sst s5  }
0xe: {  	[smem:$0x3FA5] =	sst s6  }
0xf: {  	[smem:$0x3FA6] =	sst s7  }
0x10: {  	[smem:$0x3FA7] =	sst s8  }
0x11: {  	[smem:$0x3FA8] =	sst s9;
	s0 =	simm.s32 @!p0 $0x0  }
0x12: {  	s1 =	sld [smem:$0x3F8E];
	s0 =	simm.s32 @p0 $0x1  }
0x13: {  	[smem:$0x3FA9] =	sst s0;
	s0 =	simm.s32 @!p1 $0x0  }
0x14: {  	s2 =	sld [smem:$0x3F8D];
	s0 =	simm.s32 @p1 $0x1  }
0x15: {  	[smem:$0x3FAA] =	sst s0;
	s0 =	simm.s32 @!p2 $0x0  }
0x16: {  	s3 =	sld [smem:$0x3FDB];
	s0 =	simm.s32 @p2 $0x1  }
0x17: {  	s4 =	simm.s32 $0x1BF5;
	[smem:$0x3FAC] =	sst s0  }
0x18: {  	s0 =	sld [smem:$0x3F8F];
	_ =	swait.ge [sflag:s4], $0x0  }
0x19: {  	s7 =	sld [smem:$0x3F90]  }
0x1a: {  	s8 =	sadd.s32 $0xFFFFE003, lr  }
0x1b: {  	s9 =	sadd.s32 $0xFFFFFEF7, lr;
	s5 =	simm.s32 $0xFFFFFFFF;
	p2 =	slt.u32 s8, $0xFFFFF086  }
0x1c: {  	p1 =	slt.u32 s9, $0xF7A;
	s5 =	simm.s32 @!p2 $0x0  }
0x1d: {  	s5 =	simm.s32 @p1 $0x1;
	p0 =	seq.s32 s7, s2  }
0x1e: {  	s7 =	smul.u32 @!p0 $0xF7A, s2;
	p2 =	seq.s32 @!p0 s5, $0x0  }
0x1f: {  	s9 =	smul.u32 $0xF7A, s1;
	s8 =	simm.s32 @!p0 $0x1BF5;
	p2 =	por !p2, p0  }
0x20: {  	[sflag:s8] =	ssyncset.s32 @!p0 $0xFFFFF086;
	s6 =	sadd.s32 @!p0 s3, s7;
	s7 =	simm.s32 @!p0 $0x108  }
0x21: {  	s3 =	sadd.s32 s3, s9;
	s6 =	sadd.s32 @!p0 $0x88, s6;
	s7 =	simm.s32 @p2 $0x1082  }
0x22: {  	[simem:s7], [sflag:s8] =	dma.local @!p0 [hbm:s6], $0xF7A  }
0x23: {  	s9 =	sor.u32 $0xD0000000, s2;
	s6 =	simm.s32 $0x108;
	_ =	swait.ge @!p0 [sflag:s8], $0x0  }
0x24: {  	s3 =	sadd.s32 $0x88, s3;
	s6 =	simm.s32 @!p1 $0x1082;
	[sflag:s4] =	ssyncset.s32 $0xFFFFF086  }
0x25: {  	[simem:s6], [sflag:s4] =	dma.local [hbm:s3], $0xF7A  }
0x26: {  	[smem:$0x3F90] =	sst s1;
	(tag) =	ssettag s2;
	_ =	strace s9  }
0x27: {  	s1 =	sld [smem:$0x3FA0]  }
0x28: {  	s2 =	sld [smem:$0x3FA1]  }
0x29: {  	s4 =	sld [smem:$0x3FA3]  }
0x2a: {  	p0 =	seq.s32 s5, $0x0;
	s5 =	sld [smem:$0x3FA4]  }
0x2b: {  	s6 =	sld [smem:$0x3FA5]  }
0x2c: {  	s7 =	sld [smem:$0x3FA6]  }
0x2d: {  	s3 =	simm.s32 $0x108;
	s8 =	sld [smem:$0x3FA7]  }
0x2e: {  	s3 =	simm.s32 @!p0 $0x1082;
	s9 =	sld [smem:$0x3FA8]  }
0x2f: {  	lr =	sadd.s32 s0, s3;
	s0 =	sld [smem:$0x3F9F]  }
0x30: {  	s3 =	sld [smem:$0x3FA2]  }
0x31: {  	[smem:$0x3FAB] =	sst s10  }
0x32: {  	s10 =	sld [smem:$0x3FA9];
	_ =	sdelay $0x3  }
0x33: {  	p0 =	seq.s32 s10, $0x1;
	s10 =	sld [smem:$0x3FAB];
	_ =	sdelay $0x3  }
0x34: {  	[smem:$0x3FAB] =	sst s10  }
0x35: {  	s10 =	sld [smem:$0x3FAA];
	_ =	sdelay $0x3  }
0x36: {  	p1 =	seq.s32 s10, $0x1;
	s10 =	sld [smem:$0x3FAB];
	_ =	sdelay $0x3  }
0x37: {  	[smem:$0x3FAB] =	sst s10  }
0x38: {  	s10 =	sld [smem:$0x3FAC]  }
0x39: {  	_ = 	snop;
	(pc) =	sbr.ind lr, $3  }
0x3a: {  	_ = 	snop  }
0x3b: {  	_ = 	snop  }
0x3c: {  	p2 =	seq.s32 s10, $0x1;
	s10 =	sld [smem:$0x3FAB]  }
0x3d: {  	_ =	shalt  }
0x3e: {  	_ =	shalt  }
0x3f: {  	_ =	shalt  }
0x40: {  	_ =	shalt  }
0x41: {  	_ =	shalt  }
0x42: {  	_ =	shalt  }
0x43: {  	_ =	shalt  }
0x44: {  	_ =	shalt  }
0x45: {  	_ =	shalt  }
0x46: {  	_ =	shalt  }
0x47: {  	_ =	shalt  }
0x48: {  	_ =	shalt  }
0x49: {  	_ =	shalt  }
0x4a: {  	_ =	shalt  }
0x4b: {  	_ =	shalt  }
0x4c: {  	_ =	shalt  }
0x4d: {  	_ =	shalt  }
0x4e: {  	_ =	shalt  }
0x4f: {  	_ =	shalt  }
0x50: {  	_ =	shalt  }
0x51: {  	_ =	shalt  }
0x52: {  	_ =	shalt  }
0x53: {  	_ =	shalt  }
0x54: {  	_ =	shalt  }
0x55: {  	_ =	shalt  }
0x56: {  	_ =	shalt  }
0x57: {  	_ =	shalt  }
0x58: {  	_ =	shalt  }
0x59: {  	_ =	shalt  }
0x5a: {  	_ =	shalt  }
0x5b: {  	_ =	shalt  }
0x5c: {  	_ =	shalt  }
0x5d: {  	_ =	shalt  }
0x5e: {  	_ =	shalt  }
0x5f: {  	_ =	shalt  }
0x60: {  	_ =	shalt  }
0x61: {  	_ =	shalt  }
0x62: {  	_ =	shalt  }
0x63: {  	_ =	shalt  }
0x64: {  	_ =	shalt  }
0x65: {  	_ =	shalt  }
0x66: {  	_ =	shalt  }
0x67: {  	_ =	shalt  }
0x68: {  	_ =	shalt  }
0x69: {  	_ =	shalt  }
0x6a: {  	_ =	shalt  }
0x6b: {  	_ =	shalt  }
0x6c: {  	_ =	shalt  }
0x6d: {  	_ =	shalt  }
0x6e: {  	_ =	shalt  }
0x6f: {  	_ =	shalt  }
0x70: {  	_ =	shalt  }
0x71: {  	_ =	shalt  }
0x72: {  	_ =	shalt  }
0x73: {  	_ =	shalt  }
0x74: {  	_ =	shalt  }
0x75: {  	_ =	shalt  }
0x76: {  	_ =	shalt  }
0x77: {  	_ =	shalt  }
0x78: {  	_ =	shalt  }
0x79: {  	_ =	shalt  }
0x7a: {  	_ =	shalt  }
0x7b: {  	_ =	shalt  }
0x7c: {  	_ =	shalt  }
0x7d: {  	_ =	shalt  }
0x7e: {  	_ =	shalt  }
0x7f: {  	_ =	shalt  }
0x80: {  	_ =	shalt  }
0x81: {  	_ =	shalt  }
0x82: {  	_ =	shalt  }
0x83: {  	_ =	shalt  }
0x84: {  	_ =	shalt  }
0x85: {  	_ =	shalt  }
0x86: {  	_ =	shalt  }
0x87: {  	_ =	shalt  }
.Lfunc_end0:
.L_simem_size_0:
called_computation.1_lowered:
.L_overlay_start_0:
0x88: {  	s2 =	sld [smem:$0x3FD9]  }
0x89: {  	s3 =	sld [smem:$0x3FFE];
	_ =	sdelay $0x1  }
0x8a: {  	s1 =	srdreg.scid  }
0x8b: {  	s0 =	sand.u32 $0x1, s1  }
0x8c: {  	s16 =	sshll.u32 s0, $0xA;
	s2 =	sadd.s32 s3, s2  }
0x8d: {  	s2 =	sadd.s32 s2, s16  }
0x8e: {  	[smem:$0x3FB7] =	sst s2  }
0x8f: {  	_ = 	snop  }
0x90: {  	(tm) =	ssettm $0x1  }
0x91: {  	s17 =	sld [smem:$0x3FFB];
	_ =	sdelay $0x3  }
0x92: {  	_ =	strace s17  }
0x93: {  	s2 =	sld [smem:$0x3FFC];
	_ =	sdelay $0x3  }
0x94: {  	_ =	strace s2  }
0x95: {  	s2 =	sld [smem:$0x3FFD];
	_ =	sdelay $0x3  }
0x96: {  	_ =	strace s2  }
0x97: {  	_ =	strace $0x8FFFFFFF  }
0x98: {  	s18 =	sld [smem:$0x3FDB];
	_ =	sdelay $0x1  }
0x99: {  	s19 =	simm.s32 $_scs_section_size  }
0x9a: {  	s4 =	simm.s32 $_size__tile_overlayer_lowered;
	s5 =	simm.s32 $_tile_overlayer_lowered  }
0x9b: {  	s22 =	simm.s32 $0x1BFF;
	s21 =	sshll.u32 s5, $0x1;
	s2 =	sadd.s32 s19, s18  }
0x9c: {  	s6 =	simm.s32 $0x0;
	s20 =	sshll.u32 s4, $0x1;
	s4 =	sadd.s32 s21, s2  }
0x9d: {  	[timem:s6], [sflag:s22] =	dma.local [hbm:s4], s20  }
0x9e: {  	_ =	swait.ge [sflag:s22], s20  }
0x9f: {  	s3 =	ssub.s32 $0x0, s20;
	[sflag:s22] =	ssyncset.done $0x0  }
0xa0: {  	[sflag:s22] =	ssyncadd.s32 s3;
	_ =	sdelay $0x1  }
0xa1: {  	s23 =	simm.s32 $0x1B8B  }
0xa2: {  	_ =	swait.ge [sflag:s23], $0x1  }
0xa3: {  	[sflag:s23] =	ssyncset.done $0x0  }
0xa4: {  	s25 =	simm.s32 $0x1B8E;
	s24 =	sld [smem:$0x3FFE];
	[sflag:s23] =	ssyncadd.s32 $0xFFFFFFFF  }
0xa5: {  	s26 =	simm.s32 $execute0_lowered;
	[smem:$0x3FD2] =	sst s25  }
0xa6: {  	s4 =	sshll.u32 s26, $0x1;
	_ =	strace $0x80000049;
	[dreg:$0x1] =	wrdreg $0xFFFFFFFF  }
0xa7: {  	s28 =	simm.s32 $_size_execute0_lowered;
	s2 =	sadd.s32 s2, s4;
	[dreg:$0x0] =	wrdreg $0x0  }
0xa8: {  	s4 =	sshll.u32 s28, $0x1;
	[dreg:$0x2] =	wrdreg s2  }
0xa9: {  	[dreg:$0x3] =	wrdreg s4  }
0xaa: {  	[dreg:$0x4] =	wrdreg $0xC0  }
0xab: {  	_ =	task [dreg:s6], $0x5FFFF  }
0xac: {  	[dreg:$0x1] =	wrdreg $0xFFFFFFFF  }
0xad: {  	[dreg:$0x0] =	wrdreg $0x60  }
0xae: {  	[dreg:$0x2] =	wrdreg s24  }
0xaf: {  	[dreg:$0x3] =	wrdreg $0xA1000  }
0xb0: {  	[dreg:$0x4] =	wrdreg $0x9  }
0xb1: {  	_ =	task.clear_ibuf [dreg:s6], $0x5FFFF;
	_ =	strace $0x90000049  }
0xb2: {  	s29 =	simm.s32 $0x9;
	_ =	strace $0x8000004B  }
0xb3: {  	_ =	swait.ge [sflag:s29], $0x1  }
0xb4: {  	[sflag:s29] =	ssyncadd.s32 $0xFFFFFFFF  }
0xb5: {  	_ =	strace $0x9000004B  }
0xb6: {  	_ =	sfence  }
0xb7: {  	s30 =	sld [smem:$0x0];
	_ =	sdelay $0x2  }
0xb8: {  	s31 =	sshll.u32 s1, $0xD;
	s1 =	sshrl.u32 s1, $0x2  }
0xb9: {  	s3 =	sand.u32 $0x4000, s31;
	s1 =	sadd.s32 s1, s30  }
0xba: {  	s0 =	sor.u32 s3, s0;
	s1 =	sshll.u32 s1, $0x11  }
0xbb: {  	s0 =	sor.u32 s1, s0  }
0xbc: {  	s0 =	sadd.s32 $0x8F2B, s0  }
0xbd: {  	[sflag:s0] =	ssyncadd.remote.s32 $0x1  }
0xbe: {  	_ =	sfence.sel $0xFFFF  }
0xbf: {  	[dreg:$0x0] =	wrdreg $0xFFFFFFFF;
	(pc) =	sbr.abs _section_cstart, $3  }
0xc0: {  	[dreg:$0x1] =	wrdreg $0xFFFFFFFF  }
0xc1: {  	_ =	task.clear_ibuf [dreg:s6], $0x2FFFF;
	_ =	strace $0x9FFFFFFF  }
0xc2: {  	(tm) =	ssettm $0x7FFFFFFF  }
0xc3: {  	_ =	shalt  }
tec
execute0_lowered:
.L_overlay_start_1:
0x0: {  	(tag) =	ssettag $0x1  }
0x1: {  	s0 =	rddreg [dreg:$0x0]  }
0x2: {  	s1 =	srdreg.scid;
	s14 =	stileid.u32  }
0x3: {  	s2 =	rddreg [dreg:$0x1];
	s3 =	simm.s32 $0x0;
	s16 =	simm.s32 $0xA  }
0x4: {  	s28 =	simm.s32 $0x7900;
	s29 =	simm.s32 $0x4;
	s30 =	simm.s32 $0x1  }
0x5: {  	s31 =	simm.s32 $0x7;
	s1 =	sand.u32 $0x1, s1;
	s7 =	smul.u32 $0x4E000, s14  }
0x6: {  	s4 =	sshll.u32 s14, $0x1;
	[smem:$0x7FF] =	sst s3;
	s11 =	smul.u32 $0x13800, s14  }
0x7: {  	s12 =	sadd.s32 $0x44C00, s0;
	p0 =	sne.s32 s14, $0xF;
	s26 =	sshll.u32 s14, $0x6  }
0x8: {  	s6 =	sor.u32 s1, s4;
	_ =	strace $0x8000004A;
	s4 =	sadd.s32 $0x1DA00, s0  }
0x9: {  	s9 =	ssub.s32 $0x2, s1;
	s1 =	smul.u32 $0x138800, s1;
	s17 =	sor.u32 $0x1C0A, s26  }
0xa: {  	s26 =	simm.s32 $0x8;
	s5 =	smul.u32 $0x4E2, s6;
	s10 =	sshrl.u32 s9, $0x1  }
0xb: {  	s7 =	sshrl.u32 s7, $0x2;
	s18 =	sshrl.u32 s11, $0x3;
	s20 =	sshll.u32 s6, $0xB  }
0xc: {  	s13 =	ssub.s32 s9, s10;
	s7 =	sadd.s32 s7, s2;
	s19 =	sadd.s32 s4, s18  }
0xd: {  	s9 =	sshll.u32 s6, $0xE;
	s22 =	sadd.s32 s11, s1;
	s1 =	sshrl.u32 s1, $0x3  }
0xe: {  	s6 =	simm.s32 $0x6;
	s11 =	simm.s32 $0x0;
	s8 =	sadd.s32 s5, s0  }
0xf: {  	s5 =	sadd.s32 $0xDA00, s0;
	[dreg:$0x4] =	wrdreg s19;
	s0 =	sadd.s32 $0x44A00, s0  }
0x10: {  	s1 =	sadd.s32 s12, s1;
	s25 =	smax.u32 s13, $0x1;
	s18 =	sshrl.u32 s7, $0x3  }
0x11: {  	s7 =	simm.s32 $0x3;
	s8 =	sadd.s32 $0x3C00, s8;
	[dreg:$0x5] =	wrdreg s0  }
0x12: {  	s10 =	sadd.s32 s5, s20;
	s0 =	sshrl.u32 s22, $0x3;
	s24 =	sadd.s32 $0x27000, s1  }
0x13: {  	[dreg:$0xa] =	wrdreg s25;
	s20 =	simm.s32 $0x2780;
	s22 =	simm.s32 $0x2900  }
0x14: {  	s25 =	simm.s32 $0x2880;
	s1 =	simm.s32 $0x5;
	[dreg:$0x3] =	wrdreg s8  }
.Ltmp0:
0x15: {  	s21 =	sadd.s32 $0x10, s10;
	[dreg:$0x9] =	wrdreg s24;
	(pc) =	sbr.rel .LBB2_1-.Ltmp0, $4  }
0x16: {  	s8 =	sadd.s32 $0x138000, s2;
	s23 =	sadd.s32 $0x20, s10;
	[dreg:$0x6] =	wrdreg s21  }
0x17: {  	s0 =	sadd.s32 s12, s0;
	s24 =	simm.s32 $0x5100;
	[dreg:$0x7] =	wrdreg s23  }
0x18: {  	[dreg:$0x8] =	wrdreg s0;
	s19 =	sshrl.u32 @!p0 s8, $0x3;
	s21 =	simm.s32 $0x50  }
0x19: {  	s23 =	simm.s32 $0x2800;
	s0 =	simm.s32 $0x2;
	s8 =	simm.s32 $0x9  }
.LBB2_4:
0x1a: {  	_ =	swait.ge [sflag:s29], $0x80  }
0x1b: {  	[sflag:s29] =	ssyncset.done $0x0  }
0x1c: {  	[sflag:s29] =	ssyncadd.s32 $0xFFFFFF80  }
0x1d: {  	_ =	swait.ge [sflag:s30], $0x2800  }
0x1e: {  	[sflag:s30] =	ssyncset.done $0x0  }
0x1f: {  	[sflag:s30] =	ssyncadd.s32 $0xFFFFD800  }
0x20: {  	[spmem:s2] =	stream.indirect.scatter.add.f32 [tilespmem:s22], [sflag:$0x7], $0x80, s20, s21, $0xb8;
	[tilespmem:$0x1D980] =	vst v63  }
0x21: {  	_ =	swait.ge [sflag:s31], $0x2800  }
0x22: {  	[sflag:s31] =	ssyncset.done $0x0  }
0x23: {  	[sflag:s31] =	ssyncadd.s32 $0xFFFFD800  }
0x24: {  	_ =	swait.ge [sflag:s1], $0x80  }
0x25: {  	[sflag:s1] =	ssyncset.done $0x0  }
0x26: {  	[sflag:s1] =	ssyncadd.s32 $0xFFFFFF80  }
0x27: {  	_ =	swait.ge [sflag:s0], $0x2800  }
0x28: {  	[sflag:s0] =	ssyncset.done $0x0  }
0x29: {  	[sflag:s0] =	ssyncadd.s32 $0xFFFFD800  }
0x2a: {  	[spmem:s2] =	stream.indirect.scatter.add.f32 [tilespmem:s24], [sflag:$0x8], $0x80, s23, s21, $0xb8;
	[tilespmem:$0x1D980] =	vst v63  }
0x2b: {  	_ =	swait.ge [sflag:s26], $0x2800  }
0x2c: {  	[sflag:s26] =	ssyncset.done $0x0  }
0x2d: {  	[sflag:s26] =	ssyncadd.s32 $0xFFFFD800  }
0x2e: {  	[bflag:$0x0] =	sbarrier.arrive $0xFFFF  }
0x2f: {  	s12 =	rddreg [dreg:$0x8]  }
0x30: {  	[hbm:s12], [sflag:s17] =	dma.local [spmem:s18], $0x2700  }
0x31: {  	_ =	swait.ge [sflag:s16], $0x2700  }
0x32: {  	[sflag:s16] =	ssyncset.done $0x0  }
0x33: {  	s12 =	rddreg [dreg:$0x9];
	[sflag:s16] =	ssyncadd.s32 $0xFFFFD900  }
0x34: {  	[hbm:s12], [sflag:s17] =	dma.local @!p0 [spmem:s19], $0x100  }
0x35: {  	s12 =	simm.s32 @!p0 $0xA  }
0x36: {  	_ =	swait.ge @!p0 [sflag:s12], $0x100  }
0x37: {  	s11 =	sadd.s32 $0x1, s11;
	s13 =	rddreg [dreg:$0xa]  }
0x38: {  	p1 =	sne.s32 s11, s13  }
.Ltmp1:
0x39: {  	_ = 	snop;
	(pc) =	sbr.rel @!p1 .LBB2_5-.Ltmp1, $3  }
0x3a: {  	_ =	sdelay $0x1  }
0x3b: {  	[sflag:s12] =	ssyncset.done @!p0 $0x0  }
0x3c: {  	[sflag:s12] =	ssyncadd.s32 @!p0 $0xFFFFFF00  }
.LBB2_1:
0x3d: {  	s12 =	rddreg [dreg:$0x3]  }
0x3e: {  	[tilespmem:s3], [sflag:$0xA] =	stream.linear.gather [hbm4b:s12+s3], $0x2710, $0x38;
	[tilespmem:$0x1D980] =	vst v63  }
0x3f: {  	_ =	swait.ge [sflag:s16], $0x2710  }
0x40: {  	[sflag:s16] =	ssyncset.done $0x0  }
0x41: {  	s15 =	rddreg [dreg:$0x4];
	[sflag:s16] =	ssyncadd.s32 $0xFFFFD8F0  }
0x42: {  	[spmem:s18], [sflag:s17] =	dma.local [hbm:s15], $0x2700  }
0x43: {  	_ =	swait.ge [sflag:s16], $0x2700  }
0x44: {  	[sflag:s16] =	ssyncset.done $0x0  }
0x45: {  	s12 =	rddreg [dreg:$0x5];
	[sflag:s16] =	ssyncadd.s32 $0xFFFFD900  }
0x46: {  	[spmem:s19], [sflag:s17] =	dma.local @!p0 [hbm:s12], $0x100  }
0x47: {  	s12 =	simm.s32 @!p0 $0xA  }
0x48: {  	_ =	swait.ge @!p0 [sflag:s12], $0x100  }
0x49: {  	[sflag:s12] =	ssyncset.done @!p0 $0x0  }
0x4a: {  	[sflag:s12] =	ssyncadd.s32 @!p0 $0xFFFFFF00  }
0x4b: {  	[bflag:$0x0] =	sbarrier.arrive $0xFFFF  }
0x4c: {  	[tilespmem:s20], [sflag:$0x4] =	stream.linear.gather [hbm4b:s10+s3], $0x80, $0x38;
	[tilespmem:$0x1D980] =	vst v63  }
0x4d: {  	_ = 	snop  }
0x4e: {  	[tilespmem:s22], [sflag:$0x1] =	stream.indirect.gather [hbm4b:s4+s21], $0x80, s3, s21, $0xb8;
	[tilespmem:$0x1D980] =	vst v63  }
0x4f: {  	s13 =	rddreg [dreg:$0x6]  }
0x50: {  	[tilespmem:s23], [sflag:$0x5] =	stream.linear.gather [hbm4b:s13+s3], $0x80, $0x38;
	[tilespmem:$0x1D980] =	vst v63  }
0x51: {  	_ = 	snop  }
0x52: {  	[tilespmem:s24], [sflag:$0x2] =	stream.indirect.gather [hbm4b:s4+s21], $0x80, s21, s21, $0xb8;
	[tilespmem:$0x1D980] =	vst v63  }
0x53: {  	s14 =	rddreg [dreg:$0x7]  }
0x54: {  	[tilespmem:s25], [sflag:$0x6] =	stream.linear.gather [hbm4b:s14+s3], $0x80, $0x38;
	[tilespmem:$0x1D980] =	vst v63  }
0x55: {  	s15 =	simm.s32 $0xA0;
	s12 =	simm.s32 $0x280;
	s13 =	simm.s32 $0x190  }
0x56: {  	[tilespmem:s28], [sflag:$0x3] =	stream.indirect.gather [hbm4b:s4+s21], $0x80, s15, s21, $0xb8;
	[tilespmem:$0x1D980] =	vst v63  }
.LBB2_2:
0x57: {  	_ =	swait.ge [sflag:s29], $0x80  }
0x58: {  	[sflag:s29] =	ssyncset.done $0x0  }
0x59: {  	[sflag:s29] =	ssyncadd.s32 $0xFFFFFF80  }
0x5a: {  	s14 =	sadd.s32 $0xFFFFFF00, s12;
	_ =	swait.ge [sflag:s30], $0x2800  }
0x5b: {  	s15 =	sand.u32 $0xFC00, s14;
	[sflag:s30] =	ssyncset.done $0x0  }
0x5c: {  	s14 =	sand.u32 $0x380, s14;
	s15 =	sadd.s32 s9, s15;
	[sflag:s30] =	ssyncadd.s32 $0xFFFFD800  }
0x5d: {  	[spmem:s2] =	stream.indirect.scatter.add.f32 [tilespmem:s22], [sflag:$0x7], $0x80, s20, s21, $0xb8;
	[tilespmem:$0x1D980] =	vst v63  }
0x5e: {  	s14 =	sor.u32 s14, s15;
	_ =	swait.ge [sflag:s31], $0x2800  }
0x5f: {  	s14 =	sshrl.u32 s14, $0x3;
	[sflag:s31] =	ssyncset.done $0x0  }
0x60: {  	s14 =	sadd.s32 s5, s14;
	[sflag:s31] =	ssyncadd.s32 $0xFFFFD800  }
0x61: {  	[tilespmem:s20], [sflag:$0x4] =	stream.linear.gather [hbm4b:s14+s3], $0x80, $0x38;
	[tilespmem:$0x1D980] =	vst v63  }
0x62: {  	s15 =	sadd.s32 $0xFFFFFF60, s13  }
0x63: {  	[tilespmem:s22], [sflag:$0x1] =	stream.indirect.gather [hbm4b:s4+s21], $0x80, s15, s21, $0xb8;
	[tilespmem:$0x1D980] =	vst v63  }
0x64: {  	_ =	swait.ge [sflag:s1], $0x80  }
0x65: {  	[sflag:s1] =	ssyncset.done $0x0  }
0x66: {  	[sflag:s1] =	ssyncadd.s32 $0xFFFFFF80  }
0x67: {  	s14 =	sadd.s32 $0xFFFFFF80, s12;
	_ =	swait.ge [sflag:s0], $0x2800  }
0x68: {  	s15 =	sand.u32 $0xFC00, s14;
	[sflag:s0] =	ssyncset.done $0x0  }
0x69: {  	s14 =	sand.u32 $0x380, s14;
	s15 =	sadd.s32 s9, s15;
	[sflag:s0] =	ssyncadd.s32 $0xFFFFD800  }
0x6a: {  	[spmem:s2] =	stream.indirect.scatter.add.f32 [tilespmem:s24], [sflag:$0x8], $0x80, s23, s21, $0xb8;
	[tilespmem:$0x1D980] =	vst v63  }
0x6b: {  	s14 =	sor.u32 s14, s15;
	_ =	swait.ge [sflag:s26], $0x2800  }
0x6c: {  	s14 =	sshrl.u32 s14, $0x3;
	[sflag:s26] =	ssyncset.done $0x0  }
0x6d: {  	s14 =	sadd.s32 s5, s14;
	[sflag:s26] =	ssyncadd.s32 $0xFFFFD800  }
0x6e: {  	[tilespmem:s23], [sflag:$0x5] =	stream.linear.gather [hbm4b:s14+s3], $0x80, $0x38;
	[tilespmem:$0x1D980] =	vst v63  }
0x6f: {  	s15 =	sadd.s32 $0xFFFFFFB0, s13  }
0x70: {  	[tilespmem:s24], [sflag:$0x2] =	stream.indirect.gather [hbm4b:s4+s21], $0x80, s15, s21, $0xb8;
	[tilespmem:$0x1D980] =	vst v63  }
0x71: {  	_ =	swait.ge [sflag:s6], $0x80  }
0x72: {  	[sflag:s6] =	ssyncset.done $0x0  }
0x73: {  	[sflag:s6] =	ssyncadd.s32 $0xFFFFFF80  }
0x74: {  	_ =	swait.ge [sflag:s7], $0x2800  }
0x75: {  	p1 =	seq.s32 s12, $0x3E80;
	[sflag:s7] =	ssyncset.done $0x0  }
.Ltmp2:
0x76: {  	[sflag:s7] =	ssyncadd.s32 $0xFFFFD800;
	(pc) =	sbr.rel @p1 .LBB2_4-.Ltmp2, $4  }
0x77: {  	[spmem:s2] =	stream.indirect.scatter.add.f32 [tilespmem:s28], [sflag:$0x9], $0x80, s25, s21, $0xb8;
	[tilespmem:$0x1D980] =	vst v63  }
0x78: {  	_ =	swait.ge [sflag:s8], $0x2800  }
0x79: {  	[sflag:s8] =	ssyncset.done $0x0  }
0x7a: {  	[sflag:s8] =	ssyncadd.s32 $0xFFFFD800  }
0x7b: {  	s14 =	sand.u32 $0xFC00, s12  }
0x7c: {  	s15 =	sand.u32 $0x380, s12;
	s14 =	sadd.s32 s9, s14  }
0x7d: {  	s14 =	sor.u32 s15, s14  }
0x7e: {  	s14 =	sshrl.u32 s14, $0x3  }
.Ltmp3:
0x7f: {  	s14 =	sadd.s32 s5, s14;
	(pc) =	sbr.rel .LBB2_2-.Ltmp3, $4  }
0x80: {  	[tilespmem:s25], [sflag:$0x6] =	stream.linear.gather [hbm4b:s14+s3], $0x80, $0x38;
	[tilespmem:$0x1D980] =	vst v63  }
0x81: {  	_ = 	snop  }
0x82: {  	[tilespmem:s28], [sflag:$0x3] =	stream.indirect.gather [hbm4b:s4+s21], $0x80, s13, s21, $0xb8;
	[tilespmem:$0x1D980] =	vst v63  }
0x83: {  	s12 =	sadd.s32 $0x180, s12;
	s13 =	sadd.s32 $0xF0, s13  }
.LBB2_5:
0x84: {  	_ =	sfence.sel $0x180000  }
0x85: {  	[bflag:$0x0] =	sbarrier.arrive $0xFFFF  }
0x86: {  	_ =	strace $0x9000004A  }
0x87: {  	s0 =	stileid.u32;
	[bflag:$0x2] =	sbarrier.arrive $0xFFFF  }
0x88: {  	p0 =	sne.s32 s0, $0x0;
	s0 =	rddreg [dreg:$0x2]  }
0x89: {  	s0 =	sadd.s32 @!p0 $0x100000, s0  }
0x8a: {  	[sflag:s0] =	ssyncadd.tile.s32 @!p0 $0x1;
	_ =	shalt  }
.Lfunc_end2:
_tile_overlayer_lowered:
.L_overlay_start_2:
0x8b: {  	(tag) =	ssettag $0x2  }
0x8c: {  	s0 =	rddreg [dreg:$0x0];
	s2 =	stileid.u32  }
0x8d: {  	s1 =	rddreg [dreg:$0x1];
	p0 =	sne.s32 s2, $0x0  }
0x8e: {  	s3 =	rddreg [dreg:$0x2];
	[bflag:$0x3] =	sbarrier.arrive $0xFFFF;
	s2 =	simm.s32 @!p0 $0x1C0A  }
0x8f: {  	[timem:s3], [sflag:s2] =	dma.local @!p0 [hbm:s0], s1  }
0x90: {  	s0 =	simm.s32 @!p0 $0xA  }
0x91: {  	_ =	swait.ge @!p0 [sflag:s0], s1  }
0x92: {  	s1 =	ssub.s32 @!p0 $0x0, s1;
	[sflag:s0] =	ssyncset.done @!p0 $0x0  }
0x93: {  	[sflag:s0] =	ssyncadd.s32 @!p0 s1  }
0x94: {  	[bflag:$0x3] =	sbarrier.arrive $0xFFFF  }
0x95: {  	_ =	shalt  }

// kernel: kernel.18.cloned.1.call-start
scs
__scs_entry_jumppad:
0x0: {  	(pc) =	sbr.rel $0x88, $3  }
0x1: {  	(tag) =	ssettag $0x0;
	lr =	simm.s32 $0x1  }
0x2: {  	[smem:$0x3F90] =	sst lr;
	_ =	strace $0xD0000000  }
0x3: {  	_ = 	snop  }
0x4: {  	_ = 	snop  }
0x5: {  	_ = 	snop  }
0x6: {  	_ = 	snop  }
0x7: {  	_ = 	snop  }
__scs_overlays_trampoline_lowered:
0x8: {  	[smem:$0x3F9F] =	sst s0  }
0x9: {  	[smem:$0x3FA0] =	sst s1  }
0xa: {  	[smem:$0x3FA1] =	sst s2  }
0xb: {  	[smem:$0x3FA2] =	sst s3  }
0xc: {  	[smem:$0x3FA3] =	sst s4  }
0xd: {  	[smem:$0x3FA4] =	sst s5  }
0xe: {  	[smem:$0x3FA5] =	sst s6  }
0xf: {  	[smem:$0x3FA6] =	sst s7  }
0x10: {  	[smem:$0x3FA7] =	sst s8  }
0x11: {  	[smem:$0x3FA8] =	sst s9;
	s0 =	simm.s32 @!p0 $0x0  }
0x12: {  	s1 =	sld [smem:$0x3F8E];
	s0 =	simm.s32 @p0 $0x1  }
0x13: {  	[smem:$0x3FA9] =	sst s0;
	s0 =	simm.s32 @!p1 $0x0  }
0x14: {  	s2 =	sld [smem:$0x3F8D];
	s0 =	simm.s32 @p1 $0x1  }
0x15: {  	[smem:$0x3FAA] =	sst s0;
	s0 =	simm.s32 @!p2 $0x0  }
0x16: {  	s3 =	sld [smem:$0x3FDB];
	s0 =	simm.s32 @p2 $0x1  }
0x17: {  	s4 =	simm.s32 $0x1BF5;
	[smem:$0x3FAC] =	sst s0  }
0x18: {  	s0 =	sld [smem:$0x3F8F];
	_ =	swait.ge [sflag:s4], $0x0  }
0x19: {  	s7 =	sld [smem:$0x3F90]  }
0x1a: {  	s8 =	sadd.s32 $0xFFFFE003, lr  }
0x1b: {  	s9 =	sadd.s32 $0xFFFFFEF7, lr;
	s5 =	simm.s32 $0xFFFFFFFF;
	p2 =	slt.u32 s8, $0xFFFFF086  }
0x1c: {  	p1 =	slt.u32 s9, $0xF7A;
	s5 =	simm.s32 @!p2 $0x0  }
0x1d: {  	s5 =	simm.s32 @p1 $0x1;
	p0 =	seq.s32 s7, s2  }
0x1e: {  	s7 =	smul.u32 @!p0 $0xF7A, s2;
	p2 =	seq.s32 @!p0 s5, $0x0  }
0x1f: {  	s9 =	smul.u32 $0xF7A, s1;
	s8 =	simm.s32 @!p0 $0x1BF5;
	p2 =	por !p2, p0  }
0x20: {  	[sflag:s8] =	ssyncset.s32 @!p0 $0xFFFFF086;
	s6 =	sadd.s32 @!p0 s3, s7;
	s7 =	simm.s32 @!p0 $0x108  }
0x21: {  	s3 =	sadd.s32 s3, s9;
	s6 =	sadd.s32 @!p0 $0x88, s6;
	s7 =	simm.s32 @p2 $0x1082  }
0x22: {  	[simem:s7], [sflag:s8] =	dma.local @!p0 [hbm:s6], $0xF7A  }
0x23: {  	s9 =	sor.u32 $0xD0000000, s2;
	s6 =	simm.s32 $0x108;
	_ =	swait.ge @!p0 [sflag:s8], $0x0  }
0x24: {  	s3 =	sadd.s32 $0x88, s3;
	s6 =	simm.s32 @!p1 $0x1082;
	[sflag:s4] =	ssyncset.s32 $0xFFFFF086  }
0x25: {  	[simem:s6], [sflag:s4] =	dma.local [hbm:s3], $0xF7A  }
0x26: {  	[smem:$0x3F90] =	sst s1;
	(tag) =	ssettag s2;
	_ =	strace s9  }
0x27: {  	s1 =	sld [smem:$0x3FA0]  }
0x28: {  	s2 =	sld [smem:$0x3FA1]  }
0x29: {  	s4 =	sld [smem:$0x3FA3]  }
0x2a: {  	p0 =	seq.s32 s5, $0x0;
	s5 =	sld [smem:$0x3FA4]  }
0x2b: {  	s6 =	sld [smem:$0x3FA5]  }
0x2c: {  	s7 =	sld [smem:$0x3FA6]  }
0x2d: {  	s3 =	simm.s32 $0x108;
	s8 =	sld [smem:$0x3FA7]  }
0x2e: {  	s3 =	simm.s32 @!p0 $0x1082;
	s9 =	sld [smem:$0x3FA8]  }
0x2f: {  	lr =	sadd.s32 s0, s3;
	s0 =	sld [smem:$0x3F9F]  }
0x30: {  	s3 =	sld [smem:$0x3FA2]  }
0x31: {  	[smem:$0x3FAB] =	sst s10  }
0x32: {  	s10 =	sld [smem:$0x3FA9];
	_ =	sdelay $0x3  }
0x33: {  	p0 =	seq.s32 s10, $0x1;
	s10 =	sld [smem:$0x3FAB];
	_ =	sdelay $0x3  }
0x34: {  	[smem:$0x3FAB] =	sst s10  }
0x35: {  	s10 =	sld [smem:$0x3FAA];
	_ =	sdelay $0x3  }
0x36: {  	p1 =	seq.s32 s10, $0x1;
	s10 =	sld [smem:$0x3FAB];
	_ =	sdelay $0x3  }
0x37: {  	[smem:$0x3FAB] =	sst s10  }
0x38: {  	s10 =	sld [smem:$0x3FAC]  }
0x39: {  	_ = 	snop;
	(pc) =	sbr.ind lr, $3  }
0x3a: {  	_ = 	snop  }
0x3b: {  	_ = 	snop  }
0x3c: {  	p2 =	seq.s32 s10, $0x1;
	s10 =	sld [smem:$0x3FAB]  }
0x3d: {  	_ =	shalt  }
0x3e: {  	_ =	shalt  }
0x3f: {  	_ =	shalt  }
0x40: {  	_ =	shalt  }
0x41: {  	_ =	shalt  }
0x42: {  	_ =	shalt  }
0x43: {  	_ =	shalt  }
0x44: {  	_ =	shalt  }
0x45: {  	_ =	shalt  }
0x46: {  	_ =	shalt  }
0x47: {  	_ =	shalt  }
0x48: {  	_ =	shalt  }
0x49: {  	_ =	shalt  }
0x4a: {  	_ =	shalt  }
0x4b: {  	_ =	shalt  }
0x4c: {  	_ =	shalt  }
0x4d: {  	_ =	shalt  }
0x4e: {  	_ =	shalt  }
0x4f: {  	_ =	shalt  }
0x50: {  	_ =	shalt  }
0x51: {  	_ =	shalt  }
0x52: {  	_ =	shalt  }
0x53: {  	_ =	shalt  }
0x54: {  	_ =	shalt  }
0x55: {  	_ =	shalt  }
0x56: {  	_ =	shalt  }
0x57: {  	_ =	shalt  }
0x58: {  	_ =	shalt  }
0x59: {  	_ =	shalt  }
0x5a: {  	_ =	shalt  }
0x5b: {  	_ =	shalt  }
0x5c: {  	_ =	shalt  }
0x5d: {  	_ =	shalt  }
0x5e: {  	_ =	shalt  }
0x5f: {  	_ =	shalt  }
0x60: {  	_ =	shalt  }
0x61: {  	_ =	shalt  }
0x62: {  	_ =	shalt  }
0x63: {  	_ =	shalt  }
0x64: {  	_ =	shalt  }
0x65: {  	_ =	shalt  }
0x66: {  	_ =	shalt  }
0x67: {  	_ =	shalt  }
0x68: {  	_ =	shalt  }
0x69: {  	_ =	shalt  }
0x6a: {  	_ =	shalt  }
0x6b: {  	_ =	shalt  }
0x6c: {  	_ =	shalt  }
0x6d: {  	_ =	shalt  }
0x6e: {  	_ =	shalt  }
0x6f: {  	_ =	shalt  }
0x70: {  	_ =	shalt  }
0x71: {  	_ =	shalt  }
0x72: {  	_ =	shalt  }
0x73: {  	_ =	shalt  }
0x74: {  	_ =	shalt  }
0x75: {  	_ =	shalt  }
0x76: {  	_ =	shalt  }
0x77: {  	_ =	shalt  }
0x78: {  	_ =	shalt  }
0x79: {  	_ =	shalt  }
0x7a: {  	_ =	shalt  }
0x7b: {  	_ =	shalt  }
0x7c: {  	_ =	shalt  }
0x7d: {  	_ =	shalt  }
0x7e: {  	_ =	shalt  }
0x7f: {  	_ =	shalt  }
0x80: {  	_ =	shalt  }
0x81: {  	_ =	shalt  }
0x82: {  	_ =	shalt  }
0x83: {  	_ =	shalt  }
0x84: {  	_ =	shalt  }
0x85: {  	_ =	shalt  }
0x86: {  	_ =	shalt  }
0x87: {  	_ =	shalt  }
.Lfunc_end0:
.L_simem_size_0:
called_computation.2_lowered:
.L_overlay_start_0:
0x88: {  	s2 =	sld [smem:$0x3FD9]  }
0x89: {  	s3 =	sld [smem:$0x3FFE];
	_ =	sdelay $0x1  }
0x8a: {  	s1 =	srdreg.scid  }
0x8b: {  	s0 =	sand.u32 $0x1, s1  }
0x8c: {  	s16 =	sshll.u32 s0, $0xA;
	s2 =	sadd.s32 s3, s2  }
0x8d: {  	s2 =	sadd.s32 s2, s16  }
0x8e: {  	[smem:$0x3FB7] =	sst s2  }
0x8f: {  	_ = 	snop  }
0x90: {  	(tm) =	ssettm $0x1  }
0x91: {  	s17 =	sld [smem:$0x3FFB];
	_ =	sdelay $0x3  }
0x92: {  	_ =	strace s17  }
0x93: {  	s2 =	sld [smem:$0x3FFC];
	_ =	sdelay $0x3  }
0x94: {  	_ =	strace s2  }
0x95: {  	s2 =	sld [smem:$0x3FFD];
	_ =	sdelay $0x3  }
0x96: {  	_ =	strace s2  }
0x97: {  	_ =	strace $0x8FFFFFFF  }
0x98: {  	s18 =	sld [smem:$0x3FDB];
	_ =	sdelay $0x1  }
0x99: {  	s19 =	simm.s32 $_scs_section_size  }
0x9a: {  	s4 =	simm.s32 $_size__tile_overlayer_lowered;
	s5 =	simm.s32 $_tile_overlayer_lowered  }
0x9b: {  	s22 =	simm.s32 $0x1BFF;
	s21 =	sshll.u32 s5, $0x1;
	s2 =	sadd.s32 s19, s18  }
0x9c: {  	s6 =	simm.s32 $0x0;
	s20 =	sshll.u32 s4, $0x1;
	s4 =	sadd.s32 s21, s2  }
0x9d: {  	[timem:s6], [sflag:s22] =	dma.local [hbm:s4], s20  }
0x9e: {  	_ =	swait.ge [sflag:s22], s20  }
0x9f: {  	s3 =	ssub.s32 $0x0, s20;
	[sflag:s22] =	ssyncset.done $0x0  }
0xa0: {  	[sflag:s22] =	ssyncadd.s32 s3;
	_ =	sdelay $0x1  }
0xa1: {  	s23 =	simm.s32 $0x1B8B  }
0xa2: {  	_ =	swait.ge [sflag:s23], $0x1  }
0xa3: {  	[sflag:s23] =	ssyncset.done $0x0  }
0xa4: {  	s25 =	simm.s32 $0x1B8E;
	s24 =	sld [smem:$0x3FFE];
	[sflag:s23] =	ssyncadd.s32 $0xFFFFFFFF  }
0xa5: {  	s26 =	simm.s32 $execute0_lowered;
	[smem:$0x3FD2] =	sst s25  }
0xa6: {  	s4 =	sshll.u32 s26, $0x1;
	_ =	strace $0x8000004C;
	[dreg:$0x1] =	wrdreg $0xFFFFFFFF  }
0xa7: {  	s28 =	simm.s32 $_size_execute0_lowered;
	s2 =	sadd.s32 s2, s4;
	[dreg:$0x0] =	wrdreg $0x0  }
0xa8: {  	s4 =	sshll.u32 s28, $0x1;
	[dreg:$0x2] =	wrdreg s2  }
0xa9: {  	[dreg:$0x3] =	wrdreg s4  }
0xaa: {  	[dreg:$0x4] =	wrdreg $0xC0  }
0xab: {  	_ =	task [dreg:s6], $0x5FFFF  }
0xac: {  	[dreg:$0x1] =	wrdreg $0xFFFFFFFF  }
0xad: {  	[dreg:$0x0] =	wrdreg $0x60  }
0xae: {  	[dreg:$0x2] =	wrdreg s24  }
0xaf: {  	[dreg:$0x3] =	wrdreg $0xA1000  }
0xb0: {  	[dreg:$0x4] =	wrdreg $0x9  }
0xb1: {  	_ =	task.clear_ibuf [dreg:s6], $0x5FFFF;
	_ =	strace $0x9000004C  }
0xb2: {  	s29 =	simm.s32 $0x9;
	_ =	strace $0x8000004E  }
0xb3: {  	_ =	swait.ge [sflag:s29], $0x1  }
0xb4: {  	[sflag:s29] =	ssyncadd.s32 $0xFFFFFFFF  }
0xb5: {  	_ =	strace $0x9000004E  }
0xb6: {  	_ =	sfence  }
0xb7: {  	s30 =	sld [smem:$0x0];
	_ =	sdelay $0x2  }
0xb8: {  	s31 =	sshll.u32 s1, $0xD;
	s1 =	sshrl.u32 s1, $0x2  }
0xb9: {  	s3 =	sand.u32 $0x4000, s31;
	s1 =	sadd.s32 s1, s30  }
0xba: {  	s0 =	sor.u32 s3, s0;
	s1 =	sshll.u32 s1, $0x11  }
0xbb: {  	s0 =	sor.u32 s1, s0  }
0xbc: {  	s0 =	sadd.s32 $0x8F2B, s0  }
0xbd: {  	[sflag:s0] =	ssyncadd.remote.s32 $0x1  }
0xbe: {  	_ =	sfence.sel $0xFFFF  }
0xbf: {  	[dreg:$0x0] =	wrdreg $0xFFFFFFFF;
	(pc) =	sbr.abs _section_cstart, $3  }
0xc0: {  	[dreg:$0x1] =	wrdreg $0xFFFFFFFF  }
0xc1: {  	_ =	task.clear_ibuf [dreg:s6], $0x2FFFF;
	_ =	strace $0x9FFFFFFF  }
0xc2: {  	(tm) =	ssettm $0x7FFFFFFF  }
0xc3: {  	_ =	shalt  }
tec
execute0_lowered:
.L_overlay_start_1:
0x0: {  	(tag) =	ssettag $0x1  }
0x1: {  	s0 =	rddreg [dreg:$0x0]  }
0x2: {  	s1 =	srdreg.scid;
	s14 =	stileid.u32  }
0x3: {  	s2 =	rddreg [dreg:$0x1];
	s3 =	simm.s32 $0x0;
	s16 =	simm.s32 $0xA  }
0x4: {  	s28 =	simm.s32 $0x7900;
	s29 =	simm.s32 $0x4;
	s30 =	simm.s32 $0x1  }
0x5: {  	s31 =	simm.s32 $0x7;
	s1 =	sand.u32 $0x1, s1;
	s7 =	smul.u32 $0x4E000, s14  }
0x6: {  	s4 =	sshll.u32 s14, $0x1;
	[smem:$0x7FF] =	sst s3;
	s11 =	smul.u32 $0x13800, s14  }
0x7: {  	s12 =	sadd.s32 $0x44C00, s0;
	p0 =	sne.s32 s14, $0xF;
	s26 =	sshll.u32 s14, $0x6  }
0x8: {  	s6 =	sor.u32 s1, s4;
	_ =	strace $0x8000004D;
	s4 =	sadd.s32 $0x1DA00, s0  }
0x9: {  	s9 =	ssub.s32 $0x2, s1;
	s1 =	smul.u32 $0x138800, s1;
	s17 =	sor.u32 $0x1C0A, s26  }
0xa: {  	s26 =	simm.s32 $0x8;
	s5 =	smul.u32 $0x4E2, s6;
	s10 =	sshrl.u32 s9, $0x1  }
0xb: {  	s7 =	sshrl.u32 s7, $0x2;
	s18 =	sshrl.u32 s11, $0x3;
	s20 =	sshll.u32 s6, $0xB  }
0xc: {  	s13 =	ssub.s32 s9, s10;
	s7 =	sadd.s32 s7, s2;
	s19 =	sadd.s32 s4, s18  }
0xd: {  	s9 =	sshll.u32 s6, $0xE;
	s22 =	sadd.s32 s11, s1;
	s1 =	sshrl.u32 s1, $0x3  }
0xe: {  	s6 =	simm.s32 $0x6;
	s11 =	simm.s32 $0x0;
	s8 =	sadd.s32 s5, s0  }
0xf: {  	s5 =	sadd.s32 $0xDA00, s0;
	[dreg:$0x4] =	wrdreg s19;
	s0 =	sadd.s32 $0x44A00, s0  }
0x10: {  	s1 =	sadd.s32 s12, s1;
	s25 =	smax.u32 s13, $0x1;
	s18 =	sshrl.u32 s7, $0x3  }
0x11: {  	s7 =	simm.s32 $0x3;
	s8 =	sadd.s32 $0x3C00, s8;
	[dreg:$0x5] =	wrdreg s0  }
0x12: {  	s10 =	sadd.s32 s5, s20;
	s0 =	sshrl.u32 s22, $0x3;
	s24 =	sadd.s32 $0x27000, s1  }
0x13: {  	[dreg:$0xa] =	wrdreg s25;
	s20 =	simm.s32 $0x2780;
	s22 =	simm.s32 $0x2900  }
0x14: {  	s25 =	simm.s32 $0x2880;
	s1 =	simm.s32 $0x5;
	[dreg:$0x3] =	wrdreg s8  }
.Ltmp0:
0x15: {  	s21 =	sadd.s32 $0x10, s10;
	[dreg:$0x9] =	wrdreg s24;
	(pc) =	sbr.rel .LBB2_1-.Ltmp0, $4  }
0x16: {  	s8 =	sadd.s32 $0x138000, s2;
	s23 =	sadd.s32 $0x20, s10;
	[dreg:$0x6] =	wrdreg s21  }
0x17: {  	s0 =	sadd.s32 s12, s0;
	s24 =	simm.s32 $0x5100;
	[dreg:$0x7] =	wrdreg s23  }
0x18: {  	[dreg:$0x8] =	wrdreg s0;
	s19 =	sshrl.u32 @!p0 s8, $0x3;
	s21 =	simm.s32 $0x50  }
0x19: {  	s23 =	simm.s32 $0x2800;
	s0 =	simm.s32 $0x2;
	s8 =	simm.s32 $0x9  }
.LBB2_4:
0x1a: {  	_ =	swait.ge [sflag:s29], $0x80  }
0x1b: {  	[sflag:s29] =	ssyncset.done $0x0  }
0x1c: {  	[sflag:s29] =	ssyncadd.s32 $0xFFFFFF80  }
0x1d: {  	_ =	swait.ge [sflag:s30], $0x2800  }
0x1e: {  	[sflag:s30] =	ssyncset.done $0x0  }
0x1f: {  	[sflag:s30] =	ssyncadd.s32 $0xFFFFD800  }
0x20: {  	[spmem:s2] =	stream.indirect.scatter.add.f32 [tilespmem:s22], [sflag:$0x7], $0x80, s20, s21, $0xb8;
	[tilespmem:$0x1D980] =	vst v63  }
0x21: {  	_ =	swait.ge [sflag:s31], $0x2800  }
0x22: {  	[sflag:s31] =	ssyncset.done $0x0  }
0x23: {  	[sflag:s31] =	ssyncadd.s32 $0xFFFFD800  }
0x24: {  	_ =	swait.ge [sflag:s1], $0x80  }
0x25: {  	[sflag:s1] =	ssyncset.done $0x0  }
0x26: {  	[sflag:s1] =	ssyncadd.s32 $0xFFFFFF80  }
0x27: {  	_ =	swait.ge [sflag:s0], $0x2800  }
0x28: {  	[sflag:s0] =	ssyncset.done $0x0  }
0x29: {  	[sflag:s0] =	ssyncadd.s32 $0xFFFFD800  }
0x2a: {  	[spmem:s2] =	stream.indirect.scatter.add.f32 [tilespmem:s24], [sflag:$0x8], $0x80, s23, s21, $0xb8;
	[tilespmem:$0x1D980] =	vst v63  }
0x2b: {  	_ =	swait.ge [sflag:s26], $0x2800  }
0x2c: {  	[sflag:s26] =	ssyncset.done $0x0  }
0x2d: {  	[sflag:s26] =	ssyncadd.s32 $0xFFFFD800  }
0x2e: {  	[bflag:$0x0] =	sbarrier.arrive $0xFFFF  }
0x2f: {  	s12 =	rddreg [dreg:$0x8]  }
0x30: {  	[hbm:s12], [sflag:s17] =	dma.local [spmem:s18], $0x2700  }
0x31: {  	_ =	swait.ge [sflag:s16], $0x2700  }
0x32: {  	[sflag:s16] =	ssyncset.done $0x0  }
0x33: {  	s12 =	rddreg [dreg:$0x9];
	[sflag:s16] =	ssyncadd.s32 $0xFFFFD900  }
0x34: {  	[hbm:s12], [sflag:s17] =	dma.local @!p0 [spmem:s19], $0x100  }
0x35: {  	s12 =	simm.s32 @!p0 $0xA  }
0x36: {  	_ =	swait.ge @!p0 [sflag:s12], $0x100  }
0x37: {  	s11 =	sadd.s32 $0x1, s11;
	s13 =	rddreg [dreg:$0xa]  }
0x38: {  	p1 =	sne.s32 s11, s13  }
.Ltmp1:
0x39: {  	_ = 	snop;
	(pc) =	sbr.rel @!p1 .LBB2_5-.Ltmp1, $3  }
0x3a: {  	_ =	sdelay $0x1  }
0x3b: {  	[sflag:s12] =	ssyncset.done @!p0 $0x0  }
0x3c: {  	[sflag:s12] =	ssyncadd.s32 @!p0 $0xFFFFFF00  }
.LBB2_1:
0x3d: {  	s12 =	rddreg [dreg:$0x3]  }
0x3e: {  	[tilespmem:s3], [sflag:$0xA] =	stream.linear.gather [hbm4b:s12+s3], $0x2710, $0x38;
	[tilespmem:$0x1D980] =	vst v63  }
0x3f: {  	_ =	swait.ge [sflag:s16], $0x2710  }
0x40: {  	[sflag:s16] =	ssyncset.done $0x0  }
0x41: {  	s15 =	rddreg [dreg:$0x4];
	[sflag:s16] =	ssyncadd.s32 $0xFFFFD8F0  }
0x42: {  	[spmem:s18], [sflag:s17] =	dma.local [hbm:s15], $0x2700  }
0x43: {  	_ =	swait.ge [sflag:s16], $0x2700  }
0x44: {  	[sflag:s16] =	ssyncset.done $0x0  }
0x45: {  	s12 =	rddreg [dreg:$0x5];
	[sflag:s16] =	ssyncadd.s32 $0xFFFFD900  }
0x46: {  	[spmem:s19], [sflag:s17] =	dma.local @!p0 [hbm:s12], $0x100  }
0x47: {  	s12 =	simm.s32 @!p0 $0xA  }
0x48: {  	_ =	swait.ge @!p0 [sflag:s12], $0x100  }
0x49: {  	[sflag:s12] =	ssyncset.done @!p0 $0x0  }
0x4a: {  	[sflag:s12] =	ssyncadd.s32 @!p0 $0xFFFFFF00  }
0x4b: {  	[bflag:$0x0] =	sbarrier.arrive $0xFFFF  }
0x4c: {  	[tilespmem:s20], [sflag:$0x4] =	stream.linear.gather [hbm4b:s10+s3], $0x80, $0x38;
	[tilespmem:$0x1D980] =	vst v63  }
0x4d: {  	_ = 	snop  }
0x4e: {  	[tilespmem:s22], [sflag:$0x1] =	stream.indirect.gather [hbm4b:s4+s21], $0x80, s3, s21, $0xb8;
	[tilespmem:$0x1D980] =	vst v63  }
0x4f: {  	s13 =	rddreg [dreg:$0x6]  }
0x50: {  	[tilespmem:s23], [sflag:$0x5] =	stream.linear.gather [hbm4b:s13+s3], $0x80, $0x38;
	[tilespmem:$0x1D980] =	vst v63  }
0x51: {  	_ = 	snop  }
0x52: {  	[tilespmem:s24], [sflag:$0x2] =	stream.indirect.gather [hbm4b:s4+s21], $0x80, s21, s21, $0xb8;
	[tilespmem:$0x1D980] =	vst v63  }
0x53: {  	s14 =	rddreg [dreg:$0x7]  }
0x54: {  	[tilespmem:s25], [sflag:$0x6] =	stream.linear.gather [hbm4b:s14+s3], $0x80, $0x38;
	[tilespmem:$0x1D980] =	vst v63  }
0x55: {  	s15 =	simm.s32 $0xA0;
	s12 =	simm.s32 $0x280;
	s13 =	simm.s32 $0x190  }
0x56: {  	[tilespmem:s28], [sflag:$0x3] =	stream.indirect.gather [hbm4b:s4+s21], $0x80, s15, s21, $0xb8;
	[tilespmem:$0x1D980] =	vst v63  }
.LBB2_2:
0x57: {  	_ =	swait.ge [sflag:s29], $0x80  }
0x58: {  	[sflag:s29] =	ssyncset.done $0x0  }
0x59: {  	[sflag:s29] =	ssyncadd.s32 $0xFFFFFF80  }
0x5a: {  	s14 =	sadd.s32 $0xFFFFFF00, s12;
	_ =	swait.ge [sflag:s30], $0x2800  }
0x5b: {  	s15 =	sand.u32 $0xFC00, s14;
	[sflag:s30] =	ssyncset.done $0x0  }
0x5c: {  	s14 =	sand.u32 $0x380, s14;
	s15 =	sadd.s32 s9, s15;
	[sflag:s30] =	ssyncadd.s32 $0xFFFFD800  }
0x5d: {  	[spmem:s2] =	stream.indirect.scatter.add.f32 [tilespmem:s22], [sflag:$0x7], $0x80, s20, s21, $0xb8;
	[tilespmem:$0x1D980] =	vst v63  }
0x5e: {  	s14 =	sor.u32 s14, s15;
	_ =	swait.ge [sflag:s31], $0x2800  }
0x5f: {  	s14 =	sshrl.u32 s14, $0x3;
	[sflag:s31] =	ssyncset.done $0x0  }
0x60: {  	s14 =	sadd.s32 s5, s14;
	[sflag:s31] =	ssyncadd.s32 $0xFFFFD800  }
0x61: {  	[tilespmem:s20], [sflag:$0x4] =	stream.linear.gather [hbm4b:s14+s3], $0x80, $0x38;
	[tilespmem:$0x1D980] =	vst v63  }
0x62: {  	s15 =	sadd.s32 $0xFFFFFF60, s13  }
0x63: {  	[tilespmem:s22], [sflag:$0x1] =	stream.indirect.gather [hbm4b:s4+s21], $0x80, s15, s21, $0xb8;
	[tilespmem:$0x1D980] =	vst v63  }
0x64: {  	_ =	swait.ge [sflag:s1], $0x80  }
0x65: {  	[sflag:s1] =	ssyncset.done $0x0  }
0x66: {  	[sflag:s1] =	ssyncadd.s32 $0xFFFFFF80  }
0x67: {  	s14 =	sadd.s32 $0xFFFFFF80, s12;
	_ =	swait.ge [sflag:s0], $0x2800  }
0x68: {  	s15 =	sand.u32 $0xFC00, s14;
	[sflag:s0] =	ssyncset.done $0x0  }
0x69: {  	s14 =	sand.u32 $0x380, s14;
	s15 =	sadd.s32 s9, s15;
	[sflag:s0] =	ssyncadd.s32 $0xFFFFD800  }
0x6a: {  	[spmem:s2] =	stream.indirect.scatter.add.f32 [tilespmem:s24], [sflag:$0x8], $0x80, s23, s21, $0xb8;
	[tilespmem:$0x1D980] =	vst v63  }
0x6b: {  	s14 =	sor.u32 s14, s15;
	_ =	swait.ge [sflag:s26], $0x2800  }
0x6c: {  	s14 =	sshrl.u32 s14, $0x3;
	[sflag:s26] =	ssyncset.done $0x0  }
0x6d: {  	s14 =	sadd.s32 s5, s14;
	[sflag:s26] =	ssyncadd.s32 $0xFFFFD800  }
0x6e: {  	[tilespmem:s23], [sflag:$0x5] =	stream.linear.gather [hbm4b:s14+s3], $0x80, $0x38;
	[tilespmem:$0x1D980] =	vst v63  }
0x6f: {  	s15 =	sadd.s32 $0xFFFFFFB0, s13  }
0x70: {  	[tilespmem:s24], [sflag:$0x2] =	stream.indirect.gather [hbm4b:s4+s21], $0x80, s15, s21, $0xb8;
	[tilespmem:$0x1D980] =	vst v63  }
0x71: {  	_ =	swait.ge [sflag:s6], $0x80  }
0x72: {  	[sflag:s6] =	ssyncset.done $0x0  }
0x73: {  	[sflag:s6] =	ssyncadd.s32 $0xFFFFFF80  }
0x74: {  	_ =	swait.ge [sflag:s7], $0x2800  }
0x75: {  	p1 =	seq.s32 s12, $0x3E80;
	[sflag:s7] =	ssyncset.done $0x0  }
.Ltmp2:
0x76: {  	[sflag:s7] =	ssyncadd.s32 $0xFFFFD800;
	(pc) =	sbr.rel @p1 .LBB2_4-.Ltmp2, $4  }
0x77: {  	[spmem:s2] =	stream.indirect.scatter.add.f32 [tilespmem:s28], [sflag:$0x9], $0x80, s25, s21, $0xb8;
	[tilespmem:$0x1D980] =	vst v63  }
0x78: {  	_ =	swait.ge [sflag:s8], $0x2800  }
0x79: {  	[sflag:s8] =	ssyncset.done $0x0  }
0x7a: {  	[sflag:s8] =	ssyncadd.s32 $0xFFFFD800  }
0x7b: {  	s14 =	sand.u32 $0xFC00, s12  }
0x7c: {  	s15 =	sand.u32 $0x380, s12;
	s14 =	sadd.s32 s9, s14  }
0x7d: {  	s14 =	sor.u32 s15, s14  }
0x7e: {  	s14 =	sshrl.u32 s14, $0x3  }
.Ltmp3:
0x7f: {  	s14 =	sadd.s32 s5, s14;
	(pc) =	sbr.rel .LBB2_2-.Ltmp3, $4  }
0x80: {  	[tilespmem:s25], [sflag:$0x6] =	stream.linear.gather [hbm4b:s14+s3], $0x80, $0x38;
	[tilespmem:$0x1D980] =	vst v63  }
0x81: {  	_ = 	snop  }
0x82: {  	[tilespmem:s28], [sflag:$0x3] =	stream.indirect.gather [hbm4b:s4+s21], $0x80, s13, s21, $0xb8;
	[tilespmem:$0x1D980] =	vst v63  }
0x83: {  	s12 =	sadd.s32 $0x180, s12;
	s13 =	sadd.s32 $0xF0, s13  }
.LBB2_5:
0x84: {  	_ =	sfence.sel $0x180000  }
0x85: {  	[bflag:$0x0] =	sbarrier.arrive $0xFFFF  }
0x86: {  	_ =	strace $0x9000004D  }
0x87: {  	s0 =	stileid.u32;
	[bflag:$0x2] =	sbarrier.arrive $0xFFFF  }
0x88: {  	p0 =	sne.s32 s0, $0x0;
	s0 =	rddreg [dreg:$0x2]  }
0x89: {  	s0 =	sadd.s32 @!p0 $0x100000, s0  }
0x8a: {  	[sflag:s0] =	ssyncadd.tile.s32 @!p0 $0x1;
	_ =	shalt  }
.Lfunc_end2:
_tile_overlayer_lowered:
.L_overlay_start_2:
0x8b: {  	(tag) =	ssettag $0x2  }
0x8c: {  	s0 =	rddreg [dreg:$0x0];
	s2 =	stileid.u32  }
0x8d: {  	s1 =	rddreg [dreg:$0x1];
	p0 =	sne.s32 s2, $0x0  }
0x8e: {  	s3 =	rddreg [dreg:$0x2];
	[bflag:$0x3] =	sbarrier.arrive $0xFFFF;
	s2 =	simm.s32 @!p0 $0x1C0A  }
0x8f: {  	[timem:s3], [sflag:s2] =	dma.local @!p0 [hbm:s0], s1  }
0x90: {  	s0 =	simm.s32 @!p0 $0xA  }
0x91: {  	_ =	swait.ge @!p0 [sflag:s0], s1  }
0x92: {  	s1 =	ssub.s32 @!p0 $0x0, s1;
	[sflag:s0] =	ssyncset.done @!p0 $0x0  }
0x93: {  	[sflag:s0] =	ssyncadd.s32 @!p0 s1  }
0x94: {  	[bflag:$0x3] =	sbarrier.arrive $0xFFFF  }
0x95: {  	_ =	shalt  }

// kernel: kernel.21.cloned.1.call-start
scs
__scs_entry_jumppad:
0x0: {  	(pc) =	sbr.rel $0x88, $3  }
0x1: {  	(tag) =	ssettag $0x0;
	lr =	simm.s32 $0x1  }
0x2: {  	[smem:$0x3F90] =	sst lr;
	_ =	strace $0xD0000000  }
0x3: {  	_ = 	snop  }
0x4: {  	_ = 	snop  }
0x5: {  	_ = 	snop  }
0x6: {  	_ = 	snop  }
0x7: {  	_ = 	snop  }
__scs_overlays_trampoline_lowered:
0x8: {  	[smem:$0x3F9F] =	sst s0  }
0x9: {  	[smem:$0x3FA0] =	sst s1  }
0xa: {  	[smem:$0x3FA1] =	sst s2  }
0xb: {  	[smem:$0x3FA2] =	sst s3  }
0xc: {  	[smem:$0x3FA3] =	sst s4  }
0xd: {  	[smem:$0x3FA4] =	sst s5  }
0xe: {  	[smem:$0x3FA5] =	sst s6  }
0xf: {  	[smem:$0x3FA6] =	sst s7  }
0x10: {  	[smem:$0x3FA7] =	sst s8  }
0x11: {  	[smem:$0x3FA8] =	sst s9;
	s0 =	simm.s32 @!p0 $0x0  }
0x12: {  	s1 =	sld [smem:$0x3F8E];
	s0 =	simm.s32 @p0 $0x1  }
0x13: {  	[smem:$0x3FA9] =	sst s0;
	s0 =	simm.s32 @!p1 $0x0  }
0x14: {  	s2 =	sld [smem:$0x3F8D];
	s0 =	simm.s32 @p1 $0x1  }
0x15: {  	[smem:$0x3FAA] =	sst s0;
	s0 =	simm.s32 @!p2 $0x0  }
0x16: {  	s3 =	sld [smem:$0x3FDB];
	s0 =	simm.s32 @p2 $0x1  }
0x17: {  	s4 =	simm.s32 $0x1BF5;
	[smem:$0x3FAC] =	sst s0  }
0x18: {  	s0 =	sld [smem:$0x3F8F];
	_ =	swait.ge [sflag:s4], $0x0  }
0x19: {  	s7 =	sld [smem:$0x3F90]  }
0x1a: {  	s8 =	sadd.s32 $0xFFFFE003, lr  }
0x1b: {  	s9 =	sadd.s32 $0xFFFFFEF7, lr;
	s5 =	simm.s32 $0xFFFFFFFF;
	p2 =	slt.u32 s8, $0xFFFFF086  }
0x1c: {  	p1 =	slt.u32 s9, $0xF7A;
	s5 =	simm.s32 @!p2 $0x0  }
0x1d: {  	s5 =	simm.s32 @p1 $0x1;
	p0 =	seq.s32 s7, s2  }
0x1e: {  	s7 =	smul.u32 @!p0 $0xF7A, s2;
	p2 =	seq.s32 @!p0 s5, $0x0  }
0x1f: {  	s9 =	smul.u32 $0xF7A, s1;
	s8 =	simm.s32 @!p0 $0x1BF5;
	p2 =	por !p2, p0  }
0x20: {  	[sflag:s8] =	ssyncset.s32 @!p0 $0xFFFFF086;
	s6 =	sadd.s32 @!p0 s3, s7;
	s7 =	simm.s32 @!p0 $0x108  }
0x21: {  	s3 =	sadd.s32 s3, s9;
	s6 =	sadd.s32 @!p0 $0x88, s6;
	s7 =	simm.s32 @p2 $0x1082  }
0x22: {  	[simem:s7], [sflag:s8] =	dma.local @!p0 [hbm:s6], $0xF7A  }
0x23: {  	s9 =	sor.u32 $0xD0000000, s2;
	s6 =	simm.s32 $0x108;
	_ =	swait.ge @!p0 [sflag:s8], $0x0  }
0x24: {  	s3 =	sadd.s32 $0x88, s3;
	s6 =	simm.s32 @!p1 $0x1082;
	[sflag:s4] =	ssyncset.s32 $0xFFFFF086  }
0x25: {  	[simem:s6], [sflag:s4] =	dma.local [hbm:s3], $0xF7A  }
0x26: {  	[smem:$0x3F90] =	sst s1;
	(tag) =	ssettag s2;
	_ =	strace s9  }
0x27: {  	s1 =	sld [smem:$0x3FA0]  }
0x28: {  	s2 =	sld [smem:$0x3FA1]  }
0x29: {  	s4 =	sld [smem:$0x3FA3]  }
0x2a: {  	p0 =	seq.s32 s5, $0x0;
	s5 =	sld [smem:$0x3FA4]  }
0x2b: {  	s6 =	sld [smem:$0x3FA5]  }
0x2c: {  	s7 =	sld [smem:$0x3FA6]  }
0x2d: {  	s3 =	simm.s32 $0x108;
	s8 =	sld [smem:$0x3FA7]  }
0x2e: {  	s3 =	simm.s32 @!p0 $0x1082;
	s9 =	sld [smem:$0x3FA8]  }
0x2f: {  	lr =	sadd.s32 s0, s3;
	s0 =	sld [smem:$0x3F9F]  }
0x30: {  	s3 =	sld [smem:$0x3FA2]  }
0x31: {  	[smem:$0x3FAB] =	sst s10  }
0x32: {  	s10 =	sld [smem:$0x3FA9];
	_ =	sdelay $0x3  }
0x33: {  	p0 =	seq.s32 s10, $0x1;
	s10 =	sld [smem:$0x3FAB];
	_ =	sdelay $0x3  }
0x34: {  	[smem:$0x3FAB] =	sst s10  }
0x35: {  	s10 =	sld [smem:$0x3FAA];
	_ =	sdelay $0x3  }
0x36: {  	p1 =	seq.s32 s10, $0x1;
	s10 =	sld [smem:$0x3FAB];
	_ =	sdelay $0x3  }
0x37: {  	[smem:$0x3FAB] =	sst s10  }
0x38: {  	s10 =	sld [smem:$0x3FAC]  }
0x39: {  	_ = 	snop;
	(pc) =	sbr.ind lr, $3  }
0x3a: {  	_ = 	snop  }
0x3b: {  	_ = 	snop  }
0x3c: {  	p2 =	seq.s32 s10, $0x1;
	s10 =	sld [smem:$0x3FAB]  }
0x3d: {  	_ =	shalt  }
0x3e: {  	_ =	shalt  }
0x3f: {  	_ =	shalt  }
0x40: {  	_ =	shalt  }
0x41: {  	_ =	shalt  }
0x42: {  	_ =	shalt  }
0x43: {  	_ =	shalt  }
0x44: {  	_ =	shalt  }
0x45: {  	_ =	shalt  }
0x46: {  	_ =	shalt  }
0x47: {  	_ =	shalt  }
0x48: {  	_ =	shalt  }
0x49: {  	_ =	shalt  }
0x4a: {  	_ =	shalt  }
0x4b: {  	_ =	shalt  }
0x4c: {  	_ =	shalt  }
0x4d: {  	_ =	shalt  }
0x4e: {  	_ =	shalt  }
0x4f: {  	_ =	shalt  }
0x50: {  	_ =	shalt  }
0x51: {  	_ =	shalt  }
0x52: {  	_ =	shalt  }
0x53: {  	_ =	shalt  }
0x54: {  	_ =	shalt  }
0x55: {  	_ =	shalt  }
0x56: {  	_ =	shalt  }
0x57: {  	_ =	shalt  }
0x58: {  	_ =	shalt  }
0x59: {  	_ =	shalt  }
0x5a: {  	_ =	shalt  }
0x5b: {  	_ =	shalt  }
0x5c: {  	_ =	shalt  }
0x5d: {  	_ =	shalt  }
0x5e: {  	_ =	shalt  }
0x5f: {  	_ =	shalt  }
0x60: {  	_ =	shalt  }
0x61: {  	_ =	shalt  }
0x62: {  	_ =	shalt  }
0x63: {  	_ =	shalt  }
0x64: {  	_ =	shalt  }
0x65: {  	_ =	shalt  }
0x66: {  	_ =	shalt  }
0x67: {  	_ =	shalt  }
0x68: {  	_ =	shalt  }
0x69: {  	_ =	shalt  }
0x6a: {  	_ =	shalt  }
0x6b: {  	_ =	shalt  }
0x6c: {  	_ =	shalt  }
0x6d: {  	_ =	shalt  }
0x6e: {  	_ =	shalt  }
0x6f: {  	_ =	shalt  }
0x70: {  	_ =	shalt  }
0x71: {  	_ =	shalt  }
0x72: {  	_ =	shalt  }
0x73: {  	_ =	shalt  }
0x74: {  	_ =	shalt  }
0x75: {  	_ =	shalt  }
0x76: {  	_ =	shalt  }
0x77: {  	_ =	shalt  }
0x78: {  	_ =	shalt  }
0x79: {  	_ =	shalt  }
0x7a: {  	_ =	shalt  }
0x7b: {  	_ =	shalt  }
0x7c: {  	_ =	shalt  }
0x7d: {  	_ =	shalt  }
0x7e: {  	_ =	shalt  }
0x7f: {  	_ =	shalt  }
0x80: {  	_ =	shalt  }
0x81: {  	_ =	shalt  }
0x82: {  	_ =	shalt  }
0x83: {  	_ =	shalt  }
0x84: {  	_ =	shalt  }
0x85: {  	_ =	shalt  }
0x86: {  	_ =	shalt  }
0x87: {  	_ =	shalt  }
.Lfunc_end0:
.L_simem_size_0:
called_computation.3_lowered:
.L_overlay_start_0:
0x88: {  	s2 =	sld [smem:$0x3FD9]  }
0x89: {  	s3 =	sld [smem:$0x3FFE];
	_ =	sdelay $0x1  }
0x8a: {  	s1 =	srdreg.scid  }
0x8b: {  	s0 =	sand.u32 $0x1, s1  }
0x8c: {  	s16 =	sshll.u32 s0, $0xA;
	s2 =	sadd.s32 s3, s2  }
0x8d: {  	s2 =	sadd.s32 s2, s16  }
0x8e: {  	[smem:$0x3FB7] =	sst s2  }
0x8f: {  	_ = 	snop  }
0x90: {  	(tm) =	ssettm $0x1  }
0x91: {  	s17 =	sld [smem:$0x3FFB];
	_ =	sdelay $0x3  }
0x92: {  	_ =	strace s17  }
0x93: {  	s2 =	sld [smem:$0x3FFC];
	_ =	sdelay $0x3  }
0x94: {  	_ =	strace s2  }
0x95: {  	s2 =	sld [smem:$0x3FFD];
	_ =	sdelay $0x3  }
0x96: {  	_ =	strace s2  }
0x97: {  	_ =	strace $0x8FFFFFFF  }
0x98: {  	s18 =	sld [smem:$0x3FDB];
	_ =	sdelay $0x1  }
0x99: {  	s19 =	simm.s32 $_scs_section_size  }
0x9a: {  	s4 =	simm.s32 $_size__tile_overlayer_lowered;
	s5 =	simm.s32 $_tile_overlayer_lowered  }
0x9b: {  	s22 =	simm.s32 $0x1BFF;
	s21 =	sshll.u32 s5, $0x1;
	s2 =	sadd.s32 s19, s18  }
0x9c: {  	s6 =	simm.s32 $0x0;
	s20 =	sshll.u32 s4, $0x1;
	s4 =	sadd.s32 s21, s2  }
0x9d: {  	[timem:s6], [sflag:s22] =	dma.local [hbm:s4], s20  }
0x9e: {  	_ =	swait.ge [sflag:s22], s20  }
0x9f: {  	s3 =	ssub.s32 $0x0, s20;
	[sflag:s22] =	ssyncset.done $0x0  }
0xa0: {  	[sflag:s22] =	ssyncadd.s32 s3;
	_ =	sdelay $0x1  }
0xa1: {  	s23 =	simm.s32 $0x1B8B  }
0xa2: {  	_ =	swait.ge [sflag:s23], $0x1  }
0xa3: {  	[sflag:s23] =	ssyncset.done $0x0  }
0xa4: {  	s25 =	simm.s32 $0x1B8E;
	s24 =	sld [smem:$0x3FFE];
	[sflag:s23] =	ssyncadd.s32 $0xFFFFFFFF  }
0xa5: {  	s26 =	simm.s32 $execute0_lowered;
	[smem:$0x3FD2] =	sst s25  }
0xa6: {  	s4 =	sshll.u32 s26, $0x1;
	_ =	strace $0x8000004F;
	[dreg:$0x1] =	wrdreg $0xFFFFFFFF  }
0xa7: {  	s28 =	simm.s32 $_size_execute0_lowered;
	s2 =	sadd.s32 s2, s4;
	[dreg:$0x0] =	wrdreg $0x0  }
0xa8: {  	s4 =	sshll.u32 s28, $0x1;
	[dreg:$0x2] =	wrdreg s2  }
0xa9: {  	[dreg:$0x3] =	wrdreg s4  }
0xaa: {  	[dreg:$0x4] =	wrdreg $0xC0  }
0xab: {  	_ =	task [dreg:s6], $0x5FFFF  }
0xac: {  	[dreg:$0x1] =	wrdreg $0xFFFFFFFF  }
0xad: {  	[dreg:$0x0] =	wrdreg $0x60  }
0xae: {  	[dreg:$0x2] =	wrdreg s24  }
0xaf: {  	[dreg:$0x3] =	wrdreg $0xA1000  }
0xb0: {  	[dreg:$0x4] =	wrdreg $0x9  }
0xb1: {  	_ =	task.clear_ibuf [dreg:s6], $0x5FFFF;
	_ =	strace $0x9000004F  }
0xb2: {  	s29 =	simm.s32 $0x9;
	_ =	strace $0x80000051  }
0xb3: {  	_ =	swait.ge [sflag:s29], $0x1  }
0xb4: {  	[sflag:s29] =	ssyncadd.s32 $0xFFFFFFFF  }
0xb5: {  	_ =	strace $0x90000051  }
0xb6: {  	_ =	sfence  }
0xb7: {  	s30 =	sld [smem:$0x0];
	_ =	sdelay $0x2  }
0xb8: {  	s31 =	sshll.u32 s1, $0xD;
	s1 =	sshrl.u32 s1, $0x2  }
0xb9: {  	s3 =	sand.u32 $0x4000, s31;
	s1 =	sadd.s32 s1, s30  }
0xba: {  	s0 =	sor.u32 s3, s0;
	s1 =	sshll.u32 s1, $0x11  }
0xbb: {  	s0 =	sor.u32 s1, s0  }
0xbc: {  	s0 =	sadd.s32 $0x8F2B, s0  }
0xbd: {  	[sflag:s0] =	ssyncadd.remote.s32 $0x1  }
0xbe: {  	_ =	sfence.sel $0xFFFF  }
0xbf: {  	[dreg:$0x0] =	wrdreg $0xFFFFFFFF;
	(pc) =	sbr.abs _section_cstart, $3  }
0xc0: {  	[dreg:$0x1] =	wrdreg $0xFFFFFFFF  }
0xc1: {  	_ =	task.clear_ibuf [dreg:s6], $0x2FFFF;
	_ =	strace $0x9FFFFFFF  }
0xc2: {  	(tm) =	ssettm $0x7FFFFFFF  }
0xc3: {  	_ =	shalt  }
tec
execute0_lowered:
.L_overlay_start_1:
0x0: {  	(tag) =	ssettag $0x1  }
0x1: {  	s0 =	rddreg [dreg:$0x0]  }
0x2: {  	s1 =	srdreg.scid;
	s14 =	stileid.u32  }
0x3: {  	s2 =	rddreg [dreg:$0x1];
	s3 =	simm.s32 $0x0;
	s16 =	simm.s32 $0xA  }
0x4: {  	s28 =	simm.s32 $0x7900;
	s29 =	simm.s32 $0x4;
	s30 =	simm.s32 $0x1  }
0x5: {  	s31 =	simm.s32 $0x7;
	s1 =	sand.u32 $0x1, s1;
	s7 =	smul.u32 $0x4E000, s14  }
0x6: {  	s4 =	sshll.u32 s14, $0x1;
	[smem:$0x7FF] =	sst s3;
	s11 =	smul.u32 $0x13800, s14  }
0x7: {  	s12 =	sadd.s32 $0x44C00, s0;
	p0 =	sne.s32 s14, $0xF;
	s26 =	sshll.u32 s14, $0x6  }
0x8: {  	s6 =	sor.u32 s1, s4;
	_ =	strace $0x80000050;
	s4 =	sadd.s32 $0x1DA00, s0  }
0x9: {  	s9 =	ssub.s32 $0x2, s1;
	s1 =	smul.u32 $0x138800, s1;
	s17 =	sor.u32 $0x1C0A, s26  }
0xa: {  	s26 =	simm.s32 $0x8;
	s5 =	smul.u32 $0x4E2, s6;
	s10 =	sshrl.u32 s9, $0x1  }
0xb: {  	s7 =	sshrl.u32 s7, $0x2;
	s18 =	sshrl.u32 s11, $0x3;
	s20 =	sshll.u32 s6, $0xB  }
0xc: {  	s13 =	ssub.s32 s9, s10;
	s7 =	sadd.s32 s7, s2;
	s19 =	sadd.s32 s4, s18  }
0xd: {  	s9 =	sshll.u32 s6, $0xE;
	s22 =	sadd.s32 s11, s1;
	s1 =	sshrl.u32 s1, $0x3  }
0xe: {  	s6 =	simm.s32 $0x6;
	s11 =	simm.s32 $0x0;
	s8 =	sadd.s32 s5, s0  }
0xf: {  	s5 =	sadd.s32 $0xDA00, s0;
	[dreg:$0x4] =	wrdreg s19;
	s0 =	sadd.s32 $0x44A00, s0  }
0x10: {  	s1 =	sadd.s32 s12, s1;
	s25 =	smax.u32 s13, $0x1;
	s18 =	sshrl.u32 s7, $0x3  }
0x11: {  	s7 =	simm.s32 $0x3;
	s8 =	sadd.s32 $0x3C00, s8;
	[dreg:$0x5] =	wrdreg s0  }
0x12: {  	s10 =	sadd.s32 s5, s20;
	s0 =	sshrl.u32 s22, $0x3;
	s24 =	sadd.s32 $0x27000, s1  }
0x13: {  	[dreg:$0xa] =	wrdreg s25;
	s20 =	simm.s32 $0x2780;
	s22 =	simm.s32 $0x2900  }
0x14: {  	s25 =	simm.s32 $0x2880;
	s1 =	simm.s32 $0x5;
	[dreg:$0x3] =	wrdreg s8  }
.Ltmp0:
0x15: {  	s21 =	sadd.s32 $0x10, s10;
	[dreg:$0x9] =	wrdreg s24;
	(pc) =	sbr.rel .LBB2_1-.Ltmp0, $4  }
0x16: {  	s8 =	sadd.s32 $0x138000, s2;
	s23 =	sadd.s32 $0x20, s10;
	[dreg:$0x6] =	wrdreg s21  }
0x17: {  	s0 =	sadd.s32 s12, s0;
	s24 =	simm.s32 $0x5100;
	[dreg:$0x7] =	wrdreg s23  }
0x18: {  	[dreg:$0x8] =	wrdreg s0;
	s19 =	sshrl.u32 @!p0 s8, $0x3;
	s21 =	simm.s32 $0x50  }
0x19: {  	s23 =	simm.s32 $0x2800;
	s0 =	simm.s32 $0x2;
	s8 =	simm.s32 $0x9  }
.LBB2_4:
0x1a: {  	_ =	swait.ge [sflag:s29], $0x80  }
0x1b: {  	[sflag:s29] =	ssyncset.done $0x0  }
0x1c: {  	[sflag:s29] =	ssyncadd.s32 $0xFFFFFF80  }
0x1d: {  	_ =	swait.ge [sflag:s30], $0x2800  }
0x1e: {  	[sflag:s30] =	ssyncset.done $0x0  }
0x1f: {  	[sflag:s30] =	ssyncadd.s32 $0xFFFFD800  }
0x20: {  	[spmem:s2] =	stream.indirect.scatter.add.f32 [tilespmem:s22], [sflag:$0x7], $0x80, s20, s21, $0xb8;
	[tilespmem:$0x1D980] =	vst v63  }
0x21: {  	_ =	swait.ge [sflag:s31], $0x2800  }
0x22: {  	[sflag:s31] =	ssyncset.done $0x0  }
0x23: {  	[sflag:s31] =	ssyncadd.s32 $0xFFFFD800  }
0x24: {  	_ =	swait.ge [sflag:s1], $0x80  }
0x25: {  	[sflag:s1] =	ssyncset.done $0x0  }
0x26: {  	[sflag:s1] =	ssyncadd.s32 $0xFFFFFF80  }
0x27: {  	_ =	swait.ge [sflag:s0], $0x2800  }
0x28: {  	[sflag:s0] =	ssyncset.done $0x0  }
0x29: {  	[sflag:s0] =	ssyncadd.s32 $0xFFFFD800  }
0x2a: {  	[spmem:s2] =	stream.indirect.scatter.add.f32 [tilespmem:s24], [sflag:$0x8], $0x80, s23, s21, $0xb8;
	[tilespmem:$0x1D980] =	vst v63  }
0x2b: {  	_ =	swait.ge [sflag:s26], $0x2800  }
0x2c: {  	[sflag:s26] =	ssyncset.done $0x0  }
0x2d: {  	[sflag:s26] =	ssyncadd.s32 $0xFFFFD800  }
0x2e: {  	[bflag:$0x0] =	sbarrier.arrive $0xFFFF  }
0x2f: {  	s12 =	rddreg [dreg:$0x8]  }
0x30: {  	[hbm:s12], [sflag:s17] =	dma.local [spmem:s18], $0x2700  }
0x31: {  	_ =	swait.ge [sflag:s16], $0x2700  }
0x32: {  	[sflag:s16] =	ssyncset.done $0x0  }
0x33: {  	s12 =	rddreg [dreg:$0x9];
	[sflag:s16] =	ssyncadd.s32 $0xFFFFD900  }
0x34: {  	[hbm:s12], [sflag:s17] =	dma.local @!p0 [spmem:s19], $0x100  }
0x35: {  	s12 =	simm.s32 @!p0 $0xA  }
0x36: {  	_ =	swait.ge @!p0 [sflag:s12], $0x100  }
0x37: {  	s11 =	sadd.s32 $0x1, s11;
	s13 =	rddreg [dreg:$0xa]  }
0x38: {  	p1 =	sne.s32 s11, s13  }
.Ltmp1:
0x39: {  	_ = 	snop;
	(pc) =	sbr.rel @!p1 .LBB2_5-.Ltmp1, $3  }
0x3a: {  	_ =	sdelay $0x1  }
0x3b: {  	[sflag:s12] =	ssyncset.done @!p0 $0x0  }
0x3c: {  	[sflag:s12] =	ssyncadd.s32 @!p0 $0xFFFFFF00  }
.LBB2_1:
0x3d: {  	s12 =	rddreg [dreg:$0x3]  }
0x3e: {  	[tilespmem:s3], [sflag:$0xA] =	stream.linear.gather [hbm4b:s12+s3], $0x2710, $0x38;
	[tilespmem:$0x1D980] =	vst v63  }
0x3f: {  	_ =	swait.ge [sflag:s16], $0x2710  }
0x40: {  	[sflag:s16] =	ssyncset.done $0x0  }
0x41: {  	s15 =	rddreg [dreg:$0x4];
	[sflag:s16] =	ssyncadd.s32 $0xFFFFD8F0  }
0x42: {  	[spmem:s18], [sflag:s17] =	dma.local [hbm:s15], $0x2700  }
0x43: {  	_ =	swait.ge [sflag:s16], $0x2700  }
0x44: {  	[sflag:s16] =	ssyncset.done $0x0  }
0x45: {  	s12 =	rddreg [dreg:$0x5];
	[sflag:s16] =	ssyncadd.s32 $0xFFFFD900  }
0x46: {  	[spmem:s19], [sflag:s17] =	dma.local @!p0 [hbm:s12], $0x100  }
0x47: {  	s12 =	simm.s32 @!p0 $0xA  }
0x48: {  	_ =	swait.ge @!p0 [sflag:s12], $0x100  }
0x49: {  	[sflag:s12] =	ssyncset.done @!p0 $0x0  }
0x4a: {  	[sflag:s12] =	ssyncadd.s32 @!p0 $0xFFFFFF00  }
0x4b: {  	[bflag:$0x0] =	sbarrier.arrive $0xFFFF  }
0x4c: {  	[tilespmem:s20], [sflag:$0x4] =	stream.linear.gather [hbm4b:s10+s3], $0x80, $0x38;
	[tilespmem:$0x1D980] =	vst v63  }
0x4d: {  	_ = 	snop  }
0x4e: {  	[tilespmem:s22], [sflag:$0x1] =	stream.indirect.gather [hbm4b:s4+s21], $0x80, s3, s21, $0xb8;
	[tilespmem:$0x1D980] =	vst v63  }
0x4f: {  	s13 =	rddreg [dreg:$0x6]  }
0x50: {  	[tilespmem:s23], [sflag:$0x5] =	stream.linear.gather [hbm4b:s13+s3], $0x80, $0x38;
	[tilespmem:$0x1D980] =	vst v63  }
0x51: {  	_ = 	snop  }
0x52: {  	[tilespmem:s24], [sflag:$0x2] =	stream.indirect.gather [hbm4b:s4+s21], $0x80, s21, s21, $0xb8;
	[tilespmem:$0x1D980] =	vst v63  }
0x53: {  	s14 =	rddreg [dreg:$0x7]  }
0x54: {  	[tilespmem:s25], [sflag:$0x6] =	stream.linear.gather [hbm4b:s14+s3], $0x80, $0x38;
	[tilespmem:$0x1D980] =	vst v63  }
0x55: {  	s15 =	simm.s32 $0xA0;
	s12 =	simm.s32 $0x280;
	s13 =	simm.s32 $0x190  }
0x56: {  	[tilespmem:s28], [sflag:$0x3] =	stream.indirect.gather [hbm4b:s4+s21], $0x80, s15, s21, $0xb8;
	[tilespmem:$0x1D980] =	vst v63  }
.LBB2_2:
0x57: {  	_ =	swait.ge [sflag:s29], $0x80  }
0x58: {  	[sflag:s29] =	ssyncset.done $0x0  }
0x59: {  	[sflag:s29] =	ssyncadd.s32 $0xFFFFFF80  }
0x5a: {  	s14 =	sadd.s32 $0xFFFFFF00, s12;
	_ =	swait.ge [sflag:s30], $0x2800  }
0x5b: {  	s15 =	sand.u32 $0xFC00, s14;
	[sflag:s30] =	ssyncset.done $0x0  }
0x5c: {  	s14 =	sand.u32 $0x380, s14;
	s15 =	sadd.s32 s9, s15;
	[sflag:s30] =	ssyncadd.s32 $0xFFFFD800  }
0x5d: {  	[spmem:s2] =	stream.indirect.scatter.add.f32 [tilespmem:s22], [sflag:$0x7], $0x80, s20, s21, $0xb8;
	[tilespmem:$0x1D980] =	vst v63  }
0x5e: {  	s14 =	sor.u32 s14, s15;
	_ =	swait.ge [sflag:s31], $0x2800  }
0x5f: {  	s14 =	sshrl.u32 s14, $0x3;
	[sflag:s31] =	ssyncset.done $0x0  }
0x60: {  	s14 =	sadd.s32 s5, s14;
	[sflag:s31] =	ssyncadd.s32 $0xFFFFD800  }
0x61: {  	[tilespmem:s20], [sflag:$0x4] =	stream.linear.gather [hbm4b:s14+s3], $0x80, $0x38;
	[tilespmem:$0x1D980] =	vst v63  }
0x62: {  	s15 =	sadd.s32 $0xFFFFFF60, s13  }
0x63: {  	[tilespmem:s22], [sflag:$0x1] =	stream.indirect.gather [hbm4b:s4+s21], $0x80, s15, s21, $0xb8;
	[tilespmem:$0x1D980] =	vst v63  }
0x64: {  	_ =	swait.ge [sflag:s1], $0x80  }
0x65: {  	[sflag:s1] =	ssyncset.done $0x0  }
0x66: {  	[sflag:s1] =	ssyncadd.s32 $0xFFFFFF80  }
0x67: {  	s14 =	sadd.s32 $0xFFFFFF80, s12;
	_ =	swait.ge [sflag:s0], $0x2800  }
0x68: {  	s15 =	sand.u32 $0xFC00, s14;
	[sflag:s0] =	ssyncset.done $0x0  }
0x69: {  	s14 =	sand.u32 $0x380, s14;
	s15 =	sadd.s32 s9, s15;
	[sflag:s0] =	ssyncadd.s32 $0xFFFFD800  }
0x6a: {  	[spmem:s2] =	stream.indirect.scatter.add.f32 [tilespmem:s24], [sflag:$0x8], $0x80, s23, s21, $0xb8;
	[tilespmem:$0x1D980] =	vst v63  }
0x6b: {  	s14 =	sor.u32 s14, s15;
	_ =	swait.ge [sflag:s26], $0x2800  }
0x6c: {  	s14 =	sshrl.u32 s14, $0x3;
	[sflag:s26] =	ssyncset.done $0x0  }
0x6d: {  	s14 =	sadd.s32 s5, s14;
	[sflag:s26] =	ssyncadd.s32 $0xFFFFD800  }
0x6e: {  	[tilespmem:s23], [sflag:$0x5] =	stream.linear.gather [hbm4b:s14+s3], $0x80, $0x38;
	[tilespmem:$0x1D980] =	vst v63  }
0x6f: {  	s15 =	sadd.s32 $0xFFFFFFB0, s13  }
0x70: {  	[tilespmem:s24], [sflag:$0x2] =	stream.indirect.gather [hbm4b:s4+s21], $0x80, s15, s21, $0xb8;
	[tilespmem:$0x1D980] =	vst v63  }
0x71: {  	_ =	swait.ge [sflag:s6], $0x80  }
0x72: {  	[sflag:s6] =	ssyncset.done $0x0  }
0x73: {  	[sflag:s6] =	ssyncadd.s32 $0xFFFFFF80  }
0x74: {  	_ =	swait.ge [sflag:s7], $0x2800  }
0x75: {  	p1 =	seq.s32 s12, $0x3E80;
	[sflag:s7] =	ssyncset.done $0x0  }
.Ltmp2:
0x76: {  	[sflag:s7] =	ssyncadd.s32 $0xFFFFD800;
	(pc) =	sbr.rel @p1 .LBB2_4-.Ltmp2, $4  }
0x77: {  	[spmem:s2] =	stream.indirect.scatter.add.f32 [tilespmem:s28], [sflag:$0x9], $0x80, s25, s21, $0xb8;
	[tilespmem:$0x1D980] =	vst v63  }
0x78: {  	_ =	swait.ge [sflag:s8], $0x2800  }
0x79: {  	[sflag:s8] =	ssyncset.done $0x0  }
0x7a: {  	[sflag:s8] =	ssyncadd.s32 $0xFFFFD800  }
0x7b: {  	s14 =	sand.u32 $0xFC00, s12  }
0x7c: {  	s15 =	sand.u32 $0x380, s12;
	s14 =	sadd.s32 s9, s14  }
0x7d: {  	s14 =	sor.u32 s15, s14  }
0x7e: {  	s14 =	sshrl.u32 s14, $0x3  }
.Ltmp3:
0x7f: {  	s14 =	sadd.s32 s5, s14;
	(pc) =	sbr.rel .LBB2_2-.Ltmp3, $4  }
0x80: {  	[tilespmem:s25], [sflag:$0x6] =	stream.linear.gather [hbm4b:s14+s3], $0x80, $0x38;
	[tilespmem:$0x1D980] =	vst v63  }
0x81: {  	_ = 	snop  }
0x82: {  	[tilespmem:s28], [sflag:$0x3] =	stream.indirect.gather [hbm4b:s4+s21], $0x80, s13, s21, $0xb8;
	[tilespmem:$0x1D980] =	vst v63  }
0x83: {  	s12 =	sadd.s32 $0x180, s12;
	s13 =	sadd.s32 $0xF0, s13  }
.LBB2_5:
0x84: {  	_ =	sfence.sel $0x180000  }
0x85: {  	[bflag:$0x0] =	sbarrier.arrive $0xFFFF  }
0x86: {  	_ =	strace $0x90000050  }
0x87: {  	s0 =	stileid.u32;
	[bflag:$0x2] =	sbarrier.arrive $0xFFFF  }
0x88: {  	p0 =	sne.s32 s0, $0x0;
	s0 =	rddreg [dreg:$0x2]  }
0x89: {  	s0 =	sadd.s32 @!p0 $0x100000, s0  }
0x8a: {  	[sflag:s0] =	ssyncadd.tile.s32 @!p0 $0x1;
	_ =	shalt  }
.Lfunc_end2:
_tile_overlayer_lowered:
.L_overlay_start_2:
0x8b: {  	(tag) =	ssettag $0x2  }
0x8c: {  	s0 =	rddreg [dreg:$0x0];
	s2 =	stileid.u32  }
0x8d: {  	s1 =	rddreg [dreg:$0x1];
	p0 =	sne.s32 s2, $0x0  }
0x8e: {  	s3 =	rddreg [dreg:$0x2];
	[bflag:$0x3] =	sbarrier.arrive $0xFFFF;
	s2 =	simm.s32 @!p0 $0x1C0A  }
0x8f: {  	[timem:s3], [sflag:s2] =	dma.local @!p0 [hbm:s0], s1  }
0x90: {  	s0 =	simm.s32 @!p0 $0xA  }
0x91: {  	_ =	swait.ge @!p0 [sflag:s0], s1  }
0x92: {  	s1 =	ssub.s32 @!p0 $0x0, s1;
	[sflag:s0] =	ssyncset.done @!p0 $0x0  }
0x93: {  	[sflag:s0] =	ssyncadd.s32 @!p0 s1  }
0x94: {  	[bflag:$0x3] =	sbarrier.arrive $0xFFFF  }
0x95: {  	_ =	shalt  }

</sc_bundles>
